<compile_context>
chip_gen: v7x
topology: tpu7x:2x2x1
jax: 0.10.2.dev20260603
libtpu: 0.0.44.dev20260713+nightly
codegen_flags: <defaults>
</compile_context>

<pallas_src>
import functools

import jax
import jax.numpy as jnp
from jax import lax
from jax.experimental import pallas as pl
from jax.experimental.pallas import tpu as pltpu
from jax.experimental.pallas import tpu_sc as plsc

_LANES = 16
_CHUNK_ROWS = 16
_N_IN = 3
_N_OUT = 2
_N_PE = 2


@functools.lru_cache(maxsize=None)
def _make_sc_add(batch: int, seq_len: int, d: int, nc: int, ns: int):
    nw = nc * ns
    assert seq_len % nw == 0
    s_per_w = seq_len // nw
    chunk = min(_CHUNK_ROWS, s_per_w)
    assert s_per_w % chunk == 0
    cpb = s_per_w // chunk
    n_chunks = batch * cpb
    assert d % _LANES == 0
    vec_per_row = d // _LANES
    n_vec = chunk * vec_per_row
    n_in = min(_N_IN, n_chunks)
    n_out = min(_N_OUT, n_chunks)
    n_pe = min(_N_PE, cpb)

    mesh = plsc.VectorSubcoreMesh(
        core_axis_name="c", subcore_axis_name="s",
        num_cores=nc, num_subcores=ns)

    @functools.partial(
        pl.kernel,
        out_type=jax.ShapeDtypeStruct((batch, seq_len, d), jnp.float32),
        mesh=mesh,
        compiler_params=pltpu.CompilerParams(use_tc_tiling_on_sc=True),
        scratch_types=(
            [pltpu.VMEM((chunk, d), jnp.float32) for _ in range(n_pe)]
            + [pltpu.VMEM((chunk, d), jnp.float32) for _ in range(n_in)]
            + [pltpu.VMEM((chunk, d), jnp.float32) for _ in range(n_out)]
            + [pltpu.SemaphoreType.DMA for _ in range(n_pe + n_in + n_out)]
        ),
    )
    def sc_add(x_hbm, pe_hbm, out_hbm, *scratch):
        pv = scratch[:n_pe]
        xv = scratch[n_pe:n_pe + n_in]
        ov = scratch[n_pe + n_in:n_pe + n_in + n_out]
        sems = scratch[n_pe + n_in + n_out:]
        pe_sem = sems[:n_pe]
        in_sem = sems[n_pe:n_pe + n_in]
        out_sem = sems[n_pe + n_in:]

        wid = lax.axis_index("s") * nc + lax.axis_index("c")
        seq_base = wid * s_per_w

        def rows_of(t):
            c = t // batch
            return pl.ds(seq_base + c * chunk, chunk)

        def x_slice(t):
            return (t % batch, rows_of(t))

        in_d = [None] * n_chunks
        out_d = [None] * n_chunks
        pe_d = [None] * cpb

        for c in range(n_pe):
            pe_d[c] = pltpu.async_copy(
                pe_hbm.at[pl.ds(seq_base + c * chunk, chunk), :],
                pv[c % n_pe], pe_sem[c % n_pe])
        for t in range(n_in):
            b, rows = x_slice(t)
            in_d[t] = pltpu.async_copy(
                x_hbm.at[b, rows, :], xv[t % n_in], in_sem[t % n_in])

        for t in range(n_chunks):
            ib = t % n_in
            ob = t % n_out
            c = t // batch
            pb = c % n_pe
            if t % batch == 0:
                pe_d[c].wait()
            in_d[t].wait()
            if t - n_out >= 0:
                out_d[t - n_out].wait()

            @plsc.parallel_loop(0, n_vec, unroll=8)
            def _add(i, _ib=ib, _ob=ob, _pb=pb):
                r = i // vec_per_row
                o = (i % vec_per_row) * _LANES
                ov[_ob][r, pl.ds(o, _LANES)] = (
                    xv[_ib][r, pl.ds(o, _LANES)] + pv[_pb][r, pl.ds(o, _LANES)])

            b, rows = x_slice(t)
            out_d[t] = pltpu.async_copy(
                ov[ob], out_hbm.at[b, rows, :], out_sem[ob])
            if t + n_in < n_chunks:
                b2, rows2 = x_slice(t + n_in)
                in_d[t + n_in] = pltpu.async_copy(
                    x_hbm.at[b2, rows2, :], xv[ib], in_sem[ib])
            if t % batch == batch - 1:
                cn = c + n_pe
                if cn < cpb:
                    pe_d[cn] = pltpu.async_copy(
                        pe_hbm.at[pl.ds(seq_base + cn * chunk, chunk), :],
                        pv[cn % n_pe], pe_sem[cn % n_pe])

        for t in range(max(0, n_chunks - n_out), n_chunks):
            out_d[t].wait()

    return sc_add


def kernel(x, pos_embedding):
    b, s, d = x.shape
    info = plsc.get_sparse_core_info()
    fn = _make_sc_add(b, s, d, info.num_cores, info.num_subcores)
    return fn(x, pos_embedding)

# --- scband reference (transcript-rebuilt; emitter-appended) ---
"""Pipeline reference for scband-learnable-positional-encoding-18270790877805 (READ-ONLY COPY).

The authoritative reference and input builder live on the scoring server;
editing this copy changes nothing except your own understanding.
"""

import jax, jax.numpy as jnp
import numpy as np

D_MODEL = 1024
MAX_LEN = 2048
BATCH = 4
SEQ_LEN = 2048


def _xavier_uniform(key, shape, dtype=jnp.float32):
    fan_in, fan_out = shape[1], shape[0]
    limit = float(np.sqrt(6.0 / (fan_in + fan_out)))
    return jax.random.uniform(key, shape, dtype=dtype, minval=-limit, maxval=limit)


def setup_inputs(seed: int = 0) -> dict:
    key = jax.random.key(seed)
    k_x, k_w = jax.random.split(key)
    x = jax.random.normal(k_x, (BATCH, SEQ_LEN, D_MODEL), dtype=jnp.float32)
    pos_embedding = _xavier_uniform(k_w, (MAX_LEN, D_MODEL))
    return {"x": x, "pos_embedding": pos_embedding}


def reference(x, pos_embedding):
    batch_size, seq_len, _ = x.shape
    # positions=None path: arange over seq_len, broadcast over batch
    positions = jnp.arange(seq_len, dtype=jnp.int32)
    positions = jnp.broadcast_to(positions[None, :], (batch_size, seq_len))
    # embedding lookup (gather over table rows)
    pos_embed = jnp.take(pos_embedding, positions, axis=0)
    # dropout is identity in eval mode
    return x + pos_embed

if __name__ == "__main__":
    import jax
    _d = setup_inputs()
    print(jax.jit(kernel)(*tuple(_d.values())))

</pallas_src>

<mosaic_0001>
#map = affine_map<(d0, d1) -> (0, 0, 0)>
#map1 = affine_map<(d0, d1) -> (0, 0)>
module attributes {stable_mosaic.version = 14 : i64} {
  func.func @sc_add(%arg0: i32, %arg1: i32, %arg2: memref<4x2048x1024xf32, #tpu.memory_space<hbm>>, %arg3: memref<2048x1024xf32, #tpu.memory_space<hbm>>, %arg4: memref<4x2048x1024xf32, #tpu.memory_space<hbm>>, %arg5: memref<16x1024xf32, #tpu.memory_space<vmem>>, %arg6: memref<16x1024xf32, #tpu.memory_space<vmem>>, %arg7: memref<16x1024xf32, #tpu.memory_space<vmem>>, %arg8: memref<16x1024xf32, #tpu.memory_space<vmem>>, %arg9: memref<16x1024xf32, #tpu.memory_space<vmem>>, %arg10: memref<16x1024xf32, #tpu.memory_space<vmem>>, %arg11: memref<16x1024xf32, #tpu.memory_space<vmem>>, %arg12: memref<!tpu.dma_semaphore, #tpu.memory_space<semaphore_mem>>, %arg13: memref<!tpu.dma_semaphore, #tpu.memory_space<semaphore_mem>>, %arg14: memref<!tpu.dma_semaphore, #tpu.memory_space<semaphore_mem>>, %arg15: memref<!tpu.dma_semaphore, #tpu.memory_space<semaphore_mem>>, %arg16: memref<!tpu.dma_semaphore, #tpu.memory_space<semaphore_mem>>, %arg17: memref<!tpu.dma_semaphore, #tpu.memory_space<semaphore_mem>>, %arg18: memref<!tpu.dma_semaphore, #tpu.memory_space<semaphore_mem>>) attributes {dimension_semantics = [#tpu.dimension_semantics<core_parallel>, #tpu.dimension_semantics<subcore_parallel>], iteration_bounds = array<i64: 2, 16>, scalar_prefetch = 0 : i64, scratch_operands = 14 : i64, tpu.core_type = #tpu.core_type<sc_vector_subcore>, window_params = [{transform_indices = #map}, {transform_indices = #map1}, {transform_indices = #map}]} {
    %mul3A = arith.constant 2 : i32
    %mul3A_0 = arith.muli %arg1, %mul3A : i32
    %add3A = arith.addi %mul3A_0, %arg0 : i32
    %mul3A_1 = arith.constant 64 : i32
    %mul3A_2 = arith.muli %add3A, %mul3A_1 : i32
    %add3A_3 = arith.constant 0 : i32
    %add3A_4 = arith.addi %mul3A_2, %add3A_3 : i32
    %dma_start3A = arith.constant 0 : i32
    %dma_start3A_5 = tpu.memref_slice %arg3[%add3A_4, %dma_start3A] : memref<2048x1024xf32, #tpu.memory_space<hbm>> -> memref<16x1024xf32, #tpu.memory_space<hbm>>
    %dma_start3A_6 = arith.constant 0 : i32
    %dma_start3A_7 = tpu.memref_slice %arg3[%add3A_4, %dma_start3A_6] : memref<2048x1024xf32, #tpu.memory_space<hbm>> -> memref<16x1024xf32, #tpu.memory_space<hbm>>
    tpu.enqueue_dma source(%dma_start3A_7 : memref<16x1024xf32, #tpu.memory_space<hbm>>) target(%arg5 : memref<16x1024xf32, #tpu.memory_space<vmem>>) target_semaphore(%arg12 : memref<!tpu.dma_semaphore, #tpu.memory_space<semaphore_mem>>)
    %add3A_8 = arith.constant 16 : i32
    %add3A_9 = arith.addi %mul3A_2, %add3A_8 : i32
    %dma_start3A_10 = arith.constant 0 : i32
    %dma_start3A_11 = tpu.memref_slice %arg3[%add3A_9, %dma_start3A_10] : memref<2048x1024xf32, #tpu.memory_space<hbm>> -> memref<16x1024xf32, #tpu.memory_space<hbm>>
    %dma_start3A_12 = arith.constant 0 : i32
    %dma_start3A_13 = tpu.memref_slice %arg3[%add3A_9, %dma_start3A_12] : memref<2048x1024xf32, #tpu.memory_space<hbm>> -> memref<16x1024xf32, #tpu.memory_space<hbm>>
    tpu.enqueue_dma source(%dma_start3A_13 : memref<16x1024xf32, #tpu.memory_space<hbm>>) target(%arg6 : memref<16x1024xf32, #tpu.memory_space<vmem>>) target_semaphore(%arg13 : memref<!tpu.dma_semaphore, #tpu.memory_space<semaphore_mem>>)
    %add3A_14 = arith.constant 0 : i32
    %add3A_15 = arith.addi %mul3A_2, %add3A_14 : i32
    %dma_start3A_16 = arith.constant 0 : i32
    %dma_start3A_17 = arith.constant 0 : i32
    %dma_start3A_18 = tpu.memref_slice %arg2[%dma_start3A_16, %add3A_15, %dma_start3A_17] : memref<4x2048x1024xf32, #tpu.memory_space<hbm>> -> memref<1x16x1024xf32, #tpu.memory_space<hbm>>
    %dma_start3A_19 = tpu.memref_squeeze %dma_start3A_18 : memref<1x16x1024xf32, #tpu.memory_space<hbm>> -> memref<16x1024xf32, #tpu.memory_space<hbm>>
    %dma_start3A_20 = arith.constant 0 : i32
    %dma_start3A_21 = tpu.memref_slice %arg2[%dma_start3A_16, %add3A_15, %dma_start3A_20] : memref<4x2048x1024xf32, #tpu.memory_space<hbm>> -> memref<1x16x1024xf32, #tpu.memory_space<hbm>>
    %dma_start3A_22 = tpu.memref_squeeze %dma_start3A_21 : memref<1x16x1024xf32, #tpu.memory_space<hbm>> -> memref<16x1024xf32, #tpu.memory_space<hbm>>
    tpu.enqueue_dma source(%dma_start3A_22 : memref<16x1024xf32, #tpu.memory_space<hbm>>) target(%arg7 : memref<16x1024xf32, #tpu.memory_space<vmem>>) target_semaphore(%arg14 : memref<!tpu.dma_semaphore, #tpu.memory_space<semaphore_mem>>)
    %add3A_23 = arith.constant 0 : i32
    %add3A_24 = arith.addi %mul3A_2, %add3A_23 : i32
    %dma_start3A_25 = arith.constant 1 : i32
    %dma_start3A_26 = arith.constant 0 : i32
    %dma_start3A_27 = tpu.memref_slice %arg2[%dma_start3A_25, %add3A_24, %dma_start3A_26] : memref<4x2048x1024xf32, #tpu.memory_space<hbm>> -> memref<1x16x1024xf32, #tpu.memory_space<hbm>>
    %dma_start3A_28 = tpu.memref_squeeze %dma_start3A_27 : memref<1x16x1024xf32, #tpu.memory_space<hbm>> -> memref<16x1024xf32, #tpu.memory_space<hbm>>
    %dma_start3A_29 = arith.constant 0 : i32
    %dma_start3A_30 = tpu.memref_slice %arg2[%dma_start3A_25, %add3A_24, %dma_start3A_29] : memref<4x2048x1024xf32, #tpu.memory_space<hbm>> -> memref<1x16x1024xf32, #tpu.memory_space<hbm>>
    %dma_start3A_31 = tpu.memref_squeeze %dma_start3A_30 : memref<1x16x1024xf32, #tpu.memory_space<hbm>> -> memref<16x1024xf32, #tpu.memory_space<hbm>>
    tpu.enqueue_dma source(%dma_start3A_31 : memref<16x1024xf32, #tpu.memory_space<hbm>>) target(%arg8 : memref<16x1024xf32, #tpu.memory_space<vmem>>) target_semaphore(%arg15 : memref<!tpu.dma_semaphore, #tpu.memory_space<semaphore_mem>>)
    %add3A_32 = arith.constant 0 : i32
    %add3A_33 = arith.addi %mul3A_2, %add3A_32 : i32
    %dma_start3A_34 = arith.constant 2 : i32
    %dma_start3A_35 = arith.constant 0 : i32
    %dma_start3A_36 = tpu.memref_slice %arg2[%dma_start3A_34, %add3A_33, %dma_start3A_35] : memref<4x2048x1024xf32, #tpu.memory_space<hbm>> -> memref<1x16x1024xf32, #tpu.memory_space<hbm>>
    %dma_start3A_37 = tpu.memref_squeeze %dma_start3A_36 : memref<1x16x1024xf32, #tpu.memory_space<hbm>> -> memref<16x1024xf32, #tpu.memory_space<hbm>>
    %dma_start3A_38 = arith.constant 0 : i32
    %dma_start3A_39 = tpu.memref_slice %arg2[%dma_start3A_34, %add3A_33, %dma_start3A_38] : memref<4x2048x1024xf32, #tpu.memory_space<hbm>> -> memref<1x16x1024xf32, #tpu.memory_space<hbm>>
    %dma_start3A_40 = tpu.memref_squeeze %dma_start3A_39 : memref<1x16x1024xf32, #tpu.memory_space<hbm>> -> memref<16x1024xf32, #tpu.memory_space<hbm>>
    tpu.enqueue_dma source(%dma_start3A_40 : memref<16x1024xf32, #tpu.memory_space<hbm>>) target(%arg9 : memref<16x1024xf32, #tpu.memory_space<vmem>>) target_semaphore(%arg16 : memref<!tpu.dma_semaphore, #tpu.memory_space<semaphore_mem>>)
    %dma_wait3A = arith.constant 0 : i32
    %dma_wait3A_41 = tpu.memref_slice %arg3[%add3A_4, %dma_wait3A] : memref<2048x1024xf32, #tpu.memory_space<hbm>> -> memref<16x1024xf32, #tpu.memory_space<hbm>>
    %dma_wait3A_42 = arith.constant 0 : i32
    %dma_wait3A_43 = tpu.memref_slice %arg3[%add3A_4, %dma_wait3A_42] : memref<2048x1024xf32, #tpu.memory_space<hbm>> -> memref<16x1024xf32, #tpu.memory_space<hbm>>
    tpu.wait_dma2 semaphore(%arg12 : memref<!tpu.dma_semaphore, #tpu.memory_space<semaphore_mem>>) src(%dma_wait3A_43 : memref<16x1024xf32, #tpu.memory_space<hbm>>) dst(%arg5 : memref<16x1024xf32, #tpu.memory_space<vmem>>)
    %dma_wait3A_44 = arith.constant 0 : i32
    %dma_wait3A_45 = arith.constant 0 : i32
    %dma_wait3A_46 = tpu.memref_slice %arg2[%dma_wait3A_44, %add3A_15, %dma_wait3A_45] : memref<4x2048x1024xf32, #tpu.memory_space<hbm>> -> memref<1x16x1024xf32, #tpu.memory_space<hbm>>
    %dma_wait3A_47 = tpu.memref_squeeze %dma_wait3A_46 : memref<1x16x1024xf32, #tpu.memory_space<hbm>> -> memref<16x1024xf32, #tpu.memory_space<hbm>>
    %dma_wait3A_48 = arith.constant 0 : i32
    %dma_wait3A_49 = tpu.memref_slice %arg2[%dma_wait3A_44, %add3A_15, %dma_wait3A_48] : memref<4x2048x1024xf32, #tpu.memory_space<hbm>> -> memref<1x16x1024xf32, #tpu.memory_space<hbm>>
    %dma_wait3A_50 = tpu.memref_squeeze %dma_wait3A_49 : memref<1x16x1024xf32, #tpu.memory_space<hbm>> -> memref<16x1024xf32, #tpu.memory_space<hbm>>
    tpu.wait_dma2 semaphore(%arg14 : memref<!tpu.dma_semaphore, #tpu.memory_space<semaphore_mem>>) src(%dma_wait3A_50 : memref<16x1024xf32, #tpu.memory_space<hbm>>) dst(%arg7 : memref<16x1024xf32, #tpu.memory_space<vmem>>)
    %parallel_loop3A = arith.constant 0 : i32
    %parallel_loop3A_51 = arith.constant 1024 : i32
    %parallel_loop3A_52 = arith.constant 1 : i32
    scf.for %parallel_loop3A_600 = %parallel_loop3A to %parallel_loop3A_51 step %parallel_loop3A_52  : i32 {
      %parallel_loop3A_601 = arith.constant 64 : i32
      %parallel_loop3A_602 = arith.divsi %parallel_loop3A_600, %parallel_loop3A_601 : i32
      %parallel_loop3A_603 = arith.constant 0 : i32
      %parallel_loop3A_604 = arith.cmpi sgt, %parallel_loop3A_600, %parallel_loop3A_603 : i32
      %parallel_loop3A_605 = arith.extui %parallel_loop3A_604 : i1 to i32
      %parallel_loop3A_606 = arith.constant 0 : i32
      %parallel_loop3A_607 = arith.cmpi slt, %parallel_loop3A_600, %parallel_loop3A_606 : i32
      %parallel_loop3A_608 = arith.extui %parallel_loop3A_607 : i1 to i32
      %parallel_loop3A_609 = arith.subi %parallel_loop3A_605, %parallel_loop3A_608 : i32
      %parallel_loop3A_610 = arith.constant 0 : i32
      %parallel_loop3A_611 = arith.cmpi sgt, %parallel_loop3A_601, %parallel_loop3A_610 : i32
      %parallel_loop3A_612 = arith.extui %parallel_loop3A_611 : i1 to i32
      %parallel_loop3A_613 = arith.constant 0 : i32
      %parallel_loop3A_614 = arith.cmpi slt, %parallel_loop3A_601, %parallel_loop3A_613 : i32
      %parallel_loop3A_615 = arith.extui %parallel_loop3A_614 : i1 to i32
      %parallel_loop3A_616 = arith.subi %parallel_loop3A_612, %parallel_loop3A_615 : i32
      %parallel_loop3A_617 = arith.cmpi ne, %parallel_loop3A_609, %parallel_loop3A_616 : i32
      %parallel_loop3A_618 = arith.remsi %parallel_loop3A_600, %parallel_loop3A_601 : i32
      %parallel_loop3A_619 = arith.constant 0 : i32
      %parallel_loop3A_620 = arith.cmpi ne, %parallel_loop3A_618, %parallel_loop3A_619 : i32
      %parallel_loop3A_621 = arith.andi %parallel_loop3A_617, %parallel_loop3A_620 : i1
      %parallel_loop3A_622 = arith.constant 1 : i32
      %parallel_loop3A_623 = arith.subi %parallel_loop3A_602, %parallel_loop3A_622 : i32
      %parallel_loop3A_624 = arith.select %parallel_loop3A_621, %parallel_loop3A_623, %parallel_loop3A_602 : i32
      %parallel_loop3A_625 = arith.constant 64 : i32
      %parallel_loop3A_626 = arith.constant 0 : i32
      %parallel_loop3A_627 = arith.cmpi eq, %parallel_loop3A_625, %parallel_loop3A_626 : i32
      %parallel_loop3A_628 = arith.constant 1 : i32
      %parallel_loop3A_629 = arith.select %parallel_loop3A_627, %parallel_loop3A_628, %parallel_loop3A_625 : i32
      %parallel_loop3A_630 = arith.remsi %parallel_loop3A_600, %parallel_loop3A_629 : i32
      %parallel_loop3A_631 = arith.constant 0 : i32
      %parallel_loop3A_632 = arith.cmpi ne, %parallel_loop3A_630, %parallel_loop3A_631 : i32
      %parallel_loop3A_633 = arith.constant 0 : i32
      %parallel_loop3A_634 = arith.cmpi slt, %parallel_loop3A_630, %parallel_loop3A_633 : i32
      %parallel_loop3A_635 = arith.constant 0 : i32
      %parallel_loop3A_636 = arith.cmpi slt, %parallel_loop3A_629, %parallel_loop3A_635 : i32
      %parallel_loop3A_637 = arith.xori %parallel_loop3A_634, %parallel_loop3A_636 : i1
      %parallel_loop3A_638 = arith.andi %parallel_loop3A_637, %parallel_loop3A_632 : i1
      %parallel_loop3A_639 = arith.addi %parallel_loop3A_630, %parallel_loop3A_629 : i32
      %parallel_loop3A_640 = arith.select %parallel_loop3A_638, %parallel_loop3A_639, %parallel_loop3A_630 : i32
      %parallel_loop3A_641 = arith.constant 16 : i32
      %parallel_loop3A_642 = arith.muli %parallel_loop3A_640, %parallel_loop3A_641 : i32
      %parallel_loop3A_643 = arith.index_cast %parallel_loop3A_624 : i32 to index
      %parallel_loop3A_644 = arith.index_cast %parallel_loop3A_642 : i32 to index
      %parallel_loop3A_645 = tpu.vector_load %arg7[%parallel_loop3A_643, %parallel_loop3A_644] {strides = array<i32>} : memref<16x1024xf32, #tpu.memory_space<vmem>>, vector<1x16xf32>,
      %parallel_loop3A_646 = vector.shape_cast %parallel_loop3A_645 : vector<1x16xf32> to vector<16xf32>
      %parallel_loop3A_647 = arith.index_cast %parallel_loop3A_624 : i32 to index
      %parallel_loop3A_648 = arith.index_cast %parallel_loop3A_642 : i32 to index
      %parallel_loop3A_649 = tpu.vector_load %arg5[%parallel_loop3A_647, %parallel_loop3A_648] {strides = array<i32>} : memref<16x1024xf32, #tpu.memory_space<vmem>>, vector<1x16xf32>,
      %parallel_loop3A_650 = vector.shape_cast %parallel_loop3A_649 : vector<1x16xf32> to vector<16xf32>
      %parallel_loop3A_651 = arith.addf %parallel_loop3A_646, %parallel_loop3A_650 : vector<16xf32>
      %parallel_loop3A_652 = arith.index_cast %parallel_loop3A_624 : i32 to index
      %parallel_loop3A_653 = arith.index_cast %parallel_loop3A_642 : i32 to index
      %parallel_loop3A_654 = tpu.vector_load %arg10[%parallel_loop3A_652, %parallel_loop3A_653] {strides = array<i32>} : memref<16x1024xf32, #tpu.memory_space<vmem>>, vector<1x16xf32>,
      %parallel_loop3A_655 = vector.shape_cast %parallel_loop3A_654 : vector<1x16xf32> to vector<16xf32>
      %parallel_loop3A_656 = vector.shape_cast %parallel_loop3A_651 : vector<16xf32> to vector<1x16xf32>
      tpu.vector_store %arg10[%parallel_loop3A_652, %parallel_loop3A_653], %parallel_loop3A_656 {strides = array<i32>} : memref<16x1024xf32, #tpu.memory_space<vmem>>, vector<1x16xf32>,
    } {sc.loop_unroll_factor = 8 : i64, sc.parallel_access}
    %add3A_53 = arith.constant 0 : i32
    %add3A_54 = arith.addi %mul3A_2, %add3A_53 : i32
    %dma_start3A_55 = arith.constant 0 : i32
    %dma_start3A_56 = arith.constant 0 : i32
    %dma_start3A_57 = tpu.memref_slice %arg4[%dma_start3A_55, %add3A_54, %dma_start3A_56] : memref<4x2048x1024xf32, #tpu.memory_space<hbm>> -> memref<1x16x1024xf32, #tpu.memory_space<hbm>>
    %dma_start3A_58 = tpu.memref_squeeze %dma_start3A_57 : memref<1x16x1024xf32, #tpu.memory_space<hbm>> -> memref<16x1024xf32, #tpu.memory_space<hbm>>
    %dma_start3A_59 = arith.constant 0 : i32
    %dma_start3A_60 = tpu.memref_slice %arg4[%dma_start3A_55, %add3A_54, %dma_start3A_59] : memref<4x2048x1024xf32, #tpu.memory_space<hbm>> -> memref<1x16x1024xf32, #tpu.memory_space<hbm>>
    %dma_start3A_61 = tpu.memref_squeeze %dma_start3A_60 : memref<1x16x1024xf32, #tpu.memory_space<hbm>> -> memref<16x1024xf32, #tpu.memory_space<hbm>>
    tpu.enqueue_dma source(%arg10 : memref<16x1024xf32, #tpu.memory_space<vmem>>) target(%dma_start3A_61 : memref<16x1024xf32, #tpu.memory_space<hbm>>) target_semaphore(%arg17 : memref<!tpu.dma_semaphore, #tpu.memory_space<semaphore_mem>>)
    %add3A_62 = arith.constant 0 : i32
    %add3A_63 = arith.addi %mul3A_2, %add3A_62 : i32
    %dma_start3A_64 = arith.constant 3 : i32
    %dma_start3A_65 = arith.constant 0 : i32
    %dma_start3A_66 = tpu.memref_slice %arg2[%dma_start3A_64, %add3A_63, %dma_start3A_65] : memref<4x2048x1024xf32, #tpu.memory_space<hbm>> -> memref<1x16x1024xf32, #tpu.memory_space<hbm>>
    %dma_start3A_67 = tpu.memref_squeeze %dma_start3A_66 : memref<1x16x1024xf32, #tpu.memory_space<hbm>> -> memref<16x1024xf32, #tpu.memory_space<hbm>>
    %dma_start3A_68 = arith.constant 0 : i32
    %dma_start3A_69 = tpu.memref_slice %arg2[%dma_start3A_64, %add3A_63, %dma_start3A_68] : memref<4x2048x1024xf32, #tpu.memory_space<hbm>> -> memref<1x16x1024xf32, #tpu.memory_space<hbm>>
    %dma_start3A_70 = tpu.memref_squeeze %dma_start3A_69 : memref<1x16x1024xf32, #tpu.memory_space<hbm>> -> memref<16x1024xf32, #tpu.memory_space<hbm>>
    tpu.enqueue_dma source(%dma_start3A_70 : memref<16x1024xf32, #tpu.memory_space<hbm>>) target(%arg7 : memref<16x1024xf32, #tpu.memory_space<vmem>>) target_semaphore(%arg14 : memref<!tpu.dma_semaphore, #tpu.memory_space<semaphore_mem>>)
    %dma_wait3A_71 = arith.constant 1 : i32
    %dma_wait3A_72 = arith.constant 0 : i32
    %dma_wait3A_73 = tpu.memref_slice %arg2[%dma_wait3A_71, %add3A_24, %dma_wait3A_72] : memref<4x2048x1024xf32, #tpu.memory_space<hbm>> -> memref<1x16x1024xf32, #tpu.memory_space<hbm>>
    %dma_wait3A_74 = tpu.memref_squeeze %dma_wait3A_73 : memref<1x16x1024xf32, #tpu.memory_space<hbm>> -> memref<16x1024xf32, #tpu.memory_space<hbm>>
    %dma_wait3A_75 = arith.constant 0 : i32
    %dma_wait3A_76 = tpu.memref_slice %arg2[%dma_wait3A_71, %add3A_24, %dma_wait3A_75] : memref<4x2048x1024xf32, #tpu.memory_space<hbm>> -> memref<1x16x1024xf32, #tpu.memory_space<hbm>>
    %dma_wait3A_77 = tpu.memref_squeeze %dma_wait3A_76 : memref<1x16x1024xf32, #tpu.memory_space<hbm>> -> memref<16x1024xf32, #tpu.memory_space<hbm>>
    tpu.wait_dma2 semaphore(%arg15 : memref<!tpu.dma_semaphore, #tpu.memory_space<semaphore_mem>>) src(%dma_wait3A_77 : memref<16x1024xf32, #tpu.memory_space<hbm>>) dst(%arg8 : memref<16x1024xf32, #tpu.memory_space<vmem>>)
    %parallel_loop3A_78 = arith.constant 0 : i32
    %parallel_loop3A_79 = arith.constant 1024 : i32
    %parallel_loop3A_80 = arith.constant 1 : i32
    scf.for %parallel_loop3A_600 = %parallel_loop3A_78 to %parallel_loop3A_79 step %parallel_loop3A_80  : i32 {
      %parallel_loop3A_601 = arith.constant 64 : i32
      %parallel_loop3A_602 = arith.divsi %parallel_loop3A_600, %parallel_loop3A_601 : i32
      %parallel_loop3A_603 = arith.constant 0 : i32
      %parallel_loop3A_604 = arith.cmpi sgt, %parallel_loop3A_600, %parallel_loop3A_603 : i32
      %parallel_loop3A_605 = arith.extui %parallel_loop3A_604 : i1 to i32
      %parallel_loop3A_606 = arith.constant 0 : i32
      %parallel_loop3A_607 = arith.cmpi slt, %parallel_loop3A_600, %parallel_loop3A_606 : i32
      %parallel_loop3A_608 = arith.extui %parallel_loop3A_607 : i1 to i32
      %parallel_loop3A_609 = arith.subi %parallel_loop3A_605, %parallel_loop3A_608 : i32
      %parallel_loop3A_610 = arith.constant 0 : i32
      %parallel_loop3A_611 = arith.cmpi sgt, %parallel_loop3A_601, %parallel_loop3A_610 : i32
      %parallel_loop3A_612 = arith.extui %parallel_loop3A_611 : i1 to i32
      %parallel_loop3A_613 = arith.constant 0 : i32
      %parallel_loop3A_614 = arith.cmpi slt, %parallel_loop3A_601, %parallel_loop3A_613 : i32
      %parallel_loop3A_615 = arith.extui %parallel_loop3A_614 : i1 to i32
      %parallel_loop3A_616 = arith.subi %parallel_loop3A_612, %parallel_loop3A_615 : i32
      %parallel_loop3A_617 = arith.cmpi ne, %parallel_loop3A_609, %parallel_loop3A_616 : i32
      %parallel_loop3A_618 = arith.remsi %parallel_loop3A_600, %parallel_loop3A_601 : i32
      %parallel_loop3A_619 = arith.constant 0 : i32
      %parallel_loop3A_620 = arith.cmpi ne, %parallel_loop3A_618, %parallel_loop3A_619 : i32
      %parallel_loop3A_621 = arith.andi %parallel_loop3A_617, %parallel_loop3A_620 : i1
      %parallel_loop3A_622 = arith.constant 1 : i32
      %parallel_loop3A_623 = arith.subi %parallel_loop3A_602, %parallel_loop3A_622 : i32
      %parallel_loop3A_624 = arith.select %parallel_loop3A_621, %parallel_loop3A_623, %parallel_loop3A_602 : i32
      %parallel_loop3A_625 = arith.constant 64 : i32
      %parallel_loop3A_626 = arith.constant 0 : i32
      %parallel_loop3A_627 = arith.cmpi eq, %parallel_loop3A_625, %parallel_loop3A_626 : i32
      %parallel_loop3A_628 = arith.constant 1 : i32
      %parallel_loop3A_629 = arith.select %parallel_loop3A_627, %parallel_loop3A_628, %parallel_loop3A_625 : i32
      %parallel_loop3A_630 = arith.remsi %parallel_loop3A_600, %parallel_loop3A_629 : i32
      %parallel_loop3A_631 = arith.constant 0 : i32
      %parallel_loop3A_632 = arith.cmpi ne, %parallel_loop3A_630, %parallel_loop3A_631 : i32
      %parallel_loop3A_633 = arith.constant 0 : i32
      %parallel_loop3A_634 = arith.cmpi slt, %parallel_loop3A_630, %parallel_loop3A_633 : i32
      %parallel_loop3A_635 = arith.constant 0 : i32
      %parallel_loop3A_636 = arith.cmpi slt, %parallel_loop3A_629, %parallel_loop3A_635 : i32
      %parallel_loop3A_637 = arith.xori %parallel_loop3A_634, %parallel_loop3A_636 : i1
      %parallel_loop3A_638 = arith.andi %parallel_loop3A_637, %parallel_loop3A_632 : i1
      %parallel_loop3A_639 = arith.addi %parallel_loop3A_630, %parallel_loop3A_629 : i32
      %parallel_loop3A_640 = arith.select %parallel_loop3A_638, %parallel_loop3A_639, %parallel_loop3A_630 : i32
      %parallel_loop3A_641 = arith.constant 16 : i32
      %parallel_loop3A_642 = arith.muli %parallel_loop3A_640, %parallel_loop3A_641 : i32
      %parallel_loop3A_643 = arith.index_cast %parallel_loop3A_624 : i32 to index
      %parallel_loop3A_644 = arith.index_cast %parallel_loop3A_642 : i32 to index
      %parallel_loop3A_645 = tpu.vector_load %arg8[%parallel_loop3A_643, %parallel_loop3A_644] {strides = array<i32>} : memref<16x1024xf32, #tpu.memory_space<vmem>>, vector<1x16xf32>,
      %parallel_loop3A_646 = vector.shape_cast %parallel_loop3A_645 : vector<1x16xf32> to vector<16xf32>
      %parallel_loop3A_647 = arith.index_cast %parallel_loop3A_624 : i32 to index
      %parallel_loop3A_648 = arith.index_cast %parallel_loop3A_642 : i32 to index
      %parallel_loop3A_649 = tpu.vector_load %arg5[%parallel_loop3A_647, %parallel_loop3A_648] {strides = array<i32>} : memref<16x1024xf32, #tpu.memory_space<vmem>>, vector<1x16xf32>,
      %parallel_loop3A_650 = vector.shape_cast %parallel_loop3A_649 : vector<1x16xf32> to vector<16xf32>
      %parallel_loop3A_651 = arith.addf %parallel_loop3A_646, %parallel_loop3A_650 : vector<16xf32>
      %parallel_loop3A_652 = arith.index_cast %parallel_loop3A_624 : i32 to index
      %parallel_loop3A_653 = arith.index_cast %parallel_loop3A_642 : i32 to index
      %parallel_loop3A_654 = tpu.vector_load %arg11[%parallel_loop3A_652, %parallel_loop3A_653] {strides = array<i32>} : memref<16x1024xf32, #tpu.memory_space<vmem>>, vector<1x16xf32>,
      %parallel_loop3A_655 = vector.shape_cast %parallel_loop3A_654 : vector<1x16xf32> to vector<16xf32>
      %parallel_loop3A_656 = vector.shape_cast %parallel_loop3A_651 : vector<16xf32> to vector<1x16xf32>
      tpu.vector_store %arg11[%parallel_loop3A_652, %parallel_loop3A_653], %parallel_loop3A_656 {strides = array<i32>} : memref<16x1024xf32, #tpu.memory_space<vmem>>, vector<1x16xf32>,
    } {sc.loop_unroll_factor = 8 : i64, sc.parallel_access}
    %add3A_81 = arith.constant 0 : i32
    %add3A_82 = arith.addi %mul3A_2, %add3A_81 : i32
    %dma_start3A_83 = arith.constant 1 : i32
    %dma_start3A_84 = arith.constant 0 : i32
    %dma_start3A_85 = tpu.memref_slice %arg4[%dma_start3A_83, %add3A_82, %dma_start3A_84] : memref<4x2048x1024xf32, #tpu.memory_space<hbm>> -> memref<1x16x1024xf32, #tpu.memory_space<hbm>>
    %dma_start3A_86 = tpu.memref_squeeze %dma_start3A_85 : memref<1x16x1024xf32, #tpu.memory_space<hbm>> -> memref<16x1024xf32, #tpu.memory_space<hbm>>
    %dma_start3A_87 = arith.constant 0 : i32
    %dma_start3A_88 = tpu.memref_slice %arg4[%dma_start3A_83, %add3A_82, %dma_start3A_87] : memref<4x2048x1024xf32, #tpu.memory_space<hbm>> -> memref<1x16x1024xf32, #tpu.memory_space<hbm>>
    %dma_start3A_89 = tpu.memref_squeeze %dma_start3A_88 : memref<1x16x1024xf32, #tpu.memory_space<hbm>> -> memref<16x1024xf32, #tpu.memory_space<hbm>>
    tpu.enqueue_dma source(%arg11 : memref<16x1024xf32, #tpu.memory_space<vmem>>) target(%dma_start3A_89 : memref<16x1024xf32, #tpu.memory_space<hbm>>) target_semaphore(%arg18 : memref<!tpu.dma_semaphore, #tpu.memory_space<semaphore_mem>>)
    %add3A_90 = arith.constant 16 : i32
    %add3A_91 = arith.addi %mul3A_2, %add3A_90 : i32
    %dma_start3A_92 = arith.constant 0 : i32
    %dma_start3A_93 = arith.constant 0 : i32
    %dma_start3A_94 = tpu.memref_slice %arg2[%dma_start3A_92, %add3A_91, %dma_start3A_93] : memref<4x2048x1024xf32, #tpu.memory_space<hbm>> -> memref<1x16x1024xf32, #tpu.memory_space<hbm>>
    %dma_start3A_95 = tpu.memref_squeeze %dma_start3A_94 : memref<1x16x1024xf32, #tpu.memory_space<hbm>> -> memref<16x1024xf32, #tpu.memory_space<hbm>>
    %dma_start3A_96 = arith.constant 0 : i32
    %dma_start3A_97 = tpu.memref_slice %arg2[%dma_start3A_92, %add3A_91, %dma_start3A_96] : memref<4x2048x1024xf32, #tpu.memory_space<hbm>> -> memref<1x16x1024xf32, #tpu.memory_space<hbm>>
    %dma_start3A_98 = tpu.memref_squeeze %dma_start3A_97 : memref<1x16x1024xf32, #tpu.memory_space<hbm>> -> memref<16x1024xf32, #tpu.memory_space<hbm>>
    tpu.enqueue_dma source(%dma_start3A_98 : memref<16x1024xf32, #tpu.memory_space<hbm>>) target(%arg8 : memref<16x1024xf32, #tpu.memory_space<vmem>>) target_semaphore(%arg15 : memref<!tpu.dma_semaphore, #tpu.memory_space<semaphore_mem>>)
    %dma_wait3A_99 = arith.constant 2 : i32
    %dma_wait3A_100 = arith.constant 0 : i32
    %dma_wait3A_101 = tpu.memref_slice %arg2[%dma_wait3A_99, %add3A_33, %dma_wait3A_100] : memref<4x2048x1024xf32, #tpu.memory_space<hbm>> -> memref<1x16x1024xf32, #tpu.memory_space<hbm>>
    %dma_wait3A_102 = tpu.memref_squeeze %dma_wait3A_101 : memref<1x16x1024xf32, #tpu.memory_space<hbm>> -> memref<16x1024xf32, #tpu.memory_space<hbm>>
    %dma_wait3A_103 = arith.constant 0 : i32
    %dma_wait3A_104 = tpu.memref_slice %arg2[%dma_wait3A_99, %add3A_33, %dma_wait3A_103] : memref<4x2048x1024xf32, #tpu.memory_space<hbm>> -> memref<1x16x1024xf32, #tpu.memory_space<hbm>>
    %dma_wait3A_105 = tpu.memref_squeeze %dma_wait3A_104 : memref<1x16x1024xf32, #tpu.memory_space<hbm>> -> memref<16x1024xf32, #tpu.memory_space<hbm>>
    tpu.wait_dma2 semaphore(%arg16 : memref<!tpu.dma_semaphore, #tpu.memory_space<semaphore_mem>>) src(%dma_wait3A_105 : memref<16x1024xf32, #tpu.memory_space<hbm>>) dst(%arg9 : memref<16x1024xf32, #tpu.memory_space<vmem>>)
    %dma_wait3A_106 = arith.constant 0 : i32
    %dma_wait3A_107 = arith.constant 0 : i32
    %dma_wait3A_108 = tpu.memref_slice %arg4[%dma_wait3A_106, %add3A_54, %dma_wait3A_107] : memref<4x2048x1024xf32, #tpu.memory_space<hbm>> -> memref<1x16x1024xf32, #tpu.memory_space<hbm>>
    %dma_wait3A_109 = tpu.memref_squeeze %dma_wait3A_108 : memref<1x16x1024xf32, #tpu.memory_space<hbm>> -> memref<16x1024xf32, #tpu.memory_space<hbm>>
    %dma_wait3A_110 = arith.constant 0 : i32
    %dma_wait3A_111 = tpu.memref_slice %arg4[%dma_wait3A_106, %add3A_54, %dma_wait3A_110] : memref<4x2048x1024xf32, #tpu.memory_space<hbm>> -> memref<1x16x1024xf32, #tpu.memory_space<hbm>>
    %dma_wait3A_112 = tpu.memref_squeeze %dma_wait3A_111 : memref<1x16x1024xf32, #tpu.memory_space<hbm>> -> memref<16x1024xf32, #tpu.memory_space<hbm>>
    tpu.wait_dma2 semaphore(%arg17 : memref<!tpu.dma_semaphore, #tpu.memory_space<semaphore_mem>>) src(%arg10 : memref<16x1024xf32, #tpu.memory_space<vmem>>) dst(%dma_wait3A_112 : memref<16x1024xf32, #tpu.memory_space<hbm>>)
    %parallel_loop3A_113 = arith.constant 0 : i32
    %parallel_loop3A_114 = arith.constant 1024 : i32
    %parallel_loop3A_115 = arith.constant 1 : i32
    scf.for %parallel_loop3A_600 = %parallel_loop3A_113 to %parallel_loop3A_114 step %parallel_loop3A_115  : i32 {
      %parallel_loop3A_601 = arith.constant 64 : i32
      %parallel_loop3A_602 = arith.divsi %parallel_loop3A_600, %parallel_loop3A_601 : i32
      %parallel_loop3A_603 = arith.constant 0 : i32
      %parallel_loop3A_604 = arith.cmpi sgt, %parallel_loop3A_600, %parallel_loop3A_603 : i32
      %parallel_loop3A_605 = arith.extui %parallel_loop3A_604 : i1 to i32
      %parallel_loop3A_606 = arith.constant 0 : i32
      %parallel_loop3A_607 = arith.cmpi slt, %parallel_loop3A_600, %parallel_loop3A_606 : i32
      %parallel_loop3A_608 = arith.extui %parallel_loop3A_607 : i1 to i32
      %parallel_loop3A_609 = arith.subi %parallel_loop3A_605, %parallel_loop3A_608 : i32
      %parallel_loop3A_610 = arith.constant 0 : i32
      %parallel_loop3A_611 = arith.cmpi sgt, %parallel_loop3A_601, %parallel_loop3A_610 : i32
      %parallel_loop3A_612 = arith.extui %parallel_loop3A_611 : i1 to i32
      %parallel_loop3A_613 = arith.constant 0 : i32
      %parallel_loop3A_614 = arith.cmpi slt, %parallel_loop3A_601, %parallel_loop3A_613 : i32
      %parallel_loop3A_615 = arith.extui %parallel_loop3A_614 : i1 to i32
      %parallel_loop3A_616 = arith.subi %parallel_loop3A_612, %parallel_loop3A_615 : i32
      %parallel_loop3A_617 = arith.cmpi ne, %parallel_loop3A_609, %parallel_loop3A_616 : i32
      %parallel_loop3A_618 = arith.remsi %parallel_loop3A_600, %parallel_loop3A_601 : i32
      %parallel_loop3A_619 = arith.constant 0 : i32
      %parallel_loop3A_620 = arith.cmpi ne, %parallel_loop3A_618, %parallel_loop3A_619 : i32
      %parallel_loop3A_621 = arith.andi %parallel_loop3A_617, %parallel_loop3A_620 : i1
      %parallel_loop3A_622 = arith.constant 1 : i32
      %parallel_loop3A_623 = arith.subi %parallel_loop3A_602, %parallel_loop3A_622 : i32
      %parallel_loop3A_624 = arith.select %parallel_loop3A_621, %parallel_loop3A_623, %parallel_loop3A_602 : i32
      %parallel_loop3A_625 = arith.constant 64 : i32
      %parallel_loop3A_626 = arith.constant 0 : i32
      %parallel_loop3A_627 = arith.cmpi eq, %parallel_loop3A_625, %parallel_loop3A_626 : i32
      %parallel_loop3A_628 = arith.constant 1 : i32
      %parallel_loop3A_629 = arith.select %parallel_loop3A_627, %parallel_loop3A_628, %parallel_loop3A_625 : i32
      %parallel_loop3A_630 = arith.remsi %parallel_loop3A_600, %parallel_loop3A_629 : i32
      %parallel_loop3A_631 = arith.constant 0 : i32
      %parallel_loop3A_632 = arith.cmpi ne, %parallel_loop3A_630, %parallel_loop3A_631 : i32
      %parallel_loop3A_633 = arith.constant 0 : i32
      %parallel_loop3A_634 = arith.cmpi slt, %parallel_loop3A_630, %parallel_loop3A_633 : i32
      %parallel_loop3A_635 = arith.constant 0 : i32
      %parallel_loop3A_636 = arith.cmpi slt, %parallel_loop3A_629, %parallel_loop3A_635 : i32
      %parallel_loop3A_637 = arith.xori %parallel_loop3A_634, %parallel_loop3A_636 : i1
      %parallel_loop3A_638 = arith.andi %parallel_loop3A_637, %parallel_loop3A_632 : i1
      %parallel_loop3A_639 = arith.addi %parallel_loop3A_630, %parallel_loop3A_629 : i32
      %parallel_loop3A_640 = arith.select %parallel_loop3A_638, %parallel_loop3A_639, %parallel_loop3A_630 : i32
      %parallel_loop3A_641 = arith.constant 16 : i32
      %parallel_loop3A_642 = arith.muli %parallel_loop3A_640, %parallel_loop3A_641 : i32
      %parallel_loop3A_643 = arith.index_cast %parallel_loop3A_624 : i32 to index
      %parallel_loop3A_644 = arith.index_cast %parallel_loop3A_642 : i32 to index
      %parallel_loop3A_645 = tpu.vector_load %arg9[%parallel_loop3A_643, %parallel_loop3A_644] {strides = array<i32>} : memref<16x1024xf32, #tpu.memory_space<vmem>>, vector<1x16xf32>,
      %parallel_loop3A_646 = vector.shape_cast %parallel_loop3A_645 : vector<1x16xf32> to vector<16xf32>
      %parallel_loop3A_647 = arith.index_cast %parallel_loop3A_624 : i32 to index
      %parallel_loop3A_648 = arith.index_cast %parallel_loop3A_642 : i32 to index
      %parallel_loop3A_649 = tpu.vector_load %arg5[%parallel_loop3A_647, %parallel_loop3A_648] {strides = array<i32>} : memref<16x1024xf32, #tpu.memory_space<vmem>>, vector<1x16xf32>,
      %parallel_loop3A_650 = vector.shape_cast %parallel_loop3A_649 : vector<1x16xf32> to vector<16xf32>
      %parallel_loop3A_651 = arith.addf %parallel_loop3A_646, %parallel_loop3A_650 : vector<16xf32>
      %parallel_loop3A_652 = arith.index_cast %parallel_loop3A_624 : i32 to index
      %parallel_loop3A_653 = arith.index_cast %parallel_loop3A_642 : i32 to index
      %parallel_loop3A_654 = tpu.vector_load %arg10[%parallel_loop3A_652, %parallel_loop3A_653] {strides = array<i32>} : memref<16x1024xf32, #tpu.memory_space<vmem>>, vector<1x16xf32>,
      %parallel_loop3A_655 = vector.shape_cast %parallel_loop3A_654 : vector<1x16xf32> to vector<16xf32>
      %parallel_loop3A_656 = vector.shape_cast %parallel_loop3A_651 : vector<16xf32> to vector<1x16xf32>
      tpu.vector_store %arg10[%parallel_loop3A_652, %parallel_loop3A_653], %parallel_loop3A_656 {strides = array<i32>} : memref<16x1024xf32, #tpu.memory_space<vmem>>, vector<1x16xf32>,
    } {sc.loop_unroll_factor = 8 : i64, sc.parallel_access}
    %add3A_116 = arith.constant 0 : i32
    %add3A_117 = arith.addi %mul3A_2, %add3A_116 : i32
    %dma_start3A_118 = arith.constant 2 : i32
    %dma_start3A_119 = arith.constant 0 : i32
    %dma_start3A_120 = tpu.memref_slice %arg4[%dma_start3A_118, %add3A_117, %dma_start3A_119] : memref<4x2048x1024xf32, #tpu.memory_space<hbm>> -> memref<1x16x1024xf32, #tpu.memory_space<hbm>>
    %dma_start3A_121 = tpu.memref_squeeze %dma_start3A_120 : memref<1x16x1024xf32, #tpu.memory_space<hbm>> -> memref<16x1024xf32, #tpu.memory_space<hbm>>
    %dma_start3A_122 = arith.constant 0 : i32
    %dma_start3A_123 = tpu.memref_slice %arg4[%dma_start3A_118, %add3A_117, %dma_start3A_122] : memref<4x2048x1024xf32, #tpu.memory_space<hbm>> -> memref<1x16x1024xf32, #tpu.memory_space<hbm>>
    %dma_start3A_124 = tpu.memref_squeeze %dma_start3A_123 : memref<1x16x1024xf32, #tpu.memory_space<hbm>> -> memref<16x1024xf32, #tpu.memory_space<hbm>>
    tpu.enqueue_dma source(%arg10 : memref<16x1024xf32, #tpu.memory_space<vmem>>) target(%dma_start3A_124 : memref<16x1024xf32, #tpu.memory_space<hbm>>) target_semaphore(%arg17 : memref<!tpu.dma_semaphore, #tpu.memory_space<semaphore_mem>>)
    %add3A_125 = arith.constant 16 : i32
    %add3A_126 = arith.addi %mul3A_2, %add3A_125 : i32
    %dma_start3A_127 = arith.constant 1 : i32
    %dma_start3A_128 = arith.constant 0 : i32
    %dma_start3A_129 = tpu.memref_slice %arg2[%dma_start3A_127, %add3A_126, %dma_start3A_128] : memref<4x2048x1024xf32, #tpu.memory_space<hbm>> -> memref<1x16x1024xf32, #tpu.memory_space<hbm>>
    %dma_start3A_130 = tpu.memref_squeeze %dma_start3A_129 : memref<1x16x1024xf32, #tpu.memory_space<hbm>> -> memref<16x1024xf32, #tpu.memory_space<hbm>>
    %dma_start3A_131 = arith.constant 0 : i32
    %dma_start3A_132 = tpu.memref_slice %arg2[%dma_start3A_127, %add3A_126, %dma_start3A_131] : memref<4x2048x1024xf32, #tpu.memory_space<hbm>> -> memref<1x16x1024xf32, #tpu.memory_space<hbm>>
    %dma_start3A_133 = tpu.memref_squeeze %dma_start3A_132 : memref<1x16x1024xf32, #tpu.memory_space<hbm>> -> memref<16x1024xf32, #tpu.memory_space<hbm>>
    tpu.enqueue_dma source(%dma_start3A_133 : memref<16x1024xf32, #tpu.memory_space<hbm>>) target(%arg9 : memref<16x1024xf32, #tpu.memory_space<vmem>>) target_semaphore(%arg16 : memref<!tpu.dma_semaphore, #tpu.memory_space<semaphore_mem>>)
    %dma_wait3A_134 = arith.constant 3 : i32
    %dma_wait3A_135 = arith.constant 0 : i32
    %dma_wait3A_136 = tpu.memref_slice %arg2[%dma_wait3A_134, %add3A_63, %dma_wait3A_135] : memref<4x2048x1024xf32, #tpu.memory_space<hbm>> -> memref<1x16x1024xf32, #tpu.memory_space<hbm>>
    %dma_wait3A_137 = tpu.memref_squeeze %dma_wait3A_136 : memref<1x16x1024xf32, #tpu.memory_space<hbm>> -> memref<16x1024xf32, #tpu.memory_space<hbm>>
    %dma_wait3A_138 = arith.constant 0 : i32
    %dma_wait3A_139 = tpu.memref_slice %arg2[%dma_wait3A_134, %add3A_63, %dma_wait3A_138] : memref<4x2048x1024xf32, #tpu.memory_space<hbm>> -> memref<1x16x1024xf32, #tpu.memory_space<hbm>>
    %dma_wait3A_140 = tpu.memref_squeeze %dma_wait3A_139 : memref<1x16x1024xf32, #tpu.memory_space<hbm>> -> memref<16x1024xf32, #tpu.memory_space<hbm>>
    tpu.wait_dma2 semaphore(%arg14 : memref<!tpu.dma_semaphore, #tpu.memory_space<semaphore_mem>>) src(%dma_wait3A_140 : memref<16x1024xf32, #tpu.memory_space<hbm>>) dst(%arg7 : memref<16x1024xf32, #tpu.memory_space<vmem>>)
    %dma_wait3A_141 = arith.constant 1 : i32
    %dma_wait3A_142 = arith.constant 0 : i32
    %dma_wait3A_143 = tpu.memref_slice %arg4[%dma_wait3A_141, %add3A_82, %dma_wait3A_142] : memref<4x2048x1024xf32, #tpu.memory_space<hbm>> -> memref<1x16x1024xf32, #tpu.memory_space<hbm>>
    %dma_wait3A_144 = tpu.memref_squeeze %dma_wait3A_143 : memref<1x16x1024xf32, #tpu.memory_space<hbm>> -> memref<16x1024xf32, #tpu.memory_space<hbm>>
    %dma_wait3A_145 = arith.constant 0 : i32
    %dma_wait3A_146 = tpu.memref_slice %arg4[%dma_wait3A_141, %add3A_82, %dma_wait3A_145] : memref<4x2048x1024xf32, #tpu.memory_space<hbm>> -> memref<1x16x1024xf32, #tpu.memory_space<hbm>>
    %dma_wait3A_147 = tpu.memref_squeeze %dma_wait3A_146 : memref<1x16x1024xf32, #tpu.memory_space<hbm>> -> memref<16x1024xf32, #tpu.memory_space<hbm>>
    tpu.wait_dma2 semaphore(%arg18 : memref<!tpu.dma_semaphore, #tpu.memory_space<semaphore_mem>>) src(%arg11 : memref<16x1024xf32, #tpu.memory_space<vmem>>) dst(%dma_wait3A_147 : memref<16x1024xf32, #tpu.memory_space<hbm>>)
    %parallel_loop3A_148 = arith.constant 0 : i32
    %parallel_loop3A_149 = arith.constant 1024 : i32
    %parallel_loop3A_150 = arith.constant 1 : i32
    scf.for %parallel_loop3A_600 = %parallel_loop3A_148 to %parallel_loop3A_149 step %parallel_loop3A_150  : i32 {
      %parallel_loop3A_601 = arith.constant 64 : i32
      %parallel_loop3A_602 = arith.divsi %parallel_loop3A_600, %parallel_loop3A_601 : i32
      %parallel_loop3A_603 = arith.constant 0 : i32
      %parallel_loop3A_604 = arith.cmpi sgt, %parallel_loop3A_600, %parallel_loop3A_603 : i32
      %parallel_loop3A_605 = arith.extui %parallel_loop3A_604 : i1 to i32
      %parallel_loop3A_606 = arith.constant 0 : i32
      %parallel_loop3A_607 = arith.cmpi slt, %parallel_loop3A_600, %parallel_loop3A_606 : i32
      %parallel_loop3A_608 = arith.extui %parallel_loop3A_607 : i1 to i32
      %parallel_loop3A_609 = arith.subi %parallel_loop3A_605, %parallel_loop3A_608 : i32
      %parallel_loop3A_610 = arith.constant 0 : i32
      %parallel_loop3A_611 = arith.cmpi sgt, %parallel_loop3A_601, %parallel_loop3A_610 : i32
      %parallel_loop3A_612 = arith.extui %parallel_loop3A_611 : i1 to i32
      %parallel_loop3A_613 = arith.constant 0 : i32
      %parallel_loop3A_614 = arith.cmpi slt, %parallel_loop3A_601, %parallel_loop3A_613 : i32
      %parallel_loop3A_615 = arith.extui %parallel_loop3A_614 : i1 to i32
      %parallel_loop3A_616 = arith.subi %parallel_loop3A_612, %parallel_loop3A_615 : i32
      %parallel_loop3A_617 = arith.cmpi ne, %parallel_loop3A_609, %parallel_loop3A_616 : i32
      %parallel_loop3A_618 = arith.remsi %parallel_loop3A_600, %parallel_loop3A_601 : i32
      %parallel_loop3A_619 = arith.constant 0 : i32
      %parallel_loop3A_620 = arith.cmpi ne, %parallel_loop3A_618, %parallel_loop3A_619 : i32
      %parallel_loop3A_621 = arith.andi %parallel_loop3A_617, %parallel_loop3A_620 : i1
      %parallel_loop3A_622 = arith.constant 1 : i32
      %parallel_loop3A_623 = arith.subi %parallel_loop3A_602, %parallel_loop3A_622 : i32
      %parallel_loop3A_624 = arith.select %parallel_loop3A_621, %parallel_loop3A_623, %parallel_loop3A_602 : i32
      %parallel_loop3A_625 = arith.constant 64 : i32
      %parallel_loop3A_626 = arith.constant 0 : i32
      %parallel_loop3A_627 = arith.cmpi eq, %parallel_loop3A_625, %parallel_loop3A_626 : i32
      %parallel_loop3A_628 = arith.constant 1 : i32
      %parallel_loop3A_629 = arith.select %parallel_loop3A_627, %parallel_loop3A_628, %parallel_loop3A_625 : i32
      %parallel_loop3A_630 = arith.remsi %parallel_loop3A_600, %parallel_loop3A_629 : i32
      %parallel_loop3A_631 = arith.constant 0 : i32
      %parallel_loop3A_632 = arith.cmpi ne, %parallel_loop3A_630, %parallel_loop3A_631 : i32
      %parallel_loop3A_633 = arith.constant 0 : i32
      %parallel_loop3A_634 = arith.cmpi slt, %parallel_loop3A_630, %parallel_loop3A_633 : i32
      %parallel_loop3A_635 = arith.constant 0 : i32
      %parallel_loop3A_636 = arith.cmpi slt, %parallel_loop3A_629, %parallel_loop3A_635 : i32
      %parallel_loop3A_637 = arith.xori %parallel_loop3A_634, %parallel_loop3A_636 : i1
      %parallel_loop3A_638 = arith.andi %parallel_loop3A_637, %parallel_loop3A_632 : i1
      %parallel_loop3A_639 = arith.addi %parallel_loop3A_630, %parallel_loop3A_629 : i32
      %parallel_loop3A_640 = arith.select %parallel_loop3A_638, %parallel_loop3A_639, %parallel_loop3A_630 : i32
      %parallel_loop3A_641 = arith.constant 16 : i32
      %parallel_loop3A_642 = arith.muli %parallel_loop3A_640, %parallel_loop3A_641 : i32
      %parallel_loop3A_643 = arith.index_cast %parallel_loop3A_624 : i32 to index
      %parallel_loop3A_644 = arith.index_cast %parallel_loop3A_642 : i32 to index
      %parallel_loop3A_645 = tpu.vector_load %arg7[%parallel_loop3A_643, %parallel_loop3A_644] {strides = array<i32>} : memref<16x1024xf32, #tpu.memory_space<vmem>>, vector<1x16xf32>,
      %parallel_loop3A_646 = vector.shape_cast %parallel_loop3A_645 : vector<1x16xf32> to vector<16xf32>
      %parallel_loop3A_647 = arith.index_cast %parallel_loop3A_624 : i32 to index
      %parallel_loop3A_648 = arith.index_cast %parallel_loop3A_642 : i32 to index
      %parallel_loop3A_649 = tpu.vector_load %arg5[%parallel_loop3A_647, %parallel_loop3A_648] {strides = array<i32>} : memref<16x1024xf32, #tpu.memory_space<vmem>>, vector<1x16xf32>,
      %parallel_loop3A_650 = vector.shape_cast %parallel_loop3A_649 : vector<1x16xf32> to vector<16xf32>
      %parallel_loop3A_651 = arith.addf %parallel_loop3A_646, %parallel_loop3A_650 : vector<16xf32>
      %parallel_loop3A_652 = arith.index_cast %parallel_loop3A_624 : i32 to index
      %parallel_loop3A_653 = arith.index_cast %parallel_loop3A_642 : i32 to index
      %parallel_loop3A_654 = tpu.vector_load %arg11[%parallel_loop3A_652, %parallel_loop3A_653] {strides = array<i32>} : memref<16x1024xf32, #tpu.memory_space<vmem>>, vector<1x16xf32>,
      %parallel_loop3A_655 = vector.shape_cast %parallel_loop3A_654 : vector<1x16xf32> to vector<16xf32>
      %parallel_loop3A_656 = vector.shape_cast %parallel_loop3A_651 : vector<16xf32> to vector<1x16xf32>
      tpu.vector_store %arg11[%parallel_loop3A_652, %parallel_loop3A_653], %parallel_loop3A_656 {strides = array<i32>} : memref<16x1024xf32, #tpu.memory_space<vmem>>, vector<1x16xf32>,
    } {sc.loop_unroll_factor = 8 : i64, sc.parallel_access}
    %add3A_151 = arith.constant 0 : i32
    %add3A_152 = arith.addi %mul3A_2, %add3A_151 : i32
    %dma_start3A_153 = arith.constant 3 : i32
    %dma_start3A_154 = arith.constant 0 : i32
    %dma_start3A_155 = tpu.memref_slice %arg4[%dma_start3A_153, %add3A_152, %dma_start3A_154] : memref<4x2048x1024xf32, #tpu.memory_space<hbm>> -> memref<1x16x1024xf32, #tpu.memory_space<hbm>>
    %dma_start3A_156 = tpu.memref_squeeze %dma_start3A_155 : memref<1x16x1024xf32, #tpu.memory_space<hbm>> -> memref<16x1024xf32, #tpu.memory_space<hbm>>
    %dma_start3A_157 = arith.constant 0 : i32
    %dma_start3A_158 = tpu.memref_slice %arg4[%dma_start3A_153, %add3A_152, %dma_start3A_157] : memref<4x2048x1024xf32, #tpu.memory_space<hbm>> -> memref<1x16x1024xf32, #tpu.memory_space<hbm>>
    %dma_start3A_159 = tpu.memref_squeeze %dma_start3A_158 : memref<1x16x1024xf32, #tpu.memory_space<hbm>> -> memref<16x1024xf32, #tpu.memory_space<hbm>>
    tpu.enqueue_dma source(%arg11 : memref<16x1024xf32, #tpu.memory_space<vmem>>) target(%dma_start3A_159 : memref<16x1024xf32, #tpu.memory_space<hbm>>) target_semaphore(%arg18 : memref<!tpu.dma_semaphore, #tpu.memory_space<semaphore_mem>>)
    %add3A_160 = arith.constant 16 : i32
    %add3A_161 = arith.addi %mul3A_2, %add3A_160 : i32
    %dma_start3A_162 = arith.constant 2 : i32
    %dma_start3A_163 = arith.constant 0 : i32
    %dma_start3A_164 = tpu.memref_slice %arg2[%dma_start3A_162, %add3A_161, %dma_start3A_163] : memref<4x2048x1024xf32, #tpu.memory_space<hbm>> -> memref<1x16x1024xf32, #tpu.memory_space<hbm>>
    %dma_start3A_165 = tpu.memref_squeeze %dma_start3A_164 : memref<1x16x1024xf32, #tpu.memory_space<hbm>> -> memref<16x1024xf32, #tpu.memory_space<hbm>>
    %dma_start3A_166 = arith.constant 0 : i32
    %dma_start3A_167 = tpu.memref_slice %arg2[%dma_start3A_162, %add3A_161, %dma_start3A_166] : memref<4x2048x1024xf32, #tpu.memory_space<hbm>> -> memref<1x16x1024xf32, #tpu.memory_space<hbm>>
    %dma_start3A_168 = tpu.memref_squeeze %dma_start3A_167 : memref<1x16x1024xf32, #tpu.memory_space<hbm>> -> memref<16x1024xf32, #tpu.memory_space<hbm>>
    tpu.enqueue_dma source(%dma_start3A_168 : memref<16x1024xf32, #tpu.memory_space<hbm>>) target(%arg7 : memref<16x1024xf32, #tpu.memory_space<vmem>>) target_semaphore(%arg14 : memref<!tpu.dma_semaphore, #tpu.memory_space<semaphore_mem>>)
    %add3A_169 = arith.constant 32 : i32
    %add3A_170 = arith.addi %mul3A_2, %add3A_169 : i32
    %dma_start3A_171 = arith.constant 0 : i32
    %dma_start3A_172 = tpu.memref_slice %arg3[%add3A_170, %dma_start3A_171] : memref<2048x1024xf32, #tpu.memory_space<hbm>> -> memref<16x1024xf32, #tpu.memory_space<hbm>>
    %dma_start3A_173 = arith.constant 0 : i32
    %dma_start3A_174 = tpu.memref_slice %arg3[%add3A_170, %dma_start3A_173] : memref<2048x1024xf32, #tpu.memory_space<hbm>> -> memref<16x1024xf32, #tpu.memory_space<hbm>>
    tpu.enqueue_dma source(%dma_start3A_174 : memref<16x1024xf32, #tpu.memory_space<hbm>>) target(%arg5 : memref<16x1024xf32, #tpu.memory_space<vmem>>) target_semaphore(%arg12 : memref<!tpu.dma_semaphore, #tpu.memory_space<semaphore_mem>>)
    %dma_wait3A_175 = arith.constant 0 : i32
    %dma_wait3A_176 = tpu.memref_slice %arg3[%add3A_9, %dma_wait3A_175] : memref<2048x1024xf32, #tpu.memory_space<hbm>> -> memref<16x1024xf32, #tpu.memory_space<hbm>>
    %dma_wait3A_177 = arith.constant 0 : i32
    %dma_wait3A_178 = tpu.memref_slice %arg3[%add3A_9, %dma_wait3A_177] : memref<2048x1024xf32, #tpu.memory_space<hbm>> -> memref<16x1024xf32, #tpu.memory_space<hbm>>
    tpu.wait_dma2 semaphore(%arg13 : memref<!tpu.dma_semaphore, #tpu.memory_space<semaphore_mem>>) src(%dma_wait3A_178 : memref<16x1024xf32, #tpu.memory_space<hbm>>) dst(%arg6 : memref<16x1024xf32, #tpu.memory_space<vmem>>)
    %dma_wait3A_179 = arith.constant 0 : i32
    %dma_wait3A_180 = arith.constant 0 : i32
    %dma_wait3A_181 = tpu.memref_slice %arg2[%dma_wait3A_179, %add3A_91, %dma_wait3A_180] : memref<4x2048x1024xf32, #tpu.memory_space<hbm>> -> memref<1x16x1024xf32, #tpu.memory_space<hbm>>
    %dma_wait3A_182 = tpu.memref_squeeze %dma_wait3A_181 : memref<1x16x1024xf32, #tpu.memory_space<hbm>> -> memref<16x1024xf32, #tpu.memory_space<hbm>>
    %dma_wait3A_183 = arith.constant 0 : i32
    %dma_wait3A_184 = tpu.memref_slice %arg2[%dma_wait3A_179, %add3A_91, %dma_wait3A_183] : memref<4x2048x1024xf32, #tpu.memory_space<hbm>> -> memref<1x16x1024xf32, #tpu.memory_space<hbm>>
    %dma_wait3A_185 = tpu.memref_squeeze %dma_wait3A_184 : memref<1x16x1024xf32, #tpu.memory_space<hbm>> -> memref<16x1024xf32, #tpu.memory_space<hbm>>
    tpu.wait_dma2 semaphore(%arg15 : memref<!tpu.dma_semaphore, #tpu.memory_space<semaphore_mem>>) src(%dma_wait3A_185 : memref<16x1024xf32, #tpu.memory_space<hbm>>) dst(%arg8 : memref<16x1024xf32, #tpu.memory_space<vmem>>)
    %dma_wait3A_186 = arith.constant 2 : i32
    %dma_wait3A_187 = arith.constant 0 : i32
    %dma_wait3A_188 = tpu.memref_slice %arg4[%dma_wait3A_186, %add3A_117, %dma_wait3A_187] : memref<4x2048x1024xf32, #tpu.memory_space<hbm>> -> memref<1x16x1024xf32, #tpu.memory_space<hbm>>
    %dma_wait3A_189 = tpu.memref_squeeze %dma_wait3A_188 : memref<1x16x1024xf32, #tpu.memory_space<hbm>> -> memref<16x1024xf32, #tpu.memory_space<hbm>>
    %dma_wait3A_190 = arith.constant 0 : i32
    %dma_wait3A_191 = tpu.memref_slice %arg4[%dma_wait3A_186, %add3A_117, %dma_wait3A_190] : memref<4x2048x1024xf32, #tpu.memory_space<hbm>> -> memref<1x16x1024xf32, #tpu.memory_space<hbm>>
    %dma_wait3A_192 = tpu.memref_squeeze %dma_wait3A_191 : memref<1x16x1024xf32, #tpu.memory_space<hbm>> -> memref<16x1024xf32, #tpu.memory_space<hbm>>
    tpu.wait_dma2 semaphore(%arg17 : memref<!tpu.dma_semaphore, #tpu.memory_space<semaphore_mem>>) src(%arg10 : memref<16x1024xf32, #tpu.memory_space<vmem>>) dst(%dma_wait3A_192 : memref<16x1024xf32, #tpu.memory_space<hbm>>)
    %parallel_loop3A_193 = arith.constant 0 : i32
    %parallel_loop3A_194 = arith.constant 1024 : i32
    %parallel_loop3A_195 = arith.constant 1 : i32
    scf.for %parallel_loop3A_600 = %parallel_loop3A_193 to %parallel_loop3A_194 step %parallel_loop3A_195  : i32 {
      %parallel_loop3A_601 = arith.constant 64 : i32
      %parallel_loop3A_602 = arith.divsi %parallel_loop3A_600, %parallel_loop3A_601 : i32
      %parallel_loop3A_603 = arith.constant 0 : i32
      %parallel_loop3A_604 = arith.cmpi sgt, %parallel_loop3A_600, %parallel_loop3A_603 : i32
      %parallel_loop3A_605 = arith.extui %parallel_loop3A_604 : i1 to i32
      %parallel_loop3A_606 = arith.constant 0 : i32
      %parallel_loop3A_607 = arith.cmpi slt, %parallel_loop3A_600, %parallel_loop3A_606 : i32
      %parallel_loop3A_608 = arith.extui %parallel_loop3A_607 : i1 to i32
      %parallel_loop3A_609 = arith.subi %parallel_loop3A_605, %parallel_loop3A_608 : i32
      %parallel_loop3A_610 = arith.constant 0 : i32
      %parallel_loop3A_611 = arith.cmpi sgt, %parallel_loop3A_601, %parallel_loop3A_610 : i32
      %parallel_loop3A_612 = arith.extui %parallel_loop3A_611 : i1 to i32
      %parallel_loop3A_613 = arith.constant 0 : i32
      %parallel_loop3A_614 = arith.cmpi slt, %parallel_loop3A_601, %parallel_loop3A_613 : i32
      %parallel_loop3A_615 = arith.extui %parallel_loop3A_614 : i1 to i32
      %parallel_loop3A_616 = arith.subi %parallel_loop3A_612, %parallel_loop3A_615 : i32
      %parallel_loop3A_617 = arith.cmpi ne, %parallel_loop3A_609, %parallel_loop3A_616 : i32
      %parallel_loop3A_618 = arith.remsi %parallel_loop3A_600, %parallel_loop3A_601 : i32
      %parallel_loop3A_619 = arith.constant 0 : i32
      %parallel_loop3A_620 = arith.cmpi ne, %parallel_loop3A_618, %parallel_loop3A_619 : i32
      %parallel_loop3A_621 = arith.andi %parallel_loop3A_617, %parallel_loop3A_620 : i1
      %parallel_loop3A_622 = arith.constant 1 : i32
      %parallel_loop3A_623 = arith.subi %parallel_loop3A_602, %parallel_loop3A_622 : i32
      %parallel_loop3A_624 = arith.select %parallel_loop3A_621, %parallel_loop3A_623, %parallel_loop3A_602 : i32
      %parallel_loop3A_625 = arith.constant 64 : i32
      %parallel_loop3A_626 = arith.constant 0 : i32
      %parallel_loop3A_627 = arith.cmpi eq, %parallel_loop3A_625, %parallel_loop3A_626 : i32
      %parallel_loop3A_628 = arith.constant 1 : i32
      %parallel_loop3A_629 = arith.select %parallel_loop3A_627, %parallel_loop3A_628, %parallel_loop3A_625 : i32
      %parallel_loop3A_630 = arith.remsi %parallel_loop3A_600, %parallel_loop3A_629 : i32
      %parallel_loop3A_631 = arith.constant 0 : i32
      %parallel_loop3A_632 = arith.cmpi ne, %parallel_loop3A_630, %parallel_loop3A_631 : i32
      %parallel_loop3A_633 = arith.constant 0 : i32
      %parallel_loop3A_634 = arith.cmpi slt, %parallel_loop3A_630, %parallel_loop3A_633 : i32
      %parallel_loop3A_635 = arith.constant 0 : i32
      %parallel_loop3A_636 = arith.cmpi slt, %parallel_loop3A_629, %parallel_loop3A_635 : i32
      %parallel_loop3A_637 = arith.xori %parallel_loop3A_634, %parallel_loop3A_636 : i1
      %parallel_loop3A_638 = arith.andi %parallel_loop3A_637, %parallel_loop3A_632 : i1
      %parallel_loop3A_639 = arith.addi %parallel_loop3A_630, %parallel_loop3A_629 : i32
      %parallel_loop3A_640 = arith.select %parallel_loop3A_638, %parallel_loop3A_639, %parallel_loop3A_630 : i32
      %parallel_loop3A_641 = arith.constant 16 : i32
      %parallel_loop3A_642 = arith.muli %parallel_loop3A_640, %parallel_loop3A_641 : i32
      %parallel_loop3A_643 = arith.index_cast %parallel_loop3A_624 : i32 to index
      %parallel_loop3A_644 = arith.index_cast %parallel_loop3A_642 : i32 to index
      %parallel_loop3A_645 = tpu.vector_load %arg8[%parallel_loop3A_643, %parallel_loop3A_644] {strides = array<i32>} : memref<16x1024xf32, #tpu.memory_space<vmem>>, vector<1x16xf32>,
      %parallel_loop3A_646 = vector.shape_cast %parallel_loop3A_645 : vector<1x16xf32> to vector<16xf32>
      %parallel_loop3A_647 = arith.index_cast %parallel_loop3A_624 : i32 to index
      %parallel_loop3A_648 = arith.index_cast %parallel_loop3A_642 : i32 to index
      %parallel_loop3A_649 = tpu.vector_load %arg6[%parallel_loop3A_647, %parallel_loop3A_648] {strides = array<i32>} : memref<16x1024xf32, #tpu.memory_space<vmem>>, vector<1x16xf32>,
      %parallel_loop3A_650 = vector.shape_cast %parallel_loop3A_649 : vector<1x16xf32> to vector<16xf32>
      %parallel_loop3A_651 = arith.addf %parallel_loop3A_646, %parallel_loop3A_650 : vector<16xf32>
      %parallel_loop3A_652 = arith.index_cast %parallel_loop3A_624 : i32 to index
      %parallel_loop3A_653 = arith.index_cast %parallel_loop3A_642 : i32 to index
      %parallel_loop3A_654 = tpu.vector_load %arg10[%parallel_loop3A_652, %parallel_loop3A_653] {strides = array<i32>} : memref<16x1024xf32, #tpu.memory_space<vmem>>, vector<1x16xf32>,
      %parallel_loop3A_655 = vector.shape_cast %parallel_loop3A_654 : vector<1x16xf32> to vector<16xf32>
      %parallel_loop3A_656 = vector.shape_cast %parallel_loop3A_651 : vector<16xf32> to vector<1x16xf32>
      tpu.vector_store %arg10[%parallel_loop3A_652, %parallel_loop3A_653], %parallel_loop3A_656 {strides = array<i32>} : memref<16x1024xf32, #tpu.memory_space<vmem>>, vector<1x16xf32>,
    } {sc.loop_unroll_factor = 8 : i64, sc.parallel_access}
    %add3A_196 = arith.constant 16 : i32
    %add3A_197 = arith.addi %mul3A_2, %add3A_196 : i32
    %dma_start3A_198 = arith.constant 0 : i32
    %dma_start3A_199 = arith.constant 0 : i32
    %dma_start3A_200 = tpu.memref_slice %arg4[%dma_start3A_198, %add3A_197, %dma_start3A_199] : memref<4x2048x1024xf32, #tpu.memory_space<hbm>> -> memref<1x16x1024xf32, #tpu.memory_space<hbm>>
    %dma_start3A_201 = tpu.memref_squeeze %dma_start3A_200 : memref<1x16x1024xf32, #tpu.memory_space<hbm>> -> memref<16x1024xf32, #tpu.memory_space<hbm>>
    %dma_start3A_202 = arith.constant 0 : i32
    %dma_start3A_203 = tpu.memref_slice %arg4[%dma_start3A_198, %add3A_197, %dma_start3A_202] : memref<4x2048x1024xf32, #tpu.memory_space<hbm>> -> memref<1x16x1024xf32, #tpu.memory_space<hbm>>
    %dma_start3A_204 = tpu.memref_squeeze %dma_start3A_203 : memref<1x16x1024xf32, #tpu.memory_space<hbm>> -> memref<16x1024xf32, #tpu.memory_space<hbm>>
    tpu.enqueue_dma source(%arg10 : memref<16x1024xf32, #tpu.memory_space<vmem>>) target(%dma_start3A_204 : memref<16x1024xf32, #tpu.memory_space<hbm>>) target_semaphore(%arg17 : memref<!tpu.dma_semaphore, #tpu.memory_space<semaphore_mem>>)
    %add3A_205 = arith.constant 16 : i32
    %add3A_206 = arith.addi %mul3A_2, %add3A_205 : i32
    %dma_start3A_207 = arith.constant 3 : i32
    %dma_start3A_208 = arith.constant 0 : i32
    %dma_start3A_209 = tpu.memref_slice %arg2[%dma_start3A_207, %add3A_206, %dma_start3A_208] : memref<4x2048x1024xf32, #tpu.memory_space<hbm>> -> memref<1x16x1024xf32, #tpu.memory_space<hbm>>
    %dma_start3A_210 = tpu.memref_squeeze %dma_start3A_209 : memref<1x16x1024xf32, #tpu.memory_space<hbm>> -> memref<16x1024xf32, #tpu.memory_space<hbm>>
    %dma_start3A_211 = arith.constant 0 : i32
    %dma_start3A_212 = tpu.memref_slice %arg2[%dma_start3A_207, %add3A_206, %dma_start3A_211] : memref<4x2048x1024xf32, #tpu.memory_space<hbm>> -> memref<1x16x1024xf32, #tpu.memory_space<hbm>>
    %dma_start3A_213 = tpu.memref_squeeze %dma_start3A_212 : memref<1x16x1024xf32, #tpu.memory_space<hbm>> -> memref<16x1024xf32, #tpu.memory_space<hbm>>
    tpu.enqueue_dma source(%dma_start3A_213 : memref<16x1024xf32, #tpu.memory_space<hbm>>) target(%arg8 : memref<16x1024xf32, #tpu.memory_space<vmem>>) target_semaphore(%arg15 : memref<!tpu.dma_semaphore, #tpu.memory_space<semaphore_mem>>)
    %dma_wait3A_214 = arith.constant 1 : i32
    %dma_wait3A_215 = arith.constant 0 : i32
    %dma_wait3A_216 = tpu.memref_slice %arg2[%dma_wait3A_214, %add3A_126, %dma_wait3A_215] : memref<4x2048x1024xf32, #tpu.memory_space<hbm>> -> memref<1x16x1024xf32, #tpu.memory_space<hbm>>
    %dma_wait3A_217 = tpu.memref_squeeze %dma_wait3A_216 : memref<1x16x1024xf32, #tpu.memory_space<hbm>> -> memref<16x1024xf32, #tpu.memory_space<hbm>>
    %dma_wait3A_218 = arith.constant 0 : i32
    %dma_wait3A_219 = tpu.memref_slice %arg2[%dma_wait3A_214, %add3A_126, %dma_wait3A_218] : memref<4x2048x1024xf32, #tpu.memory_space<hbm>> -> memref<1x16x1024xf32, #tpu.memory_space<hbm>>
    %dma_wait3A_220 = tpu.memref_squeeze %dma_wait3A_219 : memref<1x16x1024xf32, #tpu.memory_space<hbm>> -> memref<16x1024xf32, #tpu.memory_space<hbm>>
    tpu.wait_dma2 semaphore(%arg16 : memref<!tpu.dma_semaphore, #tpu.memory_space<semaphore_mem>>) src(%dma_wait3A_220 : memref<16x1024xf32, #tpu.memory_space<hbm>>) dst(%arg9 : memref<16x1024xf32, #tpu.memory_space<vmem>>)
    %dma_wait3A_221 = arith.constant 3 : i32
    %dma_wait3A_222 = arith.constant 0 : i32
    %dma_wait3A_223 = tpu.memref_slice %arg4[%dma_wait3A_221, %add3A_152, %dma_wait3A_222] : memref<4x2048x1024xf32, #tpu.memory_space<hbm>> -> memref<1x16x1024xf32, #tpu.memory_space<hbm>>
    %dma_wait3A_224 = tpu.memref_squeeze %dma_wait3A_223 : memref<1x16x1024xf32, #tpu.memory_space<hbm>> -> memref<16x1024xf32, #tpu.memory_space<hbm>>
    %dma_wait3A_225 = arith.constant 0 : i32
    %dma_wait3A_226 = tpu.memref_slice %arg4[%dma_wait3A_221, %add3A_152, %dma_wait3A_225] : memref<4x2048x1024xf32, #tpu.memory_space<hbm>> -> memref<1x16x1024xf32, #tpu.memory_space<hbm>>
    %dma_wait3A_227 = tpu.memref_squeeze %dma_wait3A_226 : memref<1x16x1024xf32, #tpu.memory_space<hbm>> -> memref<16x1024xf32, #tpu.memory_space<hbm>>
    tpu.wait_dma2 semaphore(%arg18 : memref<!tpu.dma_semaphore, #tpu.memory_space<semaphore_mem>>) src(%arg11 : memref<16x1024xf32, #tpu.memory_space<vmem>>) dst(%dma_wait3A_227 : memref<16x1024xf32, #tpu.memory_space<hbm>>)
    %parallel_loop3A_228 = arith.constant 0 : i32
    %parallel_loop3A_229 = arith.constant 1024 : i32
    %parallel_loop3A_230 = arith.constant 1 : i32
    scf.for %parallel_loop3A_600 = %parallel_loop3A_228 to %parallel_loop3A_229 step %parallel_loop3A_230  : i32 {
      %parallel_loop3A_601 = arith.constant 64 : i32
      %parallel_loop3A_602 = arith.divsi %parallel_loop3A_600, %parallel_loop3A_601 : i32
      %parallel_loop3A_603 = arith.constant 0 : i32
      %parallel_loop3A_604 = arith.cmpi sgt, %parallel_loop3A_600, %parallel_loop3A_603 : i32
      %parallel_loop3A_605 = arith.extui %parallel_loop3A_604 : i1 to i32
      %parallel_loop3A_606 = arith.constant 0 : i32
      %parallel_loop3A_607 = arith.cmpi slt, %parallel_loop3A_600, %parallel_loop3A_606 : i32
      %parallel_loop3A_608 = arith.extui %parallel_loop3A_607 : i1 to i32
      %parallel_loop3A_609 = arith.subi %parallel_loop3A_605, %parallel_loop3A_608 : i32
      %parallel_loop3A_610 = arith.constant 0 : i32
      %parallel_loop3A_611 = arith.cmpi sgt, %parallel_loop3A_601, %parallel_loop3A_610 : i32
      %parallel_loop3A_612 = arith.extui %parallel_loop3A_611 : i1 to i32
      %parallel_loop3A_613 = arith.constant 0 : i32
      %parallel_loop3A_614 = arith.cmpi slt, %parallel_loop3A_601, %parallel_loop3A_613 : i32
      %parallel_loop3A_615 = arith.extui %parallel_loop3A_614 : i1 to i32
      %parallel_loop3A_616 = arith.subi %parallel_loop3A_612, %parallel_loop3A_615 : i32
      %parallel_loop3A_617 = arith.cmpi ne, %parallel_loop3A_609, %parallel_loop3A_616 : i32
      %parallel_loop3A_618 = arith.remsi %parallel_loop3A_600, %parallel_loop3A_601 : i32
      %parallel_loop3A_619 = arith.constant 0 : i32
      %parallel_loop3A_620 = arith.cmpi ne, %parallel_loop3A_618, %parallel_loop3A_619 : i32
      %parallel_loop3A_621 = arith.andi %parallel_loop3A_617, %parallel_loop3A_620 : i1
      %parallel_loop3A_622 = arith.constant 1 : i32
      %parallel_loop3A_623 = arith.subi %parallel_loop3A_602, %parallel_loop3A_622 : i32
      %parallel_loop3A_624 = arith.select %parallel_loop3A_621, %parallel_loop3A_623, %parallel_loop3A_602 : i32
      %parallel_loop3A_625 = arith.constant 64 : i32
      %parallel_loop3A_626 = arith.constant 0 : i32
      %parallel_loop3A_627 = arith.cmpi eq, %parallel_loop3A_625, %parallel_loop3A_626 : i32
      %parallel_loop3A_628 = arith.constant 1 : i32
      %parallel_loop3A_629 = arith.select %parallel_loop3A_627, %parallel_loop3A_628, %parallel_loop3A_625 : i32
      %parallel_loop3A_630 = arith.remsi %parallel_loop3A_600, %parallel_loop3A_629 : i32
      %parallel_loop3A_631 = arith.constant 0 : i32
      %parallel_loop3A_632 = arith.cmpi ne, %parallel_loop3A_630, %parallel_loop3A_631 : i32
      %parallel_loop3A_633 = arith.constant 0 : i32
      %parallel_loop3A_634 = arith.cmpi slt, %parallel_loop3A_630, %parallel_loop3A_633 : i32
      %parallel_loop3A_635 = arith.constant 0 : i32
      %parallel_loop3A_636 = arith.cmpi slt, %parallel_loop3A_629, %parallel_loop3A_635 : i32
      %parallel_loop3A_637 = arith.xori %parallel_loop3A_634, %parallel_loop3A_636 : i1
      %parallel_loop3A_638 = arith.andi %parallel_loop3A_637, %parallel_loop3A_632 : i1
      %parallel_loop3A_639 = arith.addi %parallel_loop3A_630, %parallel_loop3A_629 : i32
      %parallel_loop3A_640 = arith.select %parallel_loop3A_638, %parallel_loop3A_639, %parallel_loop3A_630 : i32
      %parallel_loop3A_641 = arith.constant 16 : i32
      %parallel_loop3A_642 = arith.muli %parallel_loop3A_640, %parallel_loop3A_641 : i32
      %parallel_loop3A_643 = arith.index_cast %parallel_loop3A_624 : i32 to index
      %parallel_loop3A_644 = arith.index_cast %parallel_loop3A_642 : i32 to index
      %parallel_loop3A_645 = tpu.vector_load %arg9[%parallel_loop3A_643, %parallel_loop3A_644] {strides = array<i32>} : memref<16x1024xf32, #tpu.memory_space<vmem>>, vector<1x16xf32>,
      %parallel_loop3A_646 = vector.shape_cast %parallel_loop3A_645 : vector<1x16xf32> to vector<16xf32>
      %parallel_loop3A_647 = arith.index_cast %parallel_loop3A_624 : i32 to index
      %parallel_loop3A_648 = arith.index_cast %parallel_loop3A_642 : i32 to index
      %parallel_loop3A_649 = tpu.vector_load %arg6[%parallel_loop3A_647, %parallel_loop3A_648] {strides = array<i32>} : memref<16x1024xf32, #tpu.memory_space<vmem>>, vector<1x16xf32>,
      %parallel_loop3A_650 = vector.shape_cast %parallel_loop3A_649 : vector<1x16xf32> to vector<16xf32>
      %parallel_loop3A_651 = arith.addf %parallel_loop3A_646, %parallel_loop3A_650 : vector<16xf32>
      %parallel_loop3A_652 = arith.index_cast %parallel_loop3A_624 : i32 to index
      %parallel_loop3A_653 = arith.index_cast %parallel_loop3A_642 : i32 to index
      %parallel_loop3A_654 = tpu.vector_load %arg11[%parallel_loop3A_652, %parallel_loop3A_653] {strides = array<i32>} : memref<16x1024xf32, #tpu.memory_space<vmem>>, vector<1x16xf32>,
      %parallel_loop3A_655 = vector.shape_cast %parallel_loop3A_654 : vector<1x16xf32> to vector<16xf32>
      %parallel_loop3A_656 = vector.shape_cast %parallel_loop3A_651 : vector<16xf32> to vector<1x16xf32>
      tpu.vector_store %arg11[%parallel_loop3A_652, %parallel_loop3A_653], %parallel_loop3A_656 {strides = array<i32>} : memref<16x1024xf32, #tpu.memory_space<vmem>>, vector<1x16xf32>,
    } {sc.loop_unroll_factor = 8 : i64, sc.parallel_access}
    %add3A_231 = arith.constant 16 : i32
    %add3A_232 = arith.addi %mul3A_2, %add3A_231 : i32
    %dma_start3A_233 = arith.constant 1 : i32
    %dma_start3A_234 = arith.constant 0 : i32
    %dma_start3A_235 = tpu.memref_slice %arg4[%dma_start3A_233, %add3A_232, %dma_start3A_234] : memref<4x2048x1024xf32, #tpu.memory_space<hbm>> -> memref<1x16x1024xf32, #tpu.memory_space<hbm>>
    %dma_start3A_236 = tpu.memref_squeeze %dma_start3A_235 : memref<1x16x1024xf32, #tpu.memory_space<hbm>> -> memref<16x1024xf32, #tpu.memory_space<hbm>>
    %dma_start3A_237 = arith.constant 0 : i32
    %dma_start3A_238 = tpu.memref_slice %arg4[%dma_start3A_233, %add3A_232, %dma_start3A_237] : memref<4x2048x1024xf32, #tpu.memory_space<hbm>> -> memref<1x16x1024xf32, #tpu.memory_space<hbm>>
    %dma_start3A_239 = tpu.memref_squeeze %dma_start3A_238 : memref<1x16x1024xf32, #tpu.memory_space<hbm>> -> memref<16x1024xf32, #tpu.memory_space<hbm>>
    tpu.enqueue_dma source(%arg11 : memref<16x1024xf32, #tpu.memory_space<vmem>>) target(%dma_start3A_239 : memref<16x1024xf32, #tpu.memory_space<hbm>>) target_semaphore(%arg18 : memref<!tpu.dma_semaphore, #tpu.memory_space<semaphore_mem>>)
    %add3A_240 = arith.constant 32 : i32
    %add3A_241 = arith.addi %mul3A_2, %add3A_240 : i32
    %dma_start3A_242 = arith.constant 0 : i32
    %dma_start3A_243 = arith.constant 0 : i32
    %dma_start3A_244 = tpu.memref_slice %arg2[%dma_start3A_242, %add3A_241, %dma_start3A_243] : memref<4x2048x1024xf32, #tpu.memory_space<hbm>> -> memref<1x16x1024xf32, #tpu.memory_space<hbm>>
    %dma_start3A_245 = tpu.memref_squeeze %dma_start3A_244 : memref<1x16x1024xf32, #tpu.memory_space<hbm>> -> memref<16x1024xf32, #tpu.memory_space<hbm>>
    %dma_start3A_246 = arith.constant 0 : i32
    %dma_start3A_247 = tpu.memref_slice %arg2[%dma_start3A_242, %add3A_241, %dma_start3A_246] : memref<4x2048x1024xf32, #tpu.memory_space<hbm>> -> memref<1x16x1024xf32, #tpu.memory_space<hbm>>
    %dma_start3A_248 = tpu.memref_squeeze %dma_start3A_247 : memref<1x16x1024xf32, #tpu.memory_space<hbm>> -> memref<16x1024xf32, #tpu.memory_space<hbm>>
    tpu.enqueue_dma source(%dma_start3A_248 : memref<16x1024xf32, #tpu.memory_space<hbm>>) target(%arg9 : memref<16x1024xf32, #tpu.memory_space<vmem>>) target_semaphore(%arg16 : memref<!tpu.dma_semaphore, #tpu.memory_space<semaphore_mem>>)
    %dma_wait3A_249 = arith.constant 2 : i32
    %dma_wait3A_250 = arith.constant 0 : i32
    %dma_wait3A_251 = tpu.memref_slice %arg2[%dma_wait3A_249, %add3A_161, %dma_wait3A_250] : memref<4x2048x1024xf32, #tpu.memory_space<hbm>> -> memref<1x16x1024xf32, #tpu.memory_space<hbm>>
    %dma_wait3A_252 = tpu.memref_squeeze %dma_wait3A_251 : memref<1x16x1024xf32, #tpu.memory_space<hbm>> -> memref<16x1024xf32, #tpu.memory_space<hbm>>
    %dma_wait3A_253 = arith.constant 0 : i32
    %dma_wait3A_254 = tpu.memref_slice %arg2[%dma_wait3A_249, %add3A_161, %dma_wait3A_253] : memref<4x2048x1024xf32, #tpu.memory_space<hbm>> -> memref<1x16x1024xf32, #tpu.memory_space<hbm>>
    %dma_wait3A_255 = tpu.memref_squeeze %dma_wait3A_254 : memref<1x16x1024xf32, #tpu.memory_space<hbm>> -> memref<16x1024xf32, #tpu.memory_space<hbm>>
    tpu.wait_dma2 semaphore(%arg14 : memref<!tpu.dma_semaphore, #tpu.memory_space<semaphore_mem>>) src(%dma_wait3A_255 : memref<16x1024xf32, #tpu.memory_space<hbm>>) dst(%arg7 : memref<16x1024xf32, #tpu.memory_space<vmem>>)
    %dma_wait3A_256 = arith.constant 0 : i32
    %dma_wait3A_257 = arith.constant 0 : i32
    %dma_wait3A_258 = tpu.memref_slice %arg4[%dma_wait3A_256, %add3A_197, %dma_wait3A_257] : memref<4x2048x1024xf32, #tpu.memory_space<hbm>> -> memref<1x16x1024xf32, #tpu.memory_space<hbm>>
    %dma_wait3A_259 = tpu.memref_squeeze %dma_wait3A_258 : memref<1x16x1024xf32, #tpu.memory_space<hbm>> -> memref<16x1024xf32, #tpu.memory_space<hbm>>
    %dma_wait3A_260 = arith.constant 0 : i32
    %dma_wait3A_261 = tpu.memref_slice %arg4[%dma_wait3A_256, %add3A_197, %dma_wait3A_260] : memref<4x2048x1024xf32, #tpu.memory_space<hbm>> -> memref<1x16x1024xf32, #tpu.memory_space<hbm>>
    %dma_wait3A_262 = tpu.memref_squeeze %dma_wait3A_261 : memref<1x16x1024xf32, #tpu.memory_space<hbm>> -> memref<16x1024xf32, #tpu.memory_space<hbm>>
    tpu.wait_dma2 semaphore(%arg17 : memref<!tpu.dma_semaphore, #tpu.memory_space<semaphore_mem>>) src(%arg10 : memref<16x1024xf32, #tpu.memory_space<vmem>>) dst(%dma_wait3A_262 : memref<16x1024xf32, #tpu.memory_space<hbm>>)
    %parallel_loop3A_263 = arith.constant 0 : i32
    %parallel_loop3A_264 = arith.constant 1024 : i32
    %parallel_loop3A_265 = arith.constant 1 : i32
    scf.for %parallel_loop3A_600 = %parallel_loop3A_263 to %parallel_loop3A_264 step %parallel_loop3A_265  : i32 {
      %parallel_loop3A_601 = arith.constant 64 : i32
      %parallel_loop3A_602 = arith.divsi %parallel_loop3A_600, %parallel_loop3A_601 : i32
      %parallel_loop3A_603 = arith.constant 0 : i32
      %parallel_loop3A_604 = arith.cmpi sgt, %parallel_loop3A_600, %parallel_loop3A_603 : i32
      %parallel_loop3A_605 = arith.extui %parallel_loop3A_604 : i1 to i32
      %parallel_loop3A_606 = arith.constant 0 : i32
      %parallel_loop3A_607 = arith.cmpi slt, %parallel_loop3A_600, %parallel_loop3A_606 : i32
      %parallel_loop3A_608 = arith.extui %parallel_loop3A_607 : i1 to i32
      %parallel_loop3A_609 = arith.subi %parallel_loop3A_605, %parallel_loop3A_608 : i32
      %parallel_loop3A_610 = arith.constant 0 : i32
      %parallel_loop3A_611 = arith.cmpi sgt, %parallel_loop3A_601, %parallel_loop3A_610 : i32
      %parallel_loop3A_612 = arith.extui %parallel_loop3A_611 : i1 to i32
      %parallel_loop3A_613 = arith.constant 0 : i32
      %parallel_loop3A_614 = arith.cmpi slt, %parallel_loop3A_601, %parallel_loop3A_613 : i32
      %parallel_loop3A_615 = arith.extui %parallel_loop3A_614 : i1 to i32
      %parallel_loop3A_616 = arith.subi %parallel_loop3A_612, %parallel_loop3A_615 : i32
      %parallel_loop3A_617 = arith.cmpi ne, %parallel_loop3A_609, %parallel_loop3A_616 : i32
      %parallel_loop3A_618 = arith.remsi %parallel_loop3A_600, %parallel_loop3A_601 : i32
      %parallel_loop3A_619 = arith.constant 0 : i32
      %parallel_loop3A_620 = arith.cmpi ne, %parallel_loop3A_618, %parallel_loop3A_619 : i32
      %parallel_loop3A_621 = arith.andi %parallel_loop3A_617, %parallel_loop3A_620 : i1
      %parallel_loop3A_622 = arith.constant 1 : i32
      %parallel_loop3A_623 = arith.subi %parallel_loop3A_602, %parallel_loop3A_622 : i32
      %parallel_loop3A_624 = arith.select %parallel_loop3A_621, %parallel_loop3A_623, %parallel_loop3A_602 : i32
      %parallel_loop3A_625 = arith.constant 64 : i32
      %parallel_loop3A_626 = arith.constant 0 : i32
      %parallel_loop3A_627 = arith.cmpi eq, %parallel_loop3A_625, %parallel_loop3A_626 : i32
      %parallel_loop3A_628 = arith.constant 1 : i32
      %parallel_loop3A_629 = arith.select %parallel_loop3A_627, %parallel_loop3A_628, %parallel_loop3A_625 : i32
      %parallel_loop3A_630 = arith.remsi %parallel_loop3A_600, %parallel_loop3A_629 : i32
      %parallel_loop3A_631 = arith.constant 0 : i32
      %parallel_loop3A_632 = arith.cmpi ne, %parallel_loop3A_630, %parallel_loop3A_631 : i32
      %parallel_loop3A_633 = arith.constant 0 : i32
      %parallel_loop3A_634 = arith.cmpi slt, %parallel_loop3A_630, %parallel_loop3A_633 : i32
      %parallel_loop3A_635 = arith.constant 0 : i32
      %parallel_loop3A_636 = arith.cmpi slt, %parallel_loop3A_629, %parallel_loop3A_635 : i32
      %parallel_loop3A_637 = arith.xori %parallel_loop3A_634, %parallel_loop3A_636 : i1
      %parallel_loop3A_638 = arith.andi %parallel_loop3A_637, %parallel_loop3A_632 : i1
      %parallel_loop3A_639 = arith.addi %parallel_loop3A_630, %parallel_loop3A_629 : i32
      %parallel_loop3A_640 = arith.select %parallel_loop3A_638, %parallel_loop3A_639, %parallel_loop3A_630 : i32
      %parallel_loop3A_641 = arith.constant 16 : i32
      %parallel_loop3A_642 = arith.muli %parallel_loop3A_640, %parallel_loop3A_641 : i32
      %parallel_loop3A_643 = arith.index_cast %parallel_loop3A_624 : i32 to index
      %parallel_loop3A_644 = arith.index_cast %parallel_loop3A_642 : i32 to index
      %parallel_loop3A_645 = tpu.vector_load %arg7[%parallel_loop3A_643, %parallel_loop3A_644] {strides = array<i32>} : memref<16x1024xf32, #tpu.memory_space<vmem>>, vector<1x16xf32>,
      %parallel_loop3A_646 = vector.shape_cast %parallel_loop3A_645 : vector<1x16xf32> to vector<16xf32>
      %parallel_loop3A_647 = arith.index_cast %parallel_loop3A_624 : i32 to index
      %parallel_loop3A_648 = arith.index_cast %parallel_loop3A_642 : i32 to index
      %parallel_loop3A_649 = tpu.vector_load %arg6[%parallel_loop3A_647, %parallel_loop3A_648] {strides = array<i32>} : memref<16x1024xf32, #tpu.memory_space<vmem>>, vector<1x16xf32>,
      %parallel_loop3A_650 = vector.shape_cast %parallel_loop3A_649 : vector<1x16xf32> to vector<16xf32>
      %parallel_loop3A_651 = arith.addf %parallel_loop3A_646, %parallel_loop3A_650 : vector<16xf32>
      %parallel_loop3A_652 = arith.index_cast %parallel_loop3A_624 : i32 to index
      %parallel_loop3A_653 = arith.index_cast %parallel_loop3A_642 : i32 to index
      %parallel_loop3A_654 = tpu.vector_load %arg10[%parallel_loop3A_652, %parallel_loop3A_653] {strides = array<i32>} : memref<16x1024xf32, #tpu.memory_space<vmem>>, vector<1x16xf32>,
      %parallel_loop3A_655 = vector.shape_cast %parallel_loop3A_654 : vector<1x16xf32> to vector<16xf32>
      %parallel_loop3A_656 = vector.shape_cast %parallel_loop3A_651 : vector<16xf32> to vector<1x16xf32>
      tpu.vector_store %arg10[%parallel_loop3A_652, %parallel_loop3A_653], %parallel_loop3A_656 {strides = array<i32>} : memref<16x1024xf32, #tpu.memory_space<vmem>>, vector<1x16xf32>,
    } {sc.loop_unroll_factor = 8 : i64, sc.parallel_access}
    %add3A_266 = arith.constant 16 : i32
    %add3A_267 = arith.addi %mul3A_2, %add3A_266 : i32
    %dma_start3A_268 = arith.constant 2 : i32
    %dma_start3A_269 = arith.constant 0 : i32
    %dma_start3A_270 = tpu.memref_slice %arg4[%dma_start3A_268, %add3A_267, %dma_start3A_269] : memref<4x2048x1024xf32, #tpu.memory_space<hbm>> -> memref<1x16x1024xf32, #tpu.memory_space<hbm>>
    %dma_start3A_271 = tpu.memref_squeeze %dma_start3A_270 : memref<1x16x1024xf32, #tpu.memory_space<hbm>> -> memref<16x1024xf32, #tpu.memory_space<hbm>>
    %dma_start3A_272 = arith.constant 0 : i32
    %dma_start3A_273 = tpu.memref_slice %arg4[%dma_start3A_268, %add3A_267, %dma_start3A_272] : memref<4x2048x1024xf32, #tpu.memory_space<hbm>> -> memref<1x16x1024xf32, #tpu.memory_space<hbm>>
    %dma_start3A_274 = tpu.memref_squeeze %dma_start3A_273 : memref<1x16x1024xf32, #tpu.memory_space<hbm>> -> memref<16x1024xf32, #tpu.memory_space<hbm>>
    tpu.enqueue_dma source(%arg10 : memref<16x1024xf32, #tpu.memory_space<vmem>>) target(%dma_start3A_274 : memref<16x1024xf32, #tpu.memory_space<hbm>>) target_semaphore(%arg17 : memref<!tpu.dma_semaphore, #tpu.memory_space<semaphore_mem>>)
    %add3A_275 = arith.constant 32 : i32
    %add3A_276 = arith.addi %mul3A_2, %add3A_275 : i32
    %dma_start3A_277 = arith.constant 1 : i32
    %dma_start3A_278 = arith.constant 0 : i32
    %dma_start3A_279 = tpu.memref_slice %arg2[%dma_start3A_277, %add3A_276, %dma_start3A_278] : memref<4x2048x1024xf32, #tpu.memory_space<hbm>> -> memref<1x16x1024xf32, #tpu.memory_space<hbm>>
    %dma_start3A_280 = tpu.memref_squeeze %dma_start3A_279 : memref<1x16x1024xf32, #tpu.memory_space<hbm>> -> memref<16x1024xf32, #tpu.memory_space<hbm>>
    %dma_start3A_281 = arith.constant 0 : i32
    %dma_start3A_282 = tpu.memref_slice %arg2[%dma_start3A_277, %add3A_276, %dma_start3A_281] : memref<4x2048x1024xf32, #tpu.memory_space<hbm>> -> memref<1x16x1024xf32, #tpu.memory_space<hbm>>
    %dma_start3A_283 = tpu.memref_squeeze %dma_start3A_282 : memref<1x16x1024xf32, #tpu.memory_space<hbm>> -> memref<16x1024xf32, #tpu.memory_space<hbm>>
    tpu.enqueue_dma source(%dma_start3A_283 : memref<16x1024xf32, #tpu.memory_space<hbm>>) target(%arg7 : memref<16x1024xf32, #tpu.memory_space<vmem>>) target_semaphore(%arg14 : memref<!tpu.dma_semaphore, #tpu.memory_space<semaphore_mem>>)
    %dma_wait3A_284 = arith.constant 3 : i32
    %dma_wait3A_285 = arith.constant 0 : i32
    %dma_wait3A_286 = tpu.memref_slice %arg2[%dma_wait3A_284, %add3A_206, %dma_wait3A_285] : memref<4x2048x1024xf32, #tpu.memory_space<hbm>> -> memref<1x16x1024xf32, #tpu.memory_space<hbm>>
    %dma_wait3A_287 = tpu.memref_squeeze %dma_wait3A_286 : memref<1x16x1024xf32, #tpu.memory_space<hbm>> -> memref<16x1024xf32, #tpu.memory_space<hbm>>
    %dma_wait3A_288 = arith.constant 0 : i32
    %dma_wait3A_289 = tpu.memref_slice %arg2[%dma_wait3A_284, %add3A_206, %dma_wait3A_288] : memref<4x2048x1024xf32, #tpu.memory_space<hbm>> -> memref<1x16x1024xf32, #tpu.memory_space<hbm>>
    %dma_wait3A_290 = tpu.memref_squeeze %dma_wait3A_289 : memref<1x16x1024xf32, #tpu.memory_space<hbm>> -> memref<16x1024xf32, #tpu.memory_space<hbm>>
    tpu.wait_dma2 semaphore(%arg15 : memref<!tpu.dma_semaphore, #tpu.memory_space<semaphore_mem>>) src(%dma_wait3A_290 : memref<16x1024xf32, #tpu.memory_space<hbm>>) dst(%arg8 : memref<16x1024xf32, #tpu.memory_space<vmem>>)
    %dma_wait3A_291 = arith.constant 1 : i32
    %dma_wait3A_292 = arith.constant 0 : i32
    %dma_wait3A_293 = tpu.memref_slice %arg4[%dma_wait3A_291, %add3A_232, %dma_wait3A_292] : memref<4x2048x1024xf32, #tpu.memory_space<hbm>> -> memref<1x16x1024xf32, #tpu.memory_space<hbm>>
    %dma_wait3A_294 = tpu.memref_squeeze %dma_wait3A_293 : memref<1x16x1024xf32, #tpu.memory_space<hbm>> -> memref<16x1024xf32, #tpu.memory_space<hbm>>
    %dma_wait3A_295 = arith.constant 0 : i32
    %dma_wait3A_296 = tpu.memref_slice %arg4[%dma_wait3A_291, %add3A_232, %dma_wait3A_295] : memref<4x2048x1024xf32, #tpu.memory_space<hbm>> -> memref<1x16x1024xf32, #tpu.memory_space<hbm>>
    %dma_wait3A_297 = tpu.memref_squeeze %dma_wait3A_296 : memref<1x16x1024xf32, #tpu.memory_space<hbm>> -> memref<16x1024xf32, #tpu.memory_space<hbm>>
    tpu.wait_dma2 semaphore(%arg18 : memref<!tpu.dma_semaphore, #tpu.memory_space<semaphore_mem>>) src(%arg11 : memref<16x1024xf32, #tpu.memory_space<vmem>>) dst(%dma_wait3A_297 : memref<16x1024xf32, #tpu.memory_space<hbm>>)
    %parallel_loop3A_298 = arith.constant 0 : i32
    %parallel_loop3A_299 = arith.constant 1024 : i32
    %parallel_loop3A_300 = arith.constant 1 : i32
    scf.for %parallel_loop3A_600 = %parallel_loop3A_298 to %parallel_loop3A_299 step %parallel_loop3A_300  : i32 {
      %parallel_loop3A_601 = arith.constant 64 : i32
      %parallel_loop3A_602 = arith.divsi %parallel_loop3A_600, %parallel_loop3A_601 : i32
      %parallel_loop3A_603 = arith.constant 0 : i32
      %parallel_loop3A_604 = arith.cmpi sgt, %parallel_loop3A_600, %parallel_loop3A_603 : i32
      %parallel_loop3A_605 = arith.extui %parallel_loop3A_604 : i1 to i32
      %parallel_loop3A_606 = arith.constant 0 : i32
      %parallel_loop3A_607 = arith.cmpi slt, %parallel_loop3A_600, %parallel_loop3A_606 : i32
      %parallel_loop3A_608 = arith.extui %parallel_loop3A_607 : i1 to i32
      %parallel_loop3A_609 = arith.subi %parallel_loop3A_605, %parallel_loop3A_608 : i32
      %parallel_loop3A_610 = arith.constant 0 : i32
      %parallel_loop3A_611 = arith.cmpi sgt, %parallel_loop3A_601, %parallel_loop3A_610 : i32
      %parallel_loop3A_612 = arith.extui %parallel_loop3A_611 : i1 to i32
      %parallel_loop3A_613 = arith.constant 0 : i32
      %parallel_loop3A_614 = arith.cmpi slt, %parallel_loop3A_601, %parallel_loop3A_613 : i32
      %parallel_loop3A_615 = arith.extui %parallel_loop3A_614 : i1 to i32
      %parallel_loop3A_616 = arith.subi %parallel_loop3A_612, %parallel_loop3A_615 : i32
      %parallel_loop3A_617 = arith.cmpi ne, %parallel_loop3A_609, %parallel_loop3A_616 : i32
      %parallel_loop3A_618 = arith.remsi %parallel_loop3A_600, %parallel_loop3A_601 : i32
      %parallel_loop3A_619 = arith.constant 0 : i32
      %parallel_loop3A_620 = arith.cmpi ne, %parallel_loop3A_618, %parallel_loop3A_619 : i32
      %parallel_loop3A_621 = arith.andi %parallel_loop3A_617, %parallel_loop3A_620 : i1
      %parallel_loop3A_622 = arith.constant 1 : i32
      %parallel_loop3A_623 = arith.subi %parallel_loop3A_602, %parallel_loop3A_622 : i32
      %parallel_loop3A_624 = arith.select %parallel_loop3A_621, %parallel_loop3A_623, %parallel_loop3A_602 : i32
      %parallel_loop3A_625 = arith.constant 64 : i32
      %parallel_loop3A_626 = arith.constant 0 : i32
      %parallel_loop3A_627 = arith.cmpi eq, %parallel_loop3A_625, %parallel_loop3A_626 : i32
      %parallel_loop3A_628 = arith.constant 1 : i32
      %parallel_loop3A_629 = arith.select %parallel_loop3A_627, %parallel_loop3A_628, %parallel_loop3A_625 : i32
      %parallel_loop3A_630 = arith.remsi %parallel_loop3A_600, %parallel_loop3A_629 : i32
      %parallel_loop3A_631 = arith.constant 0 : i32
      %parallel_loop3A_632 = arith.cmpi ne, %parallel_loop3A_630, %parallel_loop3A_631 : i32
      %parallel_loop3A_633 = arith.constant 0 : i32
      %parallel_loop3A_634 = arith.cmpi slt, %parallel_loop3A_630, %parallel_loop3A_633 : i32
      %parallel_loop3A_635 = arith.constant 0 : i32
      %parallel_loop3A_636 = arith.cmpi slt, %parallel_loop3A_629, %parallel_loop3A_635 : i32
      %parallel_loop3A_637 = arith.xori %parallel_loop3A_634, %parallel_loop3A_636 : i1
      %parallel_loop3A_638 = arith.andi %parallel_loop3A_637, %parallel_loop3A_632 : i1
      %parallel_loop3A_639 = arith.addi %parallel_loop3A_630, %parallel_loop3A_629 : i32
      %parallel_loop3A_640 = arith.select %parallel_loop3A_638, %parallel_loop3A_639, %parallel_loop3A_630 : i32
      %parallel_loop3A_641 = arith.constant 16 : i32
      %parallel_loop3A_642 = arith.muli %parallel_loop3A_640, %parallel_loop3A_641 : i32
      %parallel_loop3A_643 = arith.index_cast %parallel_loop3A_624 : i32 to index
      %parallel_loop3A_644 = arith.index_cast %parallel_loop3A_642 : i32 to index
      %parallel_loop3A_645 = tpu.vector_load %arg8[%parallel_loop3A_643, %parallel_loop3A_644] {strides = array<i32>} : memref<16x1024xf32, #tpu.memory_space<vmem>>, vector<1x16xf32>,
      %parallel_loop3A_646 = vector.shape_cast %parallel_loop3A_645 : vector<1x16xf32> to vector<16xf32>
      %parallel_loop3A_647 = arith.index_cast %parallel_loop3A_624 : i32 to index
      %parallel_loop3A_648 = arith.index_cast %parallel_loop3A_642 : i32 to index
      %parallel_loop3A_649 = tpu.vector_load %arg6[%parallel_loop3A_647, %parallel_loop3A_648] {strides = array<i32>} : memref<16x1024xf32, #tpu.memory_space<vmem>>, vector<1x16xf32>,
      %parallel_loop3A_650 = vector.shape_cast %parallel_loop3A_649 : vector<1x16xf32> to vector<16xf32>
      %parallel_loop3A_651 = arith.addf %parallel_loop3A_646, %parallel_loop3A_650 : vector<16xf32>
      %parallel_loop3A_652 = arith.index_cast %parallel_loop3A_624 : i32 to index
      %parallel_loop3A_653 = arith.index_cast %parallel_loop3A_642 : i32 to index
      %parallel_loop3A_654 = tpu.vector_load %arg11[%parallel_loop3A_652, %parallel_loop3A_653] {strides = array<i32>} : memref<16x1024xf32, #tpu.memory_space<vmem>>, vector<1x16xf32>,
      %parallel_loop3A_655 = vector.shape_cast %parallel_loop3A_654 : vector<1x16xf32> to vector<16xf32>
      %parallel_loop3A_656 = vector.shape_cast %parallel_loop3A_651 : vector<16xf32> to vector<1x16xf32>
      tpu.vector_store %arg11[%parallel_loop3A_652, %parallel_loop3A_653], %parallel_loop3A_656 {strides = array<i32>} : memref<16x1024xf32, #tpu.memory_space<vmem>>, vector<1x16xf32>,
    } {sc.loop_unroll_factor = 8 : i64, sc.parallel_access}
    %add3A_301 = arith.constant 16 : i32
    %add3A_302 = arith.addi %mul3A_2, %add3A_301 : i32
    %dma_start3A_303 = arith.constant 3 : i32
    %dma_start3A_304 = arith.constant 0 : i32
    %dma_start3A_305 = tpu.memref_slice %arg4[%dma_start3A_303, %add3A_302, %dma_start3A_304] : memref<4x2048x1024xf32, #tpu.memory_space<hbm>> -> memref<1x16x1024xf32, #tpu.memory_space<hbm>>
    %dma_start3A_306 = tpu.memref_squeeze %dma_start3A_305 : memref<1x16x1024xf32, #tpu.memory_space<hbm>> -> memref<16x1024xf32, #tpu.memory_space<hbm>>
    %dma_start3A_307 = arith.constant 0 : i32
    %dma_start3A_308 = tpu.memref_slice %arg4[%dma_start3A_303, %add3A_302, %dma_start3A_307] : memref<4x2048x1024xf32, #tpu.memory_space<hbm>> -> memref<1x16x1024xf32, #tpu.memory_space<hbm>>
    %dma_start3A_309 = tpu.memref_squeeze %dma_start3A_308 : memref<1x16x1024xf32, #tpu.memory_space<hbm>> -> memref<16x1024xf32, #tpu.memory_space<hbm>>
    tpu.enqueue_dma source(%arg11 : memref<16x1024xf32, #tpu.memory_space<vmem>>) target(%dma_start3A_309 : memref<16x1024xf32, #tpu.memory_space<hbm>>) target_semaphore(%arg18 : memref<!tpu.dma_semaphore, #tpu.memory_space<semaphore_mem>>)
    %add3A_310 = arith.constant 32 : i32
    %add3A_311 = arith.addi %mul3A_2, %add3A_310 : i32
    %dma_start3A_312 = arith.constant 2 : i32
    %dma_start3A_313 = arith.constant 0 : i32
    %dma_start3A_314 = tpu.memref_slice %arg2[%dma_start3A_312, %add3A_311, %dma_start3A_313] : memref<4x2048x1024xf32, #tpu.memory_space<hbm>> -> memref<1x16x1024xf32, #tpu.memory_space<hbm>>
    %dma_start3A_315 = tpu.memref_squeeze %dma_start3A_314 : memref<1x16x1024xf32, #tpu.memory_space<hbm>> -> memref<16x1024xf32, #tpu.memory_space<hbm>>
    %dma_start3A_316 = arith.constant 0 : i32
    %dma_start3A_317 = tpu.memref_slice %arg2[%dma_start3A_312, %add3A_311, %dma_start3A_316] : memref<4x2048x1024xf32, #tpu.memory_space<hbm>> -> memref<1x16x1024xf32, #tpu.memory_space<hbm>>
    %dma_start3A_318 = tpu.memref_squeeze %dma_start3A_317 : memref<1x16x1024xf32, #tpu.memory_space<hbm>> -> memref<16x1024xf32, #tpu.memory_space<hbm>>
    tpu.enqueue_dma source(%dma_start3A_318 : memref<16x1024xf32, #tpu.memory_space<hbm>>) target(%arg8 : memref<16x1024xf32, #tpu.memory_space<vmem>>) target_semaphore(%arg15 : memref<!tpu.dma_semaphore, #tpu.memory_space<semaphore_mem>>)
    %add3A_319 = arith.constant 48 : i32
    %add3A_320 = arith.addi %mul3A_2, %add3A_319 : i32
    %dma_start3A_321 = arith.constant 0 : i32
    %dma_start3A_322 = tpu.memref_slice %arg3[%add3A_320, %dma_start3A_321] : memref<2048x1024xf32, #tpu.memory_space<hbm>> -> memref<16x1024xf32, #tpu.memory_space<hbm>>
    %dma_start3A_323 = arith.constant 0 : i32
    %dma_start3A_324 = tpu.memref_slice %arg3[%add3A_320, %dma_start3A_323] : memref<2048x1024xf32, #tpu.memory_space<hbm>> -> memref<16x1024xf32, #tpu.memory_space<hbm>>
    tpu.enqueue_dma source(%dma_start3A_324 : memref<16x1024xf32, #tpu.memory_space<hbm>>) target(%arg6 : memref<16x1024xf32, #tpu.memory_space<vmem>>) target_semaphore(%arg13 : memref<!tpu.dma_semaphore, #tpu.memory_space<semaphore_mem>>)
    %dma_wait3A_325 = arith.constant 0 : i32
    %dma_wait3A_326 = tpu.memref_slice %arg3[%add3A_170, %dma_wait3A_325] : memref<2048x1024xf32, #tpu.memory_space<hbm>> -> memref<16x1024xf32, #tpu.memory_space<hbm>>
    %dma_wait3A_327 = arith.constant 0 : i32
    %dma_wait3A_328 = tpu.memref_slice %arg3[%add3A_170, %dma_wait3A_327] : memref<2048x1024xf32, #tpu.memory_space<hbm>> -> memref<16x1024xf32, #tpu.memory_space<hbm>>
    tpu.wait_dma2 semaphore(%arg12 : memref<!tpu.dma_semaphore, #tpu.memory_space<semaphore_mem>>) src(%dma_wait3A_328 : memref<16x1024xf32, #tpu.memory_space<hbm>>) dst(%arg5 : memref<16x1024xf32, #tpu.memory_space<vmem>>)
    %dma_wait3A_329 = arith.constant 0 : i32
    %dma_wait3A_330 = arith.constant 0 : i32
    %dma_wait3A_331 = tpu.memref_slice %arg2[%dma_wait3A_329, %add3A_241, %dma_wait3A_330] : memref<4x2048x1024xf32, #tpu.memory_space<hbm>> -> memref<1x16x1024xf32, #tpu.memory_space<hbm>>
    %dma_wait3A_332 = tpu.memref_squeeze %dma_wait3A_331 : memref<1x16x1024xf32, #tpu.memory_space<hbm>> -> memref<16x1024xf32, #tpu.memory_space<hbm>>
    %dma_wait3A_333 = arith.constant 0 : i32
    %dma_wait3A_334 = tpu.memref_slice %arg2[%dma_wait3A_329, %add3A_241, %dma_wait3A_333] : memref<4x2048x1024xf32, #tpu.memory_space<hbm>> -> memref<1x16x1024xf32, #tpu.memory_space<hbm>>
    %dma_wait3A_335 = tpu.memref_squeeze %dma_wait3A_334 : memref<1x16x1024xf32, #tpu.memory_space<hbm>> -> memref<16x1024xf32, #tpu.memory_space<hbm>>
    tpu.wait_dma2 semaphore(%arg16 : memref<!tpu.dma_semaphore, #tpu.memory_space<semaphore_mem>>) src(%dma_wait3A_335 : memref<16x1024xf32, #tpu.memory_space<hbm>>) dst(%arg9 : memref<16x1024xf32, #tpu.memory_space<vmem>>)
    %dma_wait3A_336 = arith.constant 2 : i32
    %dma_wait3A_337 = arith.constant 0 : i32
    %dma_wait3A_338 = tpu.memref_slice %arg4[%dma_wait3A_336, %add3A_267, %dma_wait3A_337] : memref<4x2048x1024xf32, #tpu.memory_space<hbm>> -> memref<1x16x1024xf32, #tpu.memory_space<hbm>>
    %dma_wait3A_339 = tpu.memref_squeeze %dma_wait3A_338 : memref<1x16x1024xf32, #tpu.memory_space<hbm>> -> memref<16x1024xf32, #tpu.memory_space<hbm>>
    %dma_wait3A_340 = arith.constant 0 : i32
    %dma_wait3A_341 = tpu.memref_slice %arg4[%dma_wait3A_336, %add3A_267, %dma_wait3A_340] : memref<4x2048x1024xf32, #tpu.memory_space<hbm>> -> memref<1x16x1024xf32, #tpu.memory_space<hbm>>
    %dma_wait3A_342 = tpu.memref_squeeze %dma_wait3A_341 : memref<1x16x1024xf32, #tpu.memory_space<hbm>> -> memref<16x1024xf32, #tpu.memory_space<hbm>>
    tpu.wait_dma2 semaphore(%arg17 : memref<!tpu.dma_semaphore, #tpu.memory_space<semaphore_mem>>) src(%arg10 : memref<16x1024xf32, #tpu.memory_space<vmem>>) dst(%dma_wait3A_342 : memref<16x1024xf32, #tpu.memory_space<hbm>>)
    %parallel_loop3A_343 = arith.constant 0 : i32
    %parallel_loop3A_344 = arith.constant 1024 : i32
    %parallel_loop3A_345 = arith.constant 1 : i32
    scf.for %parallel_loop3A_600 = %parallel_loop3A_343 to %parallel_loop3A_344 step %parallel_loop3A_345  : i32 {
      %parallel_loop3A_601 = arith.constant 64 : i32
      %parallel_loop3A_602 = arith.divsi %parallel_loop3A_600, %parallel_loop3A_601 : i32
      %parallel_loop3A_603 = arith.constant 0 : i32
      %parallel_loop3A_604 = arith.cmpi sgt, %parallel_loop3A_600, %parallel_loop3A_603 : i32
      %parallel_loop3A_605 = arith.extui %parallel_loop3A_604 : i1 to i32
      %parallel_loop3A_606 = arith.constant 0 : i32
      %parallel_loop3A_607 = arith.cmpi slt, %parallel_loop3A_600, %parallel_loop3A_606 : i32
      %parallel_loop3A_608 = arith.extui %parallel_loop3A_607 : i1 to i32
      %parallel_loop3A_609 = arith.subi %parallel_loop3A_605, %parallel_loop3A_608 : i32
      %parallel_loop3A_610 = arith.constant 0 : i32
      %parallel_loop3A_611 = arith.cmpi sgt, %parallel_loop3A_601, %parallel_loop3A_610 : i32
      %parallel_loop3A_612 = arith.extui %parallel_loop3A_611 : i1 to i32
      %parallel_loop3A_613 = arith.constant 0 : i32
      %parallel_loop3A_614 = arith.cmpi slt, %parallel_loop3A_601, %parallel_loop3A_613 : i32
      %parallel_loop3A_615 = arith.extui %parallel_loop3A_614 : i1 to i32
      %parallel_loop3A_616 = arith.subi %parallel_loop3A_612, %parallel_loop3A_615 : i32
      %parallel_loop3A_617 = arith.cmpi ne, %parallel_loop3A_609, %parallel_loop3A_616 : i32
      %parallel_loop3A_618 = arith.remsi %parallel_loop3A_600, %parallel_loop3A_601 : i32
      %parallel_loop3A_619 = arith.constant 0 : i32
      %parallel_loop3A_620 = arith.cmpi ne, %parallel_loop3A_618, %parallel_loop3A_619 : i32
      %parallel_loop3A_621 = arith.andi %parallel_loop3A_617, %parallel_loop3A_620 : i1
      %parallel_loop3A_622 = arith.constant 1 : i32
      %parallel_loop3A_623 = arith.subi %parallel_loop3A_602, %parallel_loop3A_622 : i32
      %parallel_loop3A_624 = arith.select %parallel_loop3A_621, %parallel_loop3A_623, %parallel_loop3A_602 : i32
      %parallel_loop3A_625 = arith.constant 64 : i32
      %parallel_loop3A_626 = arith.constant 0 : i32
      %parallel_loop3A_627 = arith.cmpi eq, %parallel_loop3A_625, %parallel_loop3A_626 : i32
      %parallel_loop3A_628 = arith.constant 1 : i32
      %parallel_loop3A_629 = arith.select %parallel_loop3A_627, %parallel_loop3A_628, %parallel_loop3A_625 : i32
      %parallel_loop3A_630 = arith.remsi %parallel_loop3A_600, %parallel_loop3A_629 : i32
      %parallel_loop3A_631 = arith.constant 0 : i32
      %parallel_loop3A_632 = arith.cmpi ne, %parallel_loop3A_630, %parallel_loop3A_631 : i32
      %parallel_loop3A_633 = arith.constant 0 : i32
      %parallel_loop3A_634 = arith.cmpi slt, %parallel_loop3A_630, %parallel_loop3A_633 : i32
      %parallel_loop3A_635 = arith.constant 0 : i32
      %parallel_loop3A_636 = arith.cmpi slt, %parallel_loop3A_629, %parallel_loop3A_635 : i32
      %parallel_loop3A_637 = arith.xori %parallel_loop3A_634, %parallel_loop3A_636 : i1
      %parallel_loop3A_638 = arith.andi %parallel_loop3A_637, %parallel_loop3A_632 : i1
      %parallel_loop3A_639 = arith.addi %parallel_loop3A_630, %parallel_loop3A_629 : i32
      %parallel_loop3A_640 = arith.select %parallel_loop3A_638, %parallel_loop3A_639, %parallel_loop3A_630 : i32
      %parallel_loop3A_641 = arith.constant 16 : i32
      %parallel_loop3A_642 = arith.muli %parallel_loop3A_640, %parallel_loop3A_641 : i32
      %parallel_loop3A_643 = arith.index_cast %parallel_loop3A_624 : i32 to index
      %parallel_loop3A_644 = arith.index_cast %parallel_loop3A_642 : i32 to index
      %parallel_loop3A_645 = tpu.vector_load %arg9[%parallel_loop3A_643, %parallel_loop3A_644] {strides = array<i32>} : memref<16x1024xf32, #tpu.memory_space<vmem>>, vector<1x16xf32>,
      %parallel_loop3A_646 = vector.shape_cast %parallel_loop3A_645 : vector<1x16xf32> to vector<16xf32>
      %parallel_loop3A_647 = arith.index_cast %parallel_loop3A_624 : i32 to index
      %parallel_loop3A_648 = arith.index_cast %parallel_loop3A_642 : i32 to index
      %parallel_loop3A_649 = tpu.vector_load %arg5[%parallel_loop3A_647, %parallel_loop3A_648] {strides = array<i32>} : memref<16x1024xf32, #tpu.memory_space<vmem>>, vector<1x16xf32>,
      %parallel_loop3A_650 = vector.shape_cast %parallel_loop3A_649 : vector<1x16xf32> to vector<16xf32>
      %parallel_loop3A_651 = arith.addf %parallel_loop3A_646, %parallel_loop3A_650 : vector<16xf32>
      %parallel_loop3A_652 = arith.index_cast %parallel_loop3A_624 : i32 to index
      %parallel_loop3A_653 = arith.index_cast %parallel_loop3A_642 : i32 to index
      %parallel_loop3A_654 = tpu.vector_load %arg10[%parallel_loop3A_652, %parallel_loop3A_653] {strides = array<i32>} : memref<16x1024xf32, #tpu.memory_space<vmem>>, vector<1x16xf32>,
      %parallel_loop3A_655 = vector.shape_cast %parallel_loop3A_654 : vector<1x16xf32> to vector<16xf32>
      %parallel_loop3A_656 = vector.shape_cast %parallel_loop3A_651 : vector<16xf32> to vector<1x16xf32>
      tpu.vector_store %arg10[%parallel_loop3A_652, %parallel_loop3A_653], %parallel_loop3A_656 {strides = array<i32>} : memref<16x1024xf32, #tpu.memory_space<vmem>>, vector<1x16xf32>,
    } {sc.loop_unroll_factor = 8 : i64, sc.parallel_access}
    %add3A_346 = arith.constant 32 : i32
    %add3A_347 = arith.addi %mul3A_2, %add3A_346 : i32
    %dma_start3A_348 = arith.constant 0 : i32
    %dma_start3A_349 = arith.constant 0 : i32
    %dma_start3A_350 = tpu.memref_slice %arg4[%dma_start3A_348, %add3A_347, %dma_start3A_349] : memref<4x2048x1024xf32, #tpu.memory_space<hbm>> -> memref<1x16x1024xf32, #tpu.memory_space<hbm>>
    %dma_start3A_351 = tpu.memref_squeeze %dma_start3A_350 : memref<1x16x1024xf32, #tpu.memory_space<hbm>> -> memref<16x1024xf32, #tpu.memory_space<hbm>>
    %dma_start3A_352 = arith.constant 0 : i32
    %dma_start3A_353 = tpu.memref_slice %arg4[%dma_start3A_348, %add3A_347, %dma_start3A_352] : memref<4x2048x1024xf32, #tpu.memory_space<hbm>> -> memref<1x16x1024xf32, #tpu.memory_space<hbm>>
    %dma_start3A_354 = tpu.memref_squeeze %dma_start3A_353 : memref<1x16x1024xf32, #tpu.memory_space<hbm>> -> memref<16x1024xf32, #tpu.memory_space<hbm>>
    tpu.enqueue_dma source(%arg10 : memref<16x1024xf32, #tpu.memory_space<vmem>>) target(%dma_start3A_354 : memref<16x1024xf32, #tpu.memory_space<hbm>>) target_semaphore(%arg17 : memref<!tpu.dma_semaphore, #tpu.memory_space<semaphore_mem>>)
    %add3A_355 = arith.constant 32 : i32
    %add3A_356 = arith.addi %mul3A_2, %add3A_355 : i32
    %dma_start3A_357 = arith.constant 3 : i32
    %dma_start3A_358 = arith.constant 0 : i32
    %dma_start3A_359 = tpu.memref_slice %arg2[%dma_start3A_357, %add3A_356, %dma_start3A_358] : memref<4x2048x1024xf32, #tpu.memory_space<hbm>> -> memref<1x16x1024xf32, #tpu.memory_space<hbm>>
    %dma_start3A_360 = tpu.memref_squeeze %dma_start3A_359 : memref<1x16x1024xf32, #tpu.memory_space<hbm>> -> memref<16x1024xf32, #tpu.memory_space<hbm>>
    %dma_start3A_361 = arith.constant 0 : i32
    %dma_start3A_362 = tpu.memref_slice %arg2[%dma_start3A_357, %add3A_356, %dma_start3A_361] : memref<4x2048x1024xf32, #tpu.memory_space<hbm>> -> memref<1x16x1024xf32, #tpu.memory_space<hbm>>
    %dma_start3A_363 = tpu.memref_squeeze %dma_start3A_362 : memref<1x16x1024xf32, #tpu.memory_space<hbm>> -> memref<16x1024xf32, #tpu.memory_space<hbm>>
    tpu.enqueue_dma source(%dma_start3A_363 : memref<16x1024xf32, #tpu.memory_space<hbm>>) target(%arg9 : memref<16x1024xf32, #tpu.memory_space<vmem>>) target_semaphore(%arg16 : memref<!tpu.dma_semaphore, #tpu.memory_space<semaphore_mem>>)
    %dma_wait3A_364 = arith.constant 1 : i32
    %dma_wait3A_365 = arith.constant 0 : i32
    %dma_wait3A_366 = tpu.memref_slice %arg2[%dma_wait3A_364, %add3A_276, %dma_wait3A_365] : memref<4x2048x1024xf32, #tpu.memory_space<hbm>> -> memref<1x16x1024xf32, #tpu.memory_space<hbm>>
    %dma_wait3A_367 = tpu.memref_squeeze %dma_wait3A_366 : memref<1x16x1024xf32, #tpu.memory_space<hbm>> -> memref<16x1024xf32, #tpu.memory_space<hbm>>
    %dma_wait3A_368 = arith.constant 0 : i32
    %dma_wait3A_369 = tpu.memref_slice %arg2[%dma_wait3A_364, %add3A_276, %dma_wait3A_368] : memref<4x2048x1024xf32, #tpu.memory_space<hbm>> -> memref<1x16x1024xf32, #tpu.memory_space<hbm>>
    %dma_wait3A_370 = tpu.memref_squeeze %dma_wait3A_369 : memref<1x16x1024xf32, #tpu.memory_space<hbm>> -> memref<16x1024xf32, #tpu.memory_space<hbm>>
    tpu.wait_dma2 semaphore(%arg14 : memref<!tpu.dma_semaphore, #tpu.memory_space<semaphore_mem>>) src(%dma_wait3A_370 : memref<16x1024xf32, #tpu.memory_space<hbm>>) dst(%arg7 : memref<16x1024xf32, #tpu.memory_space<vmem>>)
    %dma_wait3A_371 = arith.constant 3 : i32
    %dma_wait3A_372 = arith.constant 0 : i32
    %dma_wait3A_373 = tpu.memref_slice %arg4[%dma_wait3A_371, %add3A_302, %dma_wait3A_372] : memref<4x2048x1024xf32, #tpu.memory_space<hbm>> -> memref<1x16x1024xf32, #tpu.memory_space<hbm>>
    %dma_wait3A_374 = tpu.memref_squeeze %dma_wait3A_373 : memref<1x16x1024xf32, #tpu.memory_space<hbm>> -> memref<16x1024xf32, #tpu.memory_space<hbm>>
    %dma_wait3A_375 = arith.constant 0 : i32
    %dma_wait3A_376 = tpu.memref_slice %arg4[%dma_wait3A_371, %add3A_302, %dma_wait3A_375] : memref<4x2048x1024xf32, #tpu.memory_space<hbm>> -> memref<1x16x1024xf32, #tpu.memory_space<hbm>>
    %dma_wait3A_377 = tpu.memref_squeeze %dma_wait3A_376 : memref<1x16x1024xf32, #tpu.memory_space<hbm>> -> memref<16x1024xf32, #tpu.memory_space<hbm>>
    tpu.wait_dma2 semaphore(%arg18 : memref<!tpu.dma_semaphore, #tpu.memory_space<semaphore_mem>>) src(%arg11 : memref<16x1024xf32, #tpu.memory_space<vmem>>) dst(%dma_wait3A_377 : memref<16x1024xf32, #tpu.memory_space<hbm>>)
    %parallel_loop3A_378 = arith.constant 0 : i32
    %parallel_loop3A_379 = arith.constant 1024 : i32
    %parallel_loop3A_380 = arith.constant 1 : i32
    scf.for %parallel_loop3A_600 = %parallel_loop3A_378 to %parallel_loop3A_379 step %parallel_loop3A_380  : i32 {
      %parallel_loop3A_601 = arith.constant 64 : i32
      %parallel_loop3A_602 = arith.divsi %parallel_loop3A_600, %parallel_loop3A_601 : i32
      %parallel_loop3A_603 = arith.constant 0 : i32
      %parallel_loop3A_604 = arith.cmpi sgt, %parallel_loop3A_600, %parallel_loop3A_603 : i32
      %parallel_loop3A_605 = arith.extui %parallel_loop3A_604 : i1 to i32
      %parallel_loop3A_606 = arith.constant 0 : i32
      %parallel_loop3A_607 = arith.cmpi slt, %parallel_loop3A_600, %parallel_loop3A_606 : i32
      %parallel_loop3A_608 = arith.extui %parallel_loop3A_607 : i1 to i32
      %parallel_loop3A_609 = arith.subi %parallel_loop3A_605, %parallel_loop3A_608 : i32
      %parallel_loop3A_610 = arith.constant 0 : i32
      %parallel_loop3A_611 = arith.cmpi sgt, %parallel_loop3A_601, %parallel_loop3A_610 : i32
      %parallel_loop3A_612 = arith.extui %parallel_loop3A_611 : i1 to i32
      %parallel_loop3A_613 = arith.constant 0 : i32
      %parallel_loop3A_614 = arith.cmpi slt, %parallel_loop3A_601, %parallel_loop3A_613 : i32
      %parallel_loop3A_615 = arith.extui %parallel_loop3A_614 : i1 to i32
      %parallel_loop3A_616 = arith.subi %parallel_loop3A_612, %parallel_loop3A_615 : i32
      %parallel_loop3A_617 = arith.cmpi ne, %parallel_loop3A_609, %parallel_loop3A_616 : i32
      %parallel_loop3A_618 = arith.remsi %parallel_loop3A_600, %parallel_loop3A_601 : i32
      %parallel_loop3A_619 = arith.constant 0 : i32
      %parallel_loop3A_620 = arith.cmpi ne, %parallel_loop3A_618, %parallel_loop3A_619 : i32
      %parallel_loop3A_621 = arith.andi %parallel_loop3A_617, %parallel_loop3A_620 : i1
      %parallel_loop3A_622 = arith.constant 1 : i32
      %parallel_loop3A_623 = arith.subi %parallel_loop3A_602, %parallel_loop3A_622 : i32
      %parallel_loop3A_624 = arith.select %parallel_loop3A_621, %parallel_loop3A_623, %parallel_loop3A_602 : i32
      %parallel_loop3A_625 = arith.constant 64 : i32
      %parallel_loop3A_626 = arith.constant 0 : i32
      %parallel_loop3A_627 = arith.cmpi eq, %parallel_loop3A_625, %parallel_loop3A_626 : i32
      %parallel_loop3A_628 = arith.constant 1 : i32
      %parallel_loop3A_629 = arith.select %parallel_loop3A_627, %parallel_loop3A_628, %parallel_loop3A_625 : i32
      %parallel_loop3A_630 = arith.remsi %parallel_loop3A_600, %parallel_loop3A_629 : i32
      %parallel_loop3A_631 = arith.constant 0 : i32
      %parallel_loop3A_632 = arith.cmpi ne, %parallel_loop3A_630, %parallel_loop3A_631 : i32
      %parallel_loop3A_633 = arith.constant 0 : i32
      %parallel_loop3A_634 = arith.cmpi slt, %parallel_loop3A_630, %parallel_loop3A_633 : i32
      %parallel_loop3A_635 = arith.constant 0 : i32
      %parallel_loop3A_636 = arith.cmpi slt, %parallel_loop3A_629, %parallel_loop3A_635 : i32
      %parallel_loop3A_637 = arith.xori %parallel_loop3A_634, %parallel_loop3A_636 : i1
      %parallel_loop3A_638 = arith.andi %parallel_loop3A_637, %parallel_loop3A_632 : i1
      %parallel_loop3A_639 = arith.addi %parallel_loop3A_630, %parallel_loop3A_629 : i32
      %parallel_loop3A_640 = arith.select %parallel_loop3A_638, %parallel_loop3A_639, %parallel_loop3A_630 : i32
      %parallel_loop3A_641 = arith.constant 16 : i32
      %parallel_loop3A_642 = arith.muli %parallel_loop3A_640, %parallel_loop3A_641 : i32
      %parallel_loop3A_643 = arith.index_cast %parallel_loop3A_624 : i32 to index
      %parallel_loop3A_644 = arith.index_cast %parallel_loop3A_642 : i32 to index
      %parallel_loop3A_645 = tpu.vector_load %arg7[%parallel_loop3A_643, %parallel_loop3A_644] {strides = array<i32>} : memref<16x1024xf32, #tpu.memory_space<vmem>>, vector<1x16xf32>,
      %parallel_loop3A_646 = vector.shape_cast %parallel_loop3A_645 : vector<1x16xf32> to vector<16xf32>
      %parallel_loop3A_647 = arith.index_cast %parallel_loop3A_624 : i32 to index
      %parallel_loop3A_648 = arith.index_cast %parallel_loop3A_642 : i32 to index
      %parallel_loop3A_649 = tpu.vector_load %arg5[%parallel_loop3A_647, %parallel_loop3A_648] {strides = array<i32>} : memref<16x1024xf32, #tpu.memory_space<vmem>>, vector<1x16xf32>,
      %parallel_loop3A_650 = vector.shape_cast %parallel_loop3A_649 : vector<1x16xf32> to vector<16xf32>
      %parallel_loop3A_651 = arith.addf %parallel_loop3A_646, %parallel_loop3A_650 : vector<16xf32>
      %parallel_loop3A_652 = arith.index_cast %parallel_loop3A_624 : i32 to index
      %parallel_loop3A_653 = arith.index_cast %parallel_loop3A_642 : i32 to index
      %parallel_loop3A_654 = tpu.vector_load %arg11[%parallel_loop3A_652, %parallel_loop3A_653] {strides = array<i32>} : memref<16x1024xf32, #tpu.memory_space<vmem>>, vector<1x16xf32>,
      %parallel_loop3A_655 = vector.shape_cast %parallel_loop3A_654 : vector<1x16xf32> to vector<16xf32>
      %parallel_loop3A_656 = vector.shape_cast %parallel_loop3A_651 : vector<16xf32> to vector<1x16xf32>
      tpu.vector_store %arg11[%parallel_loop3A_652, %parallel_loop3A_653], %parallel_loop3A_656 {strides = array<i32>} : memref<16x1024xf32, #tpu.memory_space<vmem>>, vector<1x16xf32>,
    } {sc.loop_unroll_factor = 8 : i64, sc.parallel_access}
    %add3A_381 = arith.constant 32 : i32
    %add3A_382 = arith.addi %mul3A_2, %add3A_381 : i32
    %dma_start3A_383 = arith.constant 1 : i32
    %dma_start3A_384 = arith.constant 0 : i32
    %dma_start3A_385 = tpu.memref_slice %arg4[%dma_start3A_383, %add3A_382, %dma_start3A_384] : memref<4x2048x1024xf32, #tpu.memory_space<hbm>> -> memref<1x16x1024xf32, #tpu.memory_space<hbm>>
    %dma_start3A_386 = tpu.memref_squeeze %dma_start3A_385 : memref<1x16x1024xf32, #tpu.memory_space<hbm>> -> memref<16x1024xf32, #tpu.memory_space<hbm>>
    %dma_start3A_387 = arith.constant 0 : i32
    %dma_start3A_388 = tpu.memref_slice %arg4[%dma_start3A_383, %add3A_382, %dma_start3A_387] : memref<4x2048x1024xf32, #tpu.memory_space<hbm>> -> memref<1x16x1024xf32, #tpu.memory_space<hbm>>
    %dma_start3A_389 = tpu.memref_squeeze %dma_start3A_388 : memref<1x16x1024xf32, #tpu.memory_space<hbm>> -> memref<16x1024xf32, #tpu.memory_space<hbm>>
    tpu.enqueue_dma source(%arg11 : memref<16x1024xf32, #tpu.memory_space<vmem>>) target(%dma_start3A_389 : memref<16x1024xf32, #tpu.memory_space<hbm>>) target_semaphore(%arg18 : memref<!tpu.dma_semaphore, #tpu.memory_space<semaphore_mem>>)
    %add3A_390 = arith.constant 48 : i32
    %add3A_391 = arith.addi %mul3A_2, %add3A_390 : i32
    %dma_start3A_392 = arith.constant 0 : i32
    %dma_start3A_393 = arith.constant 0 : i32
    %dma_start3A_394 = tpu.memref_slice %arg2[%dma_start3A_392, %add3A_391, %dma_start3A_393] : memref<4x2048x1024xf32, #tpu.memory_space<hbm>> -> memref<1x16x1024xf32, #tpu.memory_space<hbm>>
    %dma_start3A_395 = tpu.memref_squeeze %dma_start3A_394 : memref<1x16x1024xf32, #tpu.memory_space<hbm>> -> memref<16x1024xf32, #tpu.memory_space<hbm>>
    %dma_start3A_396 = arith.constant 0 : i32
    %dma_start3A_397 = tpu.memref_slice %arg2[%dma_start3A_392, %add3A_391, %dma_start3A_396] : memref<4x2048x1024xf32, #tpu.memory_space<hbm>> -> memref<1x16x1024xf32, #tpu.memory_space<hbm>>
    %dma_start3A_398 = tpu.memref_squeeze %dma_start3A_397 : memref<1x16x1024xf32, #tpu.memory_space<hbm>> -> memref<16x1024xf32, #tpu.memory_space<hbm>>
    tpu.enqueue_dma source(%dma_start3A_398 : memref<16x1024xf32, #tpu.memory_space<hbm>>) target(%arg7 : memref<16x1024xf32, #tpu.memory_space<vmem>>) target_semaphore(%arg14 : memref<!tpu.dma_semaphore, #tpu.memory_space<semaphore_mem>>)
    %dma_wait3A_399 = arith.constant 2 : i32
    %dma_wait3A_400 = arith.constant 0 : i32
    %dma_wait3A_401 = tpu.memref_slice %arg2[%dma_wait3A_399, %add3A_311, %dma_wait3A_400] : memref<4x2048x1024xf32, #tpu.memory_space<hbm>> -> memref<1x16x1024xf32, #tpu.memory_space<hbm>>
    %dma_wait3A_402 = tpu.memref_squeeze %dma_wait3A_401 : memref<1x16x1024xf32, #tpu.memory_space<hbm>> -> memref<16x1024xf32, #tpu.memory_space<hbm>>
    %dma_wait3A_403 = arith.constant 0 : i32
    %dma_wait3A_404 = tpu.memref_slice %arg2[%dma_wait3A_399, %add3A_311, %dma_wait3A_403] : memref<4x2048x1024xf32, #tpu.memory_space<hbm>> -> memref<1x16x1024xf32, #tpu.memory_space<hbm>>
    %dma_wait3A_405 = tpu.memref_squeeze %dma_wait3A_404 : memref<1x16x1024xf32, #tpu.memory_space<hbm>> -> memref<16x1024xf32, #tpu.memory_space<hbm>>
    tpu.wait_dma2 semaphore(%arg15 : memref<!tpu.dma_semaphore, #tpu.memory_space<semaphore_mem>>) src(%dma_wait3A_405 : memref<16x1024xf32, #tpu.memory_space<hbm>>) dst(%arg8 : memref<16x1024xf32, #tpu.memory_space<vmem>>)
    %dma_wait3A_406 = arith.constant 0 : i32
    %dma_wait3A_407 = arith.constant 0 : i32
    %dma_wait3A_408 = tpu.memref_slice %arg4[%dma_wait3A_406, %add3A_347, %dma_wait3A_407] : memref<4x2048x1024xf32, #tpu.memory_space<hbm>> -> memref<1x16x1024xf32, #tpu.memory_space<hbm>>
    %dma_wait3A_409 = tpu.memref_squeeze %dma_wait3A_408 : memref<1x16x1024xf32, #tpu.memory_space<hbm>> -> memref<16x1024xf32, #tpu.memory_space<hbm>>
    %dma_wait3A_410 = arith.constant 0 : i32
    %dma_wait3A_411 = tpu.memref_slice %arg4[%dma_wait3A_406, %add3A_347, %dma_wait3A_410] : memref<4x2048x1024xf32, #tpu.memory_space<hbm>> -> memref<1x16x1024xf32, #tpu.memory_space<hbm>>
    %dma_wait3A_412 = tpu.memref_squeeze %dma_wait3A_411 : memref<1x16x1024xf32, #tpu.memory_space<hbm>> -> memref<16x1024xf32, #tpu.memory_space<hbm>>
    tpu.wait_dma2 semaphore(%arg17 : memref<!tpu.dma_semaphore, #tpu.memory_space<semaphore_mem>>) src(%arg10 : memref<16x1024xf32, #tpu.memory_space<vmem>>) dst(%dma_wait3A_412 : memref<16x1024xf32, #tpu.memory_space<hbm>>)
    %parallel_loop3A_413 = arith.constant 0 : i32
    %parallel_loop3A_414 = arith.constant 1024 : i32
    %parallel_loop3A_415 = arith.constant 1 : i32
    scf.for %parallel_loop3A_600 = %parallel_loop3A_413 to %parallel_loop3A_414 step %parallel_loop3A_415  : i32 {
      %parallel_loop3A_601 = arith.constant 64 : i32
      %parallel_loop3A_602 = arith.divsi %parallel_loop3A_600, %parallel_loop3A_601 : i32
      %parallel_loop3A_603 = arith.constant 0 : i32
      %parallel_loop3A_604 = arith.cmpi sgt, %parallel_loop3A_600, %parallel_loop3A_603 : i32
      %parallel_loop3A_605 = arith.extui %parallel_loop3A_604 : i1 to i32
      %parallel_loop3A_606 = arith.constant 0 : i32
      %parallel_loop3A_607 = arith.cmpi slt, %parallel_loop3A_600, %parallel_loop3A_606 : i32
      %parallel_loop3A_608 = arith.extui %parallel_loop3A_607 : i1 to i32
      %parallel_loop3A_609 = arith.subi %parallel_loop3A_605, %parallel_loop3A_608 : i32
      %parallel_loop3A_610 = arith.constant 0 : i32
      %parallel_loop3A_611 = arith.cmpi sgt, %parallel_loop3A_601, %parallel_loop3A_610 : i32
      %parallel_loop3A_612 = arith.extui %parallel_loop3A_611 : i1 to i32
      %parallel_loop3A_613 = arith.constant 0 : i32
      %parallel_loop3A_614 = arith.cmpi slt, %parallel_loop3A_601, %parallel_loop3A_613 : i32
      %parallel_loop3A_615 = arith.extui %parallel_loop3A_614 : i1 to i32
      %parallel_loop3A_616 = arith.subi %parallel_loop3A_612, %parallel_loop3A_615 : i32
      %parallel_loop3A_617 = arith.cmpi ne, %parallel_loop3A_609, %parallel_loop3A_616 : i32
      %parallel_loop3A_618 = arith.remsi %parallel_loop3A_600, %parallel_loop3A_601 : i32
      %parallel_loop3A_619 = arith.constant 0 : i32
      %parallel_loop3A_620 = arith.cmpi ne, %parallel_loop3A_618, %parallel_loop3A_619 : i32
      %parallel_loop3A_621 = arith.andi %parallel_loop3A_617, %parallel_loop3A_620 : i1
      %parallel_loop3A_622 = arith.constant 1 : i32
      %parallel_loop3A_623 = arith.subi %parallel_loop3A_602, %parallel_loop3A_622 : i32
      %parallel_loop3A_624 = arith.select %parallel_loop3A_621, %parallel_loop3A_623, %parallel_loop3A_602 : i32
      %parallel_loop3A_625 = arith.constant 64 : i32
      %parallel_loop3A_626 = arith.constant 0 : i32
      %parallel_loop3A_627 = arith.cmpi eq, %parallel_loop3A_625, %parallel_loop3A_626 : i32
      %parallel_loop3A_628 = arith.constant 1 : i32
      %parallel_loop3A_629 = arith.select %parallel_loop3A_627, %parallel_loop3A_628, %parallel_loop3A_625 : i32
      %parallel_loop3A_630 = arith.remsi %parallel_loop3A_600, %parallel_loop3A_629 : i32
      %parallel_loop3A_631 = arith.constant 0 : i32
      %parallel_loop3A_632 = arith.cmpi ne, %parallel_loop3A_630, %parallel_loop3A_631 : i32
      %parallel_loop3A_633 = arith.constant 0 : i32
      %parallel_loop3A_634 = arith.cmpi slt, %parallel_loop3A_630, %parallel_loop3A_633 : i32
      %parallel_loop3A_635 = arith.constant 0 : i32
      %parallel_loop3A_636 = arith.cmpi slt, %parallel_loop3A_629, %parallel_loop3A_635 : i32
      %parallel_loop3A_637 = arith.xori %parallel_loop3A_634, %parallel_loop3A_636 : i1
      %parallel_loop3A_638 = arith.andi %parallel_loop3A_637, %parallel_loop3A_632 : i1
      %parallel_loop3A_639 = arith.addi %parallel_loop3A_630, %parallel_loop3A_629 : i32
      %parallel_loop3A_640 = arith.select %parallel_loop3A_638, %parallel_loop3A_639, %parallel_loop3A_630 : i32
      %parallel_loop3A_641 = arith.constant 16 : i32
      %parallel_loop3A_642 = arith.muli %parallel_loop3A_640, %parallel_loop3A_641 : i32
      %parallel_loop3A_643 = arith.index_cast %parallel_loop3A_624 : i32 to index
      %parallel_loop3A_644 = arith.index_cast %parallel_loop3A_642 : i32 to index
      %parallel_loop3A_645 = tpu.vector_load %arg8[%parallel_loop3A_643, %parallel_loop3A_644] {strides = array<i32>} : memref<16x1024xf32, #tpu.memory_space<vmem>>, vector<1x16xf32>,
      %parallel_loop3A_646 = vector.shape_cast %parallel_loop3A_645 : vector<1x16xf32> to vector<16xf32>
      %parallel_loop3A_647 = arith.index_cast %parallel_loop3A_624 : i32 to index
      %parallel_loop3A_648 = arith.index_cast %parallel_loop3A_642 : i32 to index
      %parallel_loop3A_649 = tpu.vector_load %arg5[%parallel_loop3A_647, %parallel_loop3A_648] {strides = array<i32>} : memref<16x1024xf32, #tpu.memory_space<vmem>>, vector<1x16xf32>,
      %parallel_loop3A_650 = vector.shape_cast %parallel_loop3A_649 : vector<1x16xf32> to vector<16xf32>
      %parallel_loop3A_651 = arith.addf %parallel_loop3A_646, %parallel_loop3A_650 : vector<16xf32>
      %parallel_loop3A_652 = arith.index_cast %parallel_loop3A_624 : i32 to index
      %parallel_loop3A_653 = arith.index_cast %parallel_loop3A_642 : i32 to index
      %parallel_loop3A_654 = tpu.vector_load %arg10[%parallel_loop3A_652, %parallel_loop3A_653] {strides = array<i32>} : memref<16x1024xf32, #tpu.memory_space<vmem>>, vector<1x16xf32>,
      %parallel_loop3A_655 = vector.shape_cast %parallel_loop3A_654 : vector<1x16xf32> to vector<16xf32>
      %parallel_loop3A_656 = vector.shape_cast %parallel_loop3A_651 : vector<16xf32> to vector<1x16xf32>
      tpu.vector_store %arg10[%parallel_loop3A_652, %parallel_loop3A_653], %parallel_loop3A_656 {strides = array<i32>} : memref<16x1024xf32, #tpu.memory_space<vmem>>, vector<1x16xf32>,
    } {sc.loop_unroll_factor = 8 : i64, sc.parallel_access}
    %add3A_416 = arith.constant 32 : i32
    %add3A_417 = arith.addi %mul3A_2, %add3A_416 : i32
    %dma_start3A_418 = arith.constant 2 : i32
    %dma_start3A_419 = arith.constant 0 : i32
    %dma_start3A_420 = tpu.memref_slice %arg4[%dma_start3A_418, %add3A_417, %dma_start3A_419] : memref<4x2048x1024xf32, #tpu.memory_space<hbm>> -> memref<1x16x1024xf32, #tpu.memory_space<hbm>>
    %dma_start3A_421 = tpu.memref_squeeze %dma_start3A_420 : memref<1x16x1024xf32, #tpu.memory_space<hbm>> -> memref<16x1024xf32, #tpu.memory_space<hbm>>
    %dma_start3A_422 = arith.constant 0 : i32
    %dma_start3A_423 = tpu.memref_slice %arg4[%dma_start3A_418, %add3A_417, %dma_start3A_422] : memref<4x2048x1024xf32, #tpu.memory_space<hbm>> -> memref<1x16x1024xf32, #tpu.memory_space<hbm>>
    %dma_start3A_424 = tpu.memref_squeeze %dma_start3A_423 : memref<1x16x1024xf32, #tpu.memory_space<hbm>> -> memref<16x1024xf32, #tpu.memory_space<hbm>>
    tpu.enqueue_dma source(%arg10 : memref<16x1024xf32, #tpu.memory_space<vmem>>) target(%dma_start3A_424 : memref<16x1024xf32, #tpu.memory_space<hbm>>) target_semaphore(%arg17 : memref<!tpu.dma_semaphore, #tpu.memory_space<semaphore_mem>>)
    %add3A_425 = arith.constant 48 : i32
    %add3A_426 = arith.addi %mul3A_2, %add3A_425 : i32
    %dma_start3A_427 = arith.constant 1 : i32
    %dma_start3A_428 = arith.constant 0 : i32
    %dma_start3A_429 = tpu.memref_slice %arg2[%dma_start3A_427, %add3A_426, %dma_start3A_428] : memref<4x2048x1024xf32, #tpu.memory_space<hbm>> -> memref<1x16x1024xf32, #tpu.memory_space<hbm>>
    %dma_start3A_430 = tpu.memref_squeeze %dma_start3A_429 : memref<1x16x1024xf32, #tpu.memory_space<hbm>> -> memref<16x1024xf32, #tpu.memory_space<hbm>>
    %dma_start3A_431 = arith.constant 0 : i32
    %dma_start3A_432 = tpu.memref_slice %arg2[%dma_start3A_427, %add3A_426, %dma_start3A_431] : memref<4x2048x1024xf32, #tpu.memory_space<hbm>> -> memref<1x16x1024xf32, #tpu.memory_space<hbm>>
    %dma_start3A_433 = tpu.memref_squeeze %dma_start3A_432 : memref<1x16x1024xf32, #tpu.memory_space<hbm>> -> memref<16x1024xf32, #tpu.memory_space<hbm>>
    tpu.enqueue_dma source(%dma_start3A_433 : memref<16x1024xf32, #tpu.memory_space<hbm>>) target(%arg8 : memref<16x1024xf32, #tpu.memory_space<vmem>>) target_semaphore(%arg15 : memref<!tpu.dma_semaphore, #tpu.memory_space<semaphore_mem>>)
    %dma_wait3A_434 = arith.constant 3 : i32
    %dma_wait3A_435 = arith.constant 0 : i32
    %dma_wait3A_436 = tpu.memref_slice %arg2[%dma_wait3A_434, %add3A_356, %dma_wait3A_435] : memref<4x2048x1024xf32, #tpu.memory_space<hbm>> -> memref<1x16x1024xf32, #tpu.memory_space<hbm>>
    %dma_wait3A_437 = tpu.memref_squeeze %dma_wait3A_436 : memref<1x16x1024xf32, #tpu.memory_space<hbm>> -> memref<16x1024xf32, #tpu.memory_space<hbm>>
    %dma_wait3A_438 = arith.constant 0 : i32
    %dma_wait3A_439 = tpu.memref_slice %arg2[%dma_wait3A_434, %add3A_356, %dma_wait3A_438] : memref<4x2048x1024xf32, #tpu.memory_space<hbm>> -> memref<1x16x1024xf32, #tpu.memory_space<hbm>>
    %dma_wait3A_440 = tpu.memref_squeeze %dma_wait3A_439 : memref<1x16x1024xf32, #tpu.memory_space<hbm>> -> memref<16x1024xf32, #tpu.memory_space<hbm>>
    tpu.wait_dma2 semaphore(%arg16 : memref<!tpu.dma_semaphore, #tpu.memory_space<semaphore_mem>>) src(%dma_wait3A_440 : memref<16x1024xf32, #tpu.memory_space<hbm>>) dst(%arg9 : memref<16x1024xf32, #tpu.memory_space<vmem>>)
    %dma_wait3A_441 = arith.constant 1 : i32
    %dma_wait3A_442 = arith.constant 0 : i32
    %dma_wait3A_443 = tpu.memref_slice %arg4[%dma_wait3A_441, %add3A_382, %dma_wait3A_442] : memref<4x2048x1024xf32, #tpu.memory_space<hbm>> -> memref<1x16x1024xf32, #tpu.memory_space<hbm>>
    %dma_wait3A_444 = tpu.memref_squeeze %dma_wait3A_443 : memref<1x16x1024xf32, #tpu.memory_space<hbm>> -> memref<16x1024xf32, #tpu.memory_space<hbm>>
    %dma_wait3A_445 = arith.constant 0 : i32
    %dma_wait3A_446 = tpu.memref_slice %arg4[%dma_wait3A_441, %add3A_382, %dma_wait3A_445] : memref<4x2048x1024xf32, #tpu.memory_space<hbm>> -> memref<1x16x1024xf32, #tpu.memory_space<hbm>>
    %dma_wait3A_447 = tpu.memref_squeeze %dma_wait3A_446 : memref<1x16x1024xf32, #tpu.memory_space<hbm>> -> memref<16x1024xf32, #tpu.memory_space<hbm>>
    tpu.wait_dma2 semaphore(%arg18 : memref<!tpu.dma_semaphore, #tpu.memory_space<semaphore_mem>>) src(%arg11 : memref<16x1024xf32, #tpu.memory_space<vmem>>) dst(%dma_wait3A_447 : memref<16x1024xf32, #tpu.memory_space<hbm>>)
    %parallel_loop3A_448 = arith.constant 0 : i32
    %parallel_loop3A_449 = arith.constant 1024 : i32
    %parallel_loop3A_450 = arith.constant 1 : i32
    scf.for %parallel_loop3A_600 = %parallel_loop3A_448 to %parallel_loop3A_449 step %parallel_loop3A_450  : i32 {
      %parallel_loop3A_601 = arith.constant 64 : i32
      %parallel_loop3A_602 = arith.divsi %parallel_loop3A_600, %parallel_loop3A_601 : i32
      %parallel_loop3A_603 = arith.constant 0 : i32
      %parallel_loop3A_604 = arith.cmpi sgt, %parallel_loop3A_600, %parallel_loop3A_603 : i32
      %parallel_loop3A_605 = arith.extui %parallel_loop3A_604 : i1 to i32
      %parallel_loop3A_606 = arith.constant 0 : i32
      %parallel_loop3A_607 = arith.cmpi slt, %parallel_loop3A_600, %parallel_loop3A_606 : i32
      %parallel_loop3A_608 = arith.extui %parallel_loop3A_607 : i1 to i32
      %parallel_loop3A_609 = arith.subi %parallel_loop3A_605, %parallel_loop3A_608 : i32
      %parallel_loop3A_610 = arith.constant 0 : i32
      %parallel_loop3A_611 = arith.cmpi sgt, %parallel_loop3A_601, %parallel_loop3A_610 : i32
      %parallel_loop3A_612 = arith.extui %parallel_loop3A_611 : i1 to i32
      %parallel_loop3A_613 = arith.constant 0 : i32
      %parallel_loop3A_614 = arith.cmpi slt, %parallel_loop3A_601, %parallel_loop3A_613 : i32
      %parallel_loop3A_615 = arith.extui %parallel_loop3A_614 : i1 to i32
      %parallel_loop3A_616 = arith.subi %parallel_loop3A_612, %parallel_loop3A_615 : i32
      %parallel_loop3A_617 = arith.cmpi ne, %parallel_loop3A_609, %parallel_loop3A_616 : i32
      %parallel_loop3A_618 = arith.remsi %parallel_loop3A_600, %parallel_loop3A_601 : i32
      %parallel_loop3A_619 = arith.constant 0 : i32
      %parallel_loop3A_620 = arith.cmpi ne, %parallel_loop3A_618, %parallel_loop3A_619 : i32
      %parallel_loop3A_621 = arith.andi %parallel_loop3A_617, %parallel_loop3A_620 : i1
      %parallel_loop3A_622 = arith.constant 1 : i32
      %parallel_loop3A_623 = arith.subi %parallel_loop3A_602, %parallel_loop3A_622 : i32
      %parallel_loop3A_624 = arith.select %parallel_loop3A_621, %parallel_loop3A_623, %parallel_loop3A_602 : i32
      %parallel_loop3A_625 = arith.constant 64 : i32
      %parallel_loop3A_626 = arith.constant 0 : i32
      %parallel_loop3A_627 = arith.cmpi eq, %parallel_loop3A_625, %parallel_loop3A_626 : i32
      %parallel_loop3A_628 = arith.constant 1 : i32
      %parallel_loop3A_629 = arith.select %parallel_loop3A_627, %parallel_loop3A_628, %parallel_loop3A_625 : i32
      %parallel_loop3A_630 = arith.remsi %parallel_loop3A_600, %parallel_loop3A_629 : i32
      %parallel_loop3A_631 = arith.constant 0 : i32
      %parallel_loop3A_632 = arith.cmpi ne, %parallel_loop3A_630, %parallel_loop3A_631 : i32
      %parallel_loop3A_633 = arith.constant 0 : i32
      %parallel_loop3A_634 = arith.cmpi slt, %parallel_loop3A_630, %parallel_loop3A_633 : i32
      %parallel_loop3A_635 = arith.constant 0 : i32
      %parallel_loop3A_636 = arith.cmpi slt, %parallel_loop3A_629, %parallel_loop3A_635 : i32
      %parallel_loop3A_637 = arith.xori %parallel_loop3A_634, %parallel_loop3A_636 : i1
      %parallel_loop3A_638 = arith.andi %parallel_loop3A_637, %parallel_loop3A_632 : i1
      %parallel_loop3A_639 = arith.addi %parallel_loop3A_630, %parallel_loop3A_629 : i32
      %parallel_loop3A_640 = arith.select %parallel_loop3A_638, %parallel_loop3A_639, %parallel_loop3A_630 : i32
      %parallel_loop3A_641 = arith.constant 16 : i32
      %parallel_loop3A_642 = arith.muli %parallel_loop3A_640, %parallel_loop3A_641 : i32
      %parallel_loop3A_643 = arith.index_cast %parallel_loop3A_624 : i32 to index
      %parallel_loop3A_644 = arith.index_cast %parallel_loop3A_642 : i32 to index
      %parallel_loop3A_645 = tpu.vector_load %arg9[%parallel_loop3A_643, %parallel_loop3A_644] {strides = array<i32>} : memref<16x1024xf32, #tpu.memory_space<vmem>>, vector<1x16xf32>,
      %parallel_loop3A_646 = vector.shape_cast %parallel_loop3A_645 : vector<1x16xf32> to vector<16xf32>
      %parallel_loop3A_647 = arith.index_cast %parallel_loop3A_624 : i32 to index
      %parallel_loop3A_648 = arith.index_cast %parallel_loop3A_642 : i32 to index
      %parallel_loop3A_649 = tpu.vector_load %arg5[%parallel_loop3A_647, %parallel_loop3A_648] {strides = array<i32>} : memref<16x1024xf32, #tpu.memory_space<vmem>>, vector<1x16xf32>,
      %parallel_loop3A_650 = vector.shape_cast %parallel_loop3A_649 : vector<1x16xf32> to vector<16xf32>
      %parallel_loop3A_651 = arith.addf %parallel_loop3A_646, %parallel_loop3A_650 : vector<16xf32>
      %parallel_loop3A_652 = arith.index_cast %parallel_loop3A_624 : i32 to index
      %parallel_loop3A_653 = arith.index_cast %parallel_loop3A_642 : i32 to index
      %parallel_loop3A_654 = tpu.vector_load %arg11[%parallel_loop3A_652, %parallel_loop3A_653] {strides = array<i32>} : memref<16x1024xf32, #tpu.memory_space<vmem>>, vector<1x16xf32>,
      %parallel_loop3A_655 = vector.shape_cast %parallel_loop3A_654 : vector<1x16xf32> to vector<16xf32>
      %parallel_loop3A_656 = vector.shape_cast %parallel_loop3A_651 : vector<16xf32> to vector<1x16xf32>
      tpu.vector_store %arg11[%parallel_loop3A_652, %parallel_loop3A_653], %parallel_loop3A_656 {strides = array<i32>} : memref<16x1024xf32, #tpu.memory_space<vmem>>, vector<1x16xf32>,
    } {sc.loop_unroll_factor = 8 : i64, sc.parallel_access}
    %add3A_451 = arith.constant 32 : i32
    %add3A_452 = arith.addi %mul3A_2, %add3A_451 : i32
    %dma_start3A_453 = arith.constant 3 : i32
    %dma_start3A_454 = arith.constant 0 : i32
    %dma_start3A_455 = tpu.memref_slice %arg4[%dma_start3A_453, %add3A_452, %dma_start3A_454] : memref<4x2048x1024xf32, #tpu.memory_space<hbm>> -> memref<1x16x1024xf32, #tpu.memory_space<hbm>>
    %dma_start3A_456 = tpu.memref_squeeze %dma_start3A_455 : memref<1x16x1024xf32, #tpu.memory_space<hbm>> -> memref<16x1024xf32, #tpu.memory_space<hbm>>
    %dma_start3A_457 = arith.constant 0 : i32
    %dma_start3A_458 = tpu.memref_slice %arg4[%dma_start3A_453, %add3A_452, %dma_start3A_457] : memref<4x2048x1024xf32, #tpu.memory_space<hbm>> -> memref<1x16x1024xf32, #tpu.memory_space<hbm>>
    %dma_start3A_459 = tpu.memref_squeeze %dma_start3A_458 : memref<1x16x1024xf32, #tpu.memory_space<hbm>> -> memref<16x1024xf32, #tpu.memory_space<hbm>>
    tpu.enqueue_dma source(%arg11 : memref<16x1024xf32, #tpu.memory_space<vmem>>) target(%dma_start3A_459 : memref<16x1024xf32, #tpu.memory_space<hbm>>) target_semaphore(%arg18 : memref<!tpu.dma_semaphore, #tpu.memory_space<semaphore_mem>>)
    %add3A_460 = arith.constant 48 : i32
    %add3A_461 = arith.addi %mul3A_2, %add3A_460 : i32
    %dma_start3A_462 = arith.constant 2 : i32
    %dma_start3A_463 = arith.constant 0 : i32
    %dma_start3A_464 = tpu.memref_slice %arg2[%dma_start3A_462, %add3A_461, %dma_start3A_463] : memref<4x2048x1024xf32, #tpu.memory_space<hbm>> -> memref<1x16x1024xf32, #tpu.memory_space<hbm>>
    %dma_start3A_465 = tpu.memref_squeeze %dma_start3A_464 : memref<1x16x1024xf32, #tpu.memory_space<hbm>> -> memref<16x1024xf32, #tpu.memory_space<hbm>>
    %dma_start3A_466 = arith.constant 0 : i32
    %dma_start3A_467 = tpu.memref_slice %arg2[%dma_start3A_462, %add3A_461, %dma_start3A_466] : memref<4x2048x1024xf32, #tpu.memory_space<hbm>> -> memref<1x16x1024xf32, #tpu.memory_space<hbm>>
    %dma_start3A_468 = tpu.memref_squeeze %dma_start3A_467 : memref<1x16x1024xf32, #tpu.memory_space<hbm>> -> memref<16x1024xf32, #tpu.memory_space<hbm>>
    tpu.enqueue_dma source(%dma_start3A_468 : memref<16x1024xf32, #tpu.memory_space<hbm>>) target(%arg9 : memref<16x1024xf32, #tpu.memory_space<vmem>>) target_semaphore(%arg16 : memref<!tpu.dma_semaphore, #tpu.memory_space<semaphore_mem>>)
    %dma_wait3A_469 = arith.constant 0 : i32
    %dma_wait3A_470 = tpu.memref_slice %arg3[%add3A_320, %dma_wait3A_469] : memref<2048x1024xf32, #tpu.memory_space<hbm>> -> memref<16x1024xf32, #tpu.memory_space<hbm>>
    %dma_wait3A_471 = arith.constant 0 : i32
    %dma_wait3A_472 = tpu.memref_slice %arg3[%add3A_320, %dma_wait3A_471] : memref<2048x1024xf32, #tpu.memory_space<hbm>> -> memref<16x1024xf32, #tpu.memory_space<hbm>>
    tpu.wait_dma2 semaphore(%arg13 : memref<!tpu.dma_semaphore, #tpu.memory_space<semaphore_mem>>) src(%dma_wait3A_472 : memref<16x1024xf32, #tpu.memory_space<hbm>>) dst(%arg6 : memref<16x1024xf32, #tpu.memory_space<vmem>>)
    %dma_wait3A_473 = arith.constant 0 : i32
    %dma_wait3A_474 = arith.constant 0 : i32
    %dma_wait3A_475 = tpu.memref_slice %arg2[%dma_wait3A_473, %add3A_391, %dma_wait3A_474] : memref<4x2048x1024xf32, #tpu.memory_space<hbm>> -> memref<1x16x1024xf32, #tpu.memory_space<hbm>>
    %dma_wait3A_476 = tpu.memref_squeeze %dma_wait3A_475 : memref<1x16x1024xf32, #tpu.memory_space<hbm>> -> memref<16x1024xf32, #tpu.memory_space<hbm>>
    %dma_wait3A_477 = arith.constant 0 : i32
    %dma_wait3A_478 = tpu.memref_slice %arg2[%dma_wait3A_473, %add3A_391, %dma_wait3A_477] : memref<4x2048x1024xf32, #tpu.memory_space<hbm>> -> memref<1x16x1024xf32, #tpu.memory_space<hbm>>
    %dma_wait3A_479 = tpu.memref_squeeze %dma_wait3A_478 : memref<1x16x1024xf32, #tpu.memory_space<hbm>> -> memref<16x1024xf32, #tpu.memory_space<hbm>>
    tpu.wait_dma2 semaphore(%arg14 : memref<!tpu.dma_semaphore, #tpu.memory_space<semaphore_mem>>) src(%dma_wait3A_479 : memref<16x1024xf32, #tpu.memory_space<hbm>>) dst(%arg7 : memref<16x1024xf32, #tpu.memory_space<vmem>>)
    %dma_wait3A_480 = arith.constant 2 : i32
    %dma_wait3A_481 = arith.constant 0 : i32
    %dma_wait3A_482 = tpu.memref_slice %arg4[%dma_wait3A_480, %add3A_417, %dma_wait3A_481] : memref<4x2048x1024xf32, #tpu.memory_space<hbm>> -> memref<1x16x1024xf32, #tpu.memory_space<hbm>>
    %dma_wait3A_483 = tpu.memref_squeeze %dma_wait3A_482 : memref<1x16x1024xf32, #tpu.memory_space<hbm>> -> memref<16x1024xf32, #tpu.memory_space<hbm>>
    %dma_wait3A_484 = arith.constant 0 : i32
    %dma_wait3A_485 = tpu.memref_slice %arg4[%dma_wait3A_480, %add3A_417, %dma_wait3A_484] : memref<4x2048x1024xf32, #tpu.memory_space<hbm>> -> memref<1x16x1024xf32, #tpu.memory_space<hbm>>
    %dma_wait3A_486 = tpu.memref_squeeze %dma_wait3A_485 : memref<1x16x1024xf32, #tpu.memory_space<hbm>> -> memref<16x1024xf32, #tpu.memory_space<hbm>>
    tpu.wait_dma2 semaphore(%arg17 : memref<!tpu.dma_semaphore, #tpu.memory_space<semaphore_mem>>) src(%arg10 : memref<16x1024xf32, #tpu.memory_space<vmem>>) dst(%dma_wait3A_486 : memref<16x1024xf32, #tpu.memory_space<hbm>>)
    %parallel_loop3A_487 = arith.constant 0 : i32
    %parallel_loop3A_488 = arith.constant 1024 : i32
    %parallel_loop3A_489 = arith.constant 1 : i32
    scf.for %parallel_loop3A_600 = %parallel_loop3A_487 to %parallel_loop3A_488 step %parallel_loop3A_489  : i32 {
      %parallel_loop3A_601 = arith.constant 64 : i32
      %parallel_loop3A_602 = arith.divsi %parallel_loop3A_600, %parallel_loop3A_601 : i32
      %parallel_loop3A_603 = arith.constant 0 : i32
      %parallel_loop3A_604 = arith.cmpi sgt, %parallel_loop3A_600, %parallel_loop3A_603 : i32
      %parallel_loop3A_605 = arith.extui %parallel_loop3A_604 : i1 to i32
      %parallel_loop3A_606 = arith.constant 0 : i32
      %parallel_loop3A_607 = arith.cmpi slt, %parallel_loop3A_600, %parallel_loop3A_606 : i32
      %parallel_loop3A_608 = arith.extui %parallel_loop3A_607 : i1 to i32
      %parallel_loop3A_609 = arith.subi %parallel_loop3A_605, %parallel_loop3A_608 : i32
      %parallel_loop3A_610 = arith.constant 0 : i32
      %parallel_loop3A_611 = arith.cmpi sgt, %parallel_loop3A_601, %parallel_loop3A_610 : i32
      %parallel_loop3A_612 = arith.extui %parallel_loop3A_611 : i1 to i32
      %parallel_loop3A_613 = arith.constant 0 : i32
      %parallel_loop3A_614 = arith.cmpi slt, %parallel_loop3A_601, %parallel_loop3A_613 : i32
      %parallel_loop3A_615 = arith.extui %parallel_loop3A_614 : i1 to i32
      %parallel_loop3A_616 = arith.subi %parallel_loop3A_612, %parallel_loop3A_615 : i32
      %parallel_loop3A_617 = arith.cmpi ne, %parallel_loop3A_609, %parallel_loop3A_616 : i32
      %parallel_loop3A_618 = arith.remsi %parallel_loop3A_600, %parallel_loop3A_601 : i32
      %parallel_loop3A_619 = arith.constant 0 : i32
      %parallel_loop3A_620 = arith.cmpi ne, %parallel_loop3A_618, %parallel_loop3A_619 : i32
      %parallel_loop3A_621 = arith.andi %parallel_loop3A_617, %parallel_loop3A_620 : i1
      %parallel_loop3A_622 = arith.constant 1 : i32
      %parallel_loop3A_623 = arith.subi %parallel_loop3A_602, %parallel_loop3A_622 : i32
      %parallel_loop3A_624 = arith.select %parallel_loop3A_621, %parallel_loop3A_623, %parallel_loop3A_602 : i32
      %parallel_loop3A_625 = arith.constant 64 : i32
      %parallel_loop3A_626 = arith.constant 0 : i32
      %parallel_loop3A_627 = arith.cmpi eq, %parallel_loop3A_625, %parallel_loop3A_626 : i32
      %parallel_loop3A_628 = arith.constant 1 : i32
      %parallel_loop3A_629 = arith.select %parallel_loop3A_627, %parallel_loop3A_628, %parallel_loop3A_625 : i32
      %parallel_loop3A_630 = arith.remsi %parallel_loop3A_600, %parallel_loop3A_629 : i32
      %parallel_loop3A_631 = arith.constant 0 : i32
      %parallel_loop3A_632 = arith.cmpi ne, %parallel_loop3A_630, %parallel_loop3A_631 : i32
      %parallel_loop3A_633 = arith.constant 0 : i32
      %parallel_loop3A_634 = arith.cmpi slt, %parallel_loop3A_630, %parallel_loop3A_633 : i32
      %parallel_loop3A_635 = arith.constant 0 : i32
      %parallel_loop3A_636 = arith.cmpi slt, %parallel_loop3A_629, %parallel_loop3A_635 : i32
      %parallel_loop3A_637 = arith.xori %parallel_loop3A_634, %parallel_loop3A_636 : i1
      %parallel_loop3A_638 = arith.andi %parallel_loop3A_637, %parallel_loop3A_632 : i1
      %parallel_loop3A_639 = arith.addi %parallel_loop3A_630, %parallel_loop3A_629 : i32
      %parallel_loop3A_640 = arith.select %parallel_loop3A_638, %parallel_loop3A_639, %parallel_loop3A_630 : i32
      %parallel_loop3A_641 = arith.constant 16 : i32
      %parallel_loop3A_642 = arith.muli %parallel_loop3A_640, %parallel_loop3A_641 : i32
      %parallel_loop3A_643 = arith.index_cast %parallel_loop3A_624 : i32 to index
      %parallel_loop3A_644 = arith.index_cast %parallel_loop3A_642 : i32 to index
      %parallel_loop3A_645 = tpu.vector_load %arg7[%parallel_loop3A_643, %parallel_loop3A_644] {strides = array<i32>} : memref<16x1024xf32, #tpu.memory_space<vmem>>, vector<1x16xf32>,
      %parallel_loop3A_646 = vector.shape_cast %parallel_loop3A_645 : vector<1x16xf32> to vector<16xf32>
      %parallel_loop3A_647 = arith.index_cast %parallel_loop3A_624 : i32 to index
      %parallel_loop3A_648 = arith.index_cast %parallel_loop3A_642 : i32 to index
      %parallel_loop3A_649 = tpu.vector_load %arg6[%parallel_loop3A_647, %parallel_loop3A_648] {strides = array<i32>} : memref<16x1024xf32, #tpu.memory_space<vmem>>, vector<1x16xf32>,
      %parallel_loop3A_650 = vector.shape_cast %parallel_loop3A_649 : vector<1x16xf32> to vector<16xf32>
      %parallel_loop3A_651 = arith.addf %parallel_loop3A_646, %parallel_loop3A_650 : vector<16xf32>
      %parallel_loop3A_652 = arith.index_cast %parallel_loop3A_624 : i32 to index
      %parallel_loop3A_653 = arith.index_cast %parallel_loop3A_642 : i32 to index
      %parallel_loop3A_654 = tpu.vector_load %arg10[%parallel_loop3A_652, %parallel_loop3A_653] {strides = array<i32>} : memref<16x1024xf32, #tpu.memory_space<vmem>>, vector<1x16xf32>,
      %parallel_loop3A_655 = vector.shape_cast %parallel_loop3A_654 : vector<1x16xf32> to vector<16xf32>
      %parallel_loop3A_656 = vector.shape_cast %parallel_loop3A_651 : vector<16xf32> to vector<1x16xf32>
      tpu.vector_store %arg10[%parallel_loop3A_652, %parallel_loop3A_653], %parallel_loop3A_656 {strides = array<i32>} : memref<16x1024xf32, #tpu.memory_space<vmem>>, vector<1x16xf32>,
    } {sc.loop_unroll_factor = 8 : i64, sc.parallel_access}
    %add3A_490 = arith.constant 48 : i32
    %add3A_491 = arith.addi %mul3A_2, %add3A_490 : i32
    %dma_start3A_492 = arith.constant 0 : i32
    %dma_start3A_493 = arith.constant 0 : i32
    %dma_start3A_494 = tpu.memref_slice %arg4[%dma_start3A_492, %add3A_491, %dma_start3A_493] : memref<4x2048x1024xf32, #tpu.memory_space<hbm>> -> memref<1x16x1024xf32, #tpu.memory_space<hbm>>
    %dma_start3A_495 = tpu.memref_squeeze %dma_start3A_494 : memref<1x16x1024xf32, #tpu.memory_space<hbm>> -> memref<16x1024xf32, #tpu.memory_space<hbm>>
    %dma_start3A_496 = arith.constant 0 : i32
    %dma_start3A_497 = tpu.memref_slice %arg4[%dma_start3A_492, %add3A_491, %dma_start3A_496] : memref<4x2048x1024xf32, #tpu.memory_space<hbm>> -> memref<1x16x1024xf32, #tpu.memory_space<hbm>>
    %dma_start3A_498 = tpu.memref_squeeze %dma_start3A_497 : memref<1x16x1024xf32, #tpu.memory_space<hbm>> -> memref<16x1024xf32, #tpu.memory_space<hbm>>
    tpu.enqueue_dma source(%arg10 : memref<16x1024xf32, #tpu.memory_space<vmem>>) target(%dma_start3A_498 : memref<16x1024xf32, #tpu.memory_space<hbm>>) target_semaphore(%arg17 : memref<!tpu.dma_semaphore, #tpu.memory_space<semaphore_mem>>)
    %add3A_499 = arith.constant 48 : i32
    %add3A_500 = arith.addi %mul3A_2, %add3A_499 : i32
    %dma_start3A_501 = arith.constant 3 : i32
    %dma_start3A_502 = arith.constant 0 : i32
    %dma_start3A_503 = tpu.memref_slice %arg2[%dma_start3A_501, %add3A_500, %dma_start3A_502] : memref<4x2048x1024xf32, #tpu.memory_space<hbm>> -> memref<1x16x1024xf32, #tpu.memory_space<hbm>>
    %dma_start3A_504 = tpu.memref_squeeze %dma_start3A_503 : memref<1x16x1024xf32, #tpu.memory_space<hbm>> -> memref<16x1024xf32, #tpu.memory_space<hbm>>
    %dma_start3A_505 = arith.constant 0 : i32
    %dma_start3A_506 = tpu.memref_slice %arg2[%dma_start3A_501, %add3A_500, %dma_start3A_505] : memref<4x2048x1024xf32, #tpu.memory_space<hbm>> -> memref<1x16x1024xf32, #tpu.memory_space<hbm>>
    %dma_start3A_507 = tpu.memref_squeeze %dma_start3A_506 : memref<1x16x1024xf32, #tpu.memory_space<hbm>> -> memref<16x1024xf32, #tpu.memory_space<hbm>>
    tpu.enqueue_dma source(%dma_start3A_507 : memref<16x1024xf32, #tpu.memory_space<hbm>>) target(%arg7 : memref<16x1024xf32, #tpu.memory_space<vmem>>) target_semaphore(%arg14 : memref<!tpu.dma_semaphore, #tpu.memory_space<semaphore_mem>>)
    %dma_wait3A_508 = arith.constant 1 : i32
    %dma_wait3A_509 = arith.constant 0 : i32
    %dma_wait3A_510 = tpu.memref_slice %arg2[%dma_wait3A_508, %add3A_426, %dma_wait3A_509] : memref<4x2048x1024xf32, #tpu.memory_space<hbm>> -> memref<1x16x1024xf32, #tpu.memory_space<hbm>>
    %dma_wait3A_511 = tpu.memref_squeeze %dma_wait3A_510 : memref<1x16x1024xf32, #tpu.memory_space<hbm>> -> memref<16x1024xf32, #tpu.memory_space<hbm>>
    %dma_wait3A_512 = arith.constant 0 : i32
    %dma_wait3A_513 = tpu.memref_slice %arg2[%dma_wait3A_508, %add3A_426, %dma_wait3A_512] : memref<4x2048x1024xf32, #tpu.memory_space<hbm>> -> memref<1x16x1024xf32, #tpu.memory_space<hbm>>
    %dma_wait3A_514 = tpu.memref_squeeze %dma_wait3A_513 : memref<1x16x1024xf32, #tpu.memory_space<hbm>> -> memref<16x1024xf32, #tpu.memory_space<hbm>>
    tpu.wait_dma2 semaphore(%arg15 : memref<!tpu.dma_semaphore, #tpu.memory_space<semaphore_mem>>) src(%dma_wait3A_514 : memref<16x1024xf32, #tpu.memory_space<hbm>>) dst(%arg8 : memref<16x1024xf32, #tpu.memory_space<vmem>>)
    %dma_wait3A_515 = arith.constant 3 : i32
    %dma_wait3A_516 = arith.constant 0 : i32
    %dma_wait3A_517 = tpu.memref_slice %arg4[%dma_wait3A_515, %add3A_452, %dma_wait3A_516] : memref<4x2048x1024xf32, #tpu.memory_space<hbm>> -> memref<1x16x1024xf32, #tpu.memory_space<hbm>>
    %dma_wait3A_518 = tpu.memref_squeeze %dma_wait3A_517 : memref<1x16x1024xf32, #tpu.memory_space<hbm>> -> memref<16x1024xf32, #tpu.memory_space<hbm>>
    %dma_wait3A_519 = arith.constant 0 : i32
    %dma_wait3A_520 = tpu.memref_slice %arg4[%dma_wait3A_515, %add3A_452, %dma_wait3A_519] : memref<4x2048x1024xf32, #tpu.memory_space<hbm>> -> memref<1x16x1024xf32, #tpu.memory_space<hbm>>
    %dma_wait3A_521 = tpu.memref_squeeze %dma_wait3A_520 : memref<1x16x1024xf32, #tpu.memory_space<hbm>> -> memref<16x1024xf32, #tpu.memory_space<hbm>>
    tpu.wait_dma2 semaphore(%arg18 : memref<!tpu.dma_semaphore, #tpu.memory_space<semaphore_mem>>) src(%arg11 : memref<16x1024xf32, #tpu.memory_space<vmem>>) dst(%dma_wait3A_521 : memref<16x1024xf32, #tpu.memory_space<hbm>>)
    %parallel_loop3A_522 = arith.constant 0 : i32
    %parallel_loop3A_523 = arith.constant 1024 : i32
    %parallel_loop3A_524 = arith.constant 1 : i32
    scf.for %parallel_loop3A_600 = %parallel_loop3A_522 to %parallel_loop3A_523 step %parallel_loop3A_524  : i32 {
      %parallel_loop3A_601 = arith.constant 64 : i32
      %parallel_loop3A_602 = arith.divsi %parallel_loop3A_600, %parallel_loop3A_601 : i32
      %parallel_loop3A_603 = arith.constant 0 : i32
      %parallel_loop3A_604 = arith.cmpi sgt, %parallel_loop3A_600, %parallel_loop3A_603 : i32
      %parallel_loop3A_605 = arith.extui %parallel_loop3A_604 : i1 to i32
      %parallel_loop3A_606 = arith.constant 0 : i32
      %parallel_loop3A_607 = arith.cmpi slt, %parallel_loop3A_600, %parallel_loop3A_606 : i32
      %parallel_loop3A_608 = arith.extui %parallel_loop3A_607 : i1 to i32
      %parallel_loop3A_609 = arith.subi %parallel_loop3A_605, %parallel_loop3A_608 : i32
      %parallel_loop3A_610 = arith.constant 0 : i32
      %parallel_loop3A_611 = arith.cmpi sgt, %parallel_loop3A_601, %parallel_loop3A_610 : i32
      %parallel_loop3A_612 = arith.extui %parallel_loop3A_611 : i1 to i32
      %parallel_loop3A_613 = arith.constant 0 : i32
      %parallel_loop3A_614 = arith.cmpi slt, %parallel_loop3A_601, %parallel_loop3A_613 : i32
      %parallel_loop3A_615 = arith.extui %parallel_loop3A_614 : i1 to i32
      %parallel_loop3A_616 = arith.subi %parallel_loop3A_612, %parallel_loop3A_615 : i32
      %parallel_loop3A_617 = arith.cmpi ne, %parallel_loop3A_609, %parallel_loop3A_616 : i32
      %parallel_loop3A_618 = arith.remsi %parallel_loop3A_600, %parallel_loop3A_601 : i32
      %parallel_loop3A_619 = arith.constant 0 : i32
      %parallel_loop3A_620 = arith.cmpi ne, %parallel_loop3A_618, %parallel_loop3A_619 : i32
      %parallel_loop3A_621 = arith.andi %parallel_loop3A_617, %parallel_loop3A_620 : i1
      %parallel_loop3A_622 = arith.constant 1 : i32
      %parallel_loop3A_623 = arith.subi %parallel_loop3A_602, %parallel_loop3A_622 : i32
      %parallel_loop3A_624 = arith.select %parallel_loop3A_621, %parallel_loop3A_623, %parallel_loop3A_602 : i32
      %parallel_loop3A_625 = arith.constant 64 : i32
      %parallel_loop3A_626 = arith.constant 0 : i32
      %parallel_loop3A_627 = arith.cmpi eq, %parallel_loop3A_625, %parallel_loop3A_626 : i32
      %parallel_loop3A_628 = arith.constant 1 : i32
      %parallel_loop3A_629 = arith.select %parallel_loop3A_627, %parallel_loop3A_628, %parallel_loop3A_625 : i32
      %parallel_loop3A_630 = arith.remsi %parallel_loop3A_600, %parallel_loop3A_629 : i32
      %parallel_loop3A_631 = arith.constant 0 : i32
      %parallel_loop3A_632 = arith.cmpi ne, %parallel_loop3A_630, %parallel_loop3A_631 : i32
      %parallel_loop3A_633 = arith.constant 0 : i32
      %parallel_loop3A_634 = arith.cmpi slt, %parallel_loop3A_630, %parallel_loop3A_633 : i32
      %parallel_loop3A_635 = arith.constant 0 : i32
      %parallel_loop3A_636 = arith.cmpi slt, %parallel_loop3A_629, %parallel_loop3A_635 : i32
      %parallel_loop3A_637 = arith.xori %parallel_loop3A_634, %parallel_loop3A_636 : i1
      %parallel_loop3A_638 = arith.andi %parallel_loop3A_637, %parallel_loop3A_632 : i1
      %parallel_loop3A_639 = arith.addi %parallel_loop3A_630, %parallel_loop3A_629 : i32
      %parallel_loop3A_640 = arith.select %parallel_loop3A_638, %parallel_loop3A_639, %parallel_loop3A_630 : i32
      %parallel_loop3A_641 = arith.constant 16 : i32
      %parallel_loop3A_642 = arith.muli %parallel_loop3A_640, %parallel_loop3A_641 : i32
      %parallel_loop3A_643 = arith.index_cast %parallel_loop3A_624 : i32 to index
      %parallel_loop3A_644 = arith.index_cast %parallel_loop3A_642 : i32 to index
      %parallel_loop3A_645 = tpu.vector_load %arg8[%parallel_loop3A_643, %parallel_loop3A_644] {strides = array<i32>} : memref<16x1024xf32, #tpu.memory_space<vmem>>, vector<1x16xf32>,
      %parallel_loop3A_646 = vector.shape_cast %parallel_loop3A_645 : vector<1x16xf32> to vector<16xf32>
      %parallel_loop3A_647 = arith.index_cast %parallel_loop3A_624 : i32 to index
      %parallel_loop3A_648 = arith.index_cast %parallel_loop3A_642 : i32 to index
      %parallel_loop3A_649 = tpu.vector_load %arg6[%parallel_loop3A_647, %parallel_loop3A_648] {strides = array<i32>} : memref<16x1024xf32, #tpu.memory_space<vmem>>, vector<1x16xf32>,
      %parallel_loop3A_650 = vector.shape_cast %parallel_loop3A_649 : vector<1x16xf32> to vector<16xf32>
      %parallel_loop3A_651 = arith.addf %parallel_loop3A_646, %parallel_loop3A_650 : vector<16xf32>
      %parallel_loop3A_652 = arith.index_cast %parallel_loop3A_624 : i32 to index
      %parallel_loop3A_653 = arith.index_cast %parallel_loop3A_642 : i32 to index
      %parallel_loop3A_654 = tpu.vector_load %arg11[%parallel_loop3A_652, %parallel_loop3A_653] {strides = array<i32>} : memref<16x1024xf32, #tpu.memory_space<vmem>>, vector<1x16xf32>,
      %parallel_loop3A_655 = vector.shape_cast %parallel_loop3A_654 : vector<1x16xf32> to vector<16xf32>
      %parallel_loop3A_656 = vector.shape_cast %parallel_loop3A_651 : vector<16xf32> to vector<1x16xf32>
      tpu.vector_store %arg11[%parallel_loop3A_652, %parallel_loop3A_653], %parallel_loop3A_656 {strides = array<i32>} : memref<16x1024xf32, #tpu.memory_space<vmem>>, vector<1x16xf32>,
    } {sc.loop_unroll_factor = 8 : i64, sc.parallel_access}
    %add3A_525 = arith.constant 48 : i32
    %add3A_526 = arith.addi %mul3A_2, %add3A_525 : i32
    %dma_start3A_527 = arith.constant 1 : i32
    %dma_start3A_528 = arith.constant 0 : i32
    %dma_start3A_529 = tpu.memref_slice %arg4[%dma_start3A_527, %add3A_526, %dma_start3A_528] : memref<4x2048x1024xf32, #tpu.memory_space<hbm>> -> memref<1x16x1024xf32, #tpu.memory_space<hbm>>
    %dma_start3A_530 = tpu.memref_squeeze %dma_start3A_529 : memref<1x16x1024xf32, #tpu.memory_space<hbm>> -> memref<16x1024xf32, #tpu.memory_space<hbm>>
    %dma_start3A_531 = arith.constant 0 : i32
    %dma_start3A_532 = tpu.memref_slice %arg4[%dma_start3A_527, %add3A_526, %dma_start3A_531] : memref<4x2048x1024xf32, #tpu.memory_space<hbm>> -> memref<1x16x1024xf32, #tpu.memory_space<hbm>>
    %dma_start3A_533 = tpu.memref_squeeze %dma_start3A_532 : memref<1x16x1024xf32, #tpu.memory_space<hbm>> -> memref<16x1024xf32, #tpu.memory_space<hbm>>
    tpu.enqueue_dma source(%arg11 : memref<16x1024xf32, #tpu.memory_space<vmem>>) target(%dma_start3A_533 : memref<16x1024xf32, #tpu.memory_space<hbm>>) target_semaphore(%arg18 : memref<!tpu.dma_semaphore, #tpu.memory_space<semaphore_mem>>)
    %dma_wait3A_534 = arith.constant 2 : i32
    %dma_wait3A_535 = arith.constant 0 : i32
    %dma_wait3A_536 = tpu.memref_slice %arg2[%dma_wait3A_534, %add3A_461, %dma_wait3A_535] : memref<4x2048x1024xf32, #tpu.memory_space<hbm>> -> memref<1x16x1024xf32, #tpu.memory_space<hbm>>
    %dma_wait3A_537 = tpu.memref_squeeze %dma_wait3A_536 : memref<1x16x1024xf32, #tpu.memory_space<hbm>> -> memref<16x1024xf32, #tpu.memory_space<hbm>>
    %dma_wait3A_538 = arith.constant 0 : i32
    %dma_wait3A_539 = tpu.memref_slice %arg2[%dma_wait3A_534, %add3A_461, %dma_wait3A_538] : memref<4x2048x1024xf32, #tpu.memory_space<hbm>> -> memref<1x16x1024xf32, #tpu.memory_space<hbm>>
    %dma_wait3A_540 = tpu.memref_squeeze %dma_wait3A_539 : memref<1x16x1024xf32, #tpu.memory_space<hbm>> -> memref<16x1024xf32, #tpu.memory_space<hbm>>
    tpu.wait_dma2 semaphore(%arg16 : memref<!tpu.dma_semaphore, #tpu.memory_space<semaphore_mem>>) src(%dma_wait3A_540 : memref<16x1024xf32, #tpu.memory_space<hbm>>) dst(%arg9 : memref<16x1024xf32, #tpu.memory_space<vmem>>)
    %dma_wait3A_541 = arith.constant 0 : i32
    %dma_wait3A_542 = arith.constant 0 : i32
    %dma_wait3A_543 = tpu.memref_slice %arg4[%dma_wait3A_541, %add3A_491, %dma_wait3A_542] : memref<4x2048x1024xf32, #tpu.memory_space<hbm>> -> memref<1x16x1024xf32, #tpu.memory_space<hbm>>
    %dma_wait3A_544 = tpu.memref_squeeze %dma_wait3A_543 : memref<1x16x1024xf32, #tpu.memory_space<hbm>> -> memref<16x1024xf32, #tpu.memory_space<hbm>>
    %dma_wait3A_545 = arith.constant 0 : i32
    %dma_wait3A_546 = tpu.memref_slice %arg4[%dma_wait3A_541, %add3A_491, %dma_wait3A_545] : memref<4x2048x1024xf32, #tpu.memory_space<hbm>> -> memref<1x16x1024xf32, #tpu.memory_space<hbm>>
    %dma_wait3A_547 = tpu.memref_squeeze %dma_wait3A_546 : memref<1x16x1024xf32, #tpu.memory_space<hbm>> -> memref<16x1024xf32, #tpu.memory_space<hbm>>
    tpu.wait_dma2 semaphore(%arg17 : memref<!tpu.dma_semaphore, #tpu.memory_space<semaphore_mem>>) src(%arg10 : memref<16x1024xf32, #tpu.memory_space<vmem>>) dst(%dma_wait3A_547 : memref<16x1024xf32, #tpu.memory_space<hbm>>)
    %parallel_loop3A_548 = arith.constant 0 : i32
    %parallel_loop3A_549 = arith.constant 1024 : i32
    %parallel_loop3A_550 = arith.constant 1 : i32
    scf.for %parallel_loop3A_600 = %parallel_loop3A_548 to %parallel_loop3A_549 step %parallel_loop3A_550  : i32 {
      %parallel_loop3A_601 = arith.constant 64 : i32
      %parallel_loop3A_602 = arith.divsi %parallel_loop3A_600, %parallel_loop3A_601 : i32
      %parallel_loop3A_603 = arith.constant 0 : i32
      %parallel_loop3A_604 = arith.cmpi sgt, %parallel_loop3A_600, %parallel_loop3A_603 : i32
      %parallel_loop3A_605 = arith.extui %parallel_loop3A_604 : i1 to i32
      %parallel_loop3A_606 = arith.constant 0 : i32
      %parallel_loop3A_607 = arith.cmpi slt, %parallel_loop3A_600, %parallel_loop3A_606 : i32
      %parallel_loop3A_608 = arith.extui %parallel_loop3A_607 : i1 to i32
      %parallel_loop3A_609 = arith.subi %parallel_loop3A_605, %parallel_loop3A_608 : i32
      %parallel_loop3A_610 = arith.constant 0 : i32
      %parallel_loop3A_611 = arith.cmpi sgt, %parallel_loop3A_601, %parallel_loop3A_610 : i32
      %parallel_loop3A_612 = arith.extui %parallel_loop3A_611 : i1 to i32
      %parallel_loop3A_613 = arith.constant 0 : i32
      %parallel_loop3A_614 = arith.cmpi slt, %parallel_loop3A_601, %parallel_loop3A_613 : i32
      %parallel_loop3A_615 = arith.extui %parallel_loop3A_614 : i1 to i32
      %parallel_loop3A_616 = arith.subi %parallel_loop3A_612, %parallel_loop3A_615 : i32
      %parallel_loop3A_617 = arith.cmpi ne, %parallel_loop3A_609, %parallel_loop3A_616 : i32
      %parallel_loop3A_618 = arith.remsi %parallel_loop3A_600, %parallel_loop3A_601 : i32
      %parallel_loop3A_619 = arith.constant 0 : i32
      %parallel_loop3A_620 = arith.cmpi ne, %parallel_loop3A_618, %parallel_loop3A_619 : i32
      %parallel_loop3A_621 = arith.andi %parallel_loop3A_617, %parallel_loop3A_620 : i1
      %parallel_loop3A_622 = arith.constant 1 : i32
      %parallel_loop3A_623 = arith.subi %parallel_loop3A_602, %parallel_loop3A_622 : i32
      %parallel_loop3A_624 = arith.select %parallel_loop3A_621, %parallel_loop3A_623, %parallel_loop3A_602 : i32
      %parallel_loop3A_625 = arith.constant 64 : i32
      %parallel_loop3A_626 = arith.constant 0 : i32
      %parallel_loop3A_627 = arith.cmpi eq, %parallel_loop3A_625, %parallel_loop3A_626 : i32
      %parallel_loop3A_628 = arith.constant 1 : i32
      %parallel_loop3A_629 = arith.select %parallel_loop3A_627, %parallel_loop3A_628, %parallel_loop3A_625 : i32
      %parallel_loop3A_630 = arith.remsi %parallel_loop3A_600, %parallel_loop3A_629 : i32
      %parallel_loop3A_631 = arith.constant 0 : i32
      %parallel_loop3A_632 = arith.cmpi ne, %parallel_loop3A_630, %parallel_loop3A_631 : i32
      %parallel_loop3A_633 = arith.constant 0 : i32
      %parallel_loop3A_634 = arith.cmpi slt, %parallel_loop3A_630, %parallel_loop3A_633 : i32
      %parallel_loop3A_635 = arith.constant 0 : i32
      %parallel_loop3A_636 = arith.cmpi slt, %parallel_loop3A_629, %parallel_loop3A_635 : i32
      %parallel_loop3A_637 = arith.xori %parallel_loop3A_634, %parallel_loop3A_636 : i1
      %parallel_loop3A_638 = arith.andi %parallel_loop3A_637, %parallel_loop3A_632 : i1
      %parallel_loop3A_639 = arith.addi %parallel_loop3A_630, %parallel_loop3A_629 : i32
      %parallel_loop3A_640 = arith.select %parallel_loop3A_638, %parallel_loop3A_639, %parallel_loop3A_630 : i32
      %parallel_loop3A_641 = arith.constant 16 : i32
      %parallel_loop3A_642 = arith.muli %parallel_loop3A_640, %parallel_loop3A_641 : i32
      %parallel_loop3A_643 = arith.index_cast %parallel_loop3A_624 : i32 to index
      %parallel_loop3A_644 = arith.index_cast %parallel_loop3A_642 : i32 to index
      %parallel_loop3A_645 = tpu.vector_load %arg9[%parallel_loop3A_643, %parallel_loop3A_644] {strides = array<i32>} : memref<16x1024xf32, #tpu.memory_space<vmem>>, vector<1x16xf32>,
      %parallel_loop3A_646 = vector.shape_cast %parallel_loop3A_645 : vector<1x16xf32> to vector<16xf32>
      %parallel_loop3A_647 = arith.index_cast %parallel_loop3A_624 : i32 to index
      %parallel_loop3A_648 = arith.index_cast %parallel_loop3A_642 : i32 to index
      %parallel_loop3A_649 = tpu.vector_load %arg6[%parallel_loop3A_647, %parallel_loop3A_648] {strides = array<i32>} : memref<16x1024xf32, #tpu.memory_space<vmem>>, vector<1x16xf32>,
      %parallel_loop3A_650 = vector.shape_cast %parallel_loop3A_649 : vector<1x16xf32> to vector<16xf32>
      %parallel_loop3A_651 = arith.addf %parallel_loop3A_646, %parallel_loop3A_650 : vector<16xf32>
      %parallel_loop3A_652 = arith.index_cast %parallel_loop3A_624 : i32 to index
      %parallel_loop3A_653 = arith.index_cast %parallel_loop3A_642 : i32 to index
      %parallel_loop3A_654 = tpu.vector_load %arg10[%parallel_loop3A_652, %parallel_loop3A_653] {strides = array<i32>} : memref<16x1024xf32, #tpu.memory_space<vmem>>, vector<1x16xf32>,
      %parallel_loop3A_655 = vector.shape_cast %parallel_loop3A_654 : vector<1x16xf32> to vector<16xf32>
      %parallel_loop3A_656 = vector.shape_cast %parallel_loop3A_651 : vector<16xf32> to vector<1x16xf32>
      tpu.vector_store %arg10[%parallel_loop3A_652, %parallel_loop3A_653], %parallel_loop3A_656 {strides = array<i32>} : memref<16x1024xf32, #tpu.memory_space<vmem>>, vector<1x16xf32>,
    } {sc.loop_unroll_factor = 8 : i64, sc.parallel_access}
    %add3A_551 = arith.constant 48 : i32
    %add3A_552 = arith.addi %mul3A_2, %add3A_551 : i32
    %dma_start3A_553 = arith.constant 2 : i32
    %dma_start3A_554 = arith.constant 0 : i32
    %dma_start3A_555 = tpu.memref_slice %arg4[%dma_start3A_553, %add3A_552, %dma_start3A_554] : memref<4x2048x1024xf32, #tpu.memory_space<hbm>> -> memref<1x16x1024xf32, #tpu.memory_space<hbm>>
    %dma_start3A_556 = tpu.memref_squeeze %dma_start3A_555 : memref<1x16x1024xf32, #tpu.memory_space<hbm>> -> memref<16x1024xf32, #tpu.memory_space<hbm>>
    %dma_start3A_557 = arith.constant 0 : i32
    %dma_start3A_558 = tpu.memref_slice %arg4[%dma_start3A_553, %add3A_552, %dma_start3A_557] : memref<4x2048x1024xf32, #tpu.memory_space<hbm>> -> memref<1x16x1024xf32, #tpu.memory_space<hbm>>
    %dma_start3A_559 = tpu.memref_squeeze %dma_start3A_558 : memref<1x16x1024xf32, #tpu.memory_space<hbm>> -> memref<16x1024xf32, #tpu.memory_space<hbm>>
    tpu.enqueue_dma source(%arg10 : memref<16x1024xf32, #tpu.memory_space<vmem>>) target(%dma_start3A_559 : memref<16x1024xf32, #tpu.memory_space<hbm>>) target_semaphore(%arg17 : memref<!tpu.dma_semaphore, #tpu.memory_space<semaphore_mem>>)
    %dma_wait3A_560 = arith.constant 3 : i32
    %dma_wait3A_561 = arith.constant 0 : i32
    %dma_wait3A_562 = tpu.memref_slice %arg2[%dma_wait3A_560, %add3A_500, %dma_wait3A_561] : memref<4x2048x1024xf32, #tpu.memory_space<hbm>> -> memref<1x16x1024xf32, #tpu.memory_space<hbm>>
    %dma_wait3A_563 = tpu.memref_squeeze %dma_wait3A_562 : memref<1x16x1024xf32, #tpu.memory_space<hbm>> -> memref<16x1024xf32, #tpu.memory_space<hbm>>
    %dma_wait3A_564 = arith.constant 0 : i32
    %dma_wait3A_565 = tpu.memref_slice %arg2[%dma_wait3A_560, %add3A_500, %dma_wait3A_564] : memref<4x2048x1024xf32, #tpu.memory_space<hbm>> -> memref<1x16x1024xf32, #tpu.memory_space<hbm>>
    %dma_wait3A_566 = tpu.memref_squeeze %dma_wait3A_565 : memref<1x16x1024xf32, #tpu.memory_space<hbm>> -> memref<16x1024xf32, #tpu.memory_space<hbm>>
    tpu.wait_dma2 semaphore(%arg14 : memref<!tpu.dma_semaphore, #tpu.memory_space<semaphore_mem>>) src(%dma_wait3A_566 : memref<16x1024xf32, #tpu.memory_space<hbm>>) dst(%arg7 : memref<16x1024xf32, #tpu.memory_space<vmem>>)
    %dma_wait3A_567 = arith.constant 1 : i32
    %dma_wait3A_568 = arith.constant 0 : i32
    %dma_wait3A_569 = tpu.memref_slice %arg4[%dma_wait3A_567, %add3A_526, %dma_wait3A_568] : memref<4x2048x1024xf32, #tpu.memory_space<hbm>> -> memref<1x16x1024xf32, #tpu.memory_space<hbm>>
    %dma_wait3A_570 = tpu.memref_squeeze %dma_wait3A_569 : memref<1x16x1024xf32, #tpu.memory_space<hbm>> -> memref<16x1024xf32, #tpu.memory_space<hbm>>
    %dma_wait3A_571 = arith.constant 0 : i32
    %dma_wait3A_572 = tpu.memref_slice %arg4[%dma_wait3A_567, %add3A_526, %dma_wait3A_571] : memref<4x2048x1024xf32, #tpu.memory_space<hbm>> -> memref<1x16x1024xf32, #tpu.memory_space<hbm>>
    %dma_wait3A_573 = tpu.memref_squeeze %dma_wait3A_572 : memref<1x16x1024xf32, #tpu.memory_space<hbm>> -> memref<16x1024xf32, #tpu.memory_space<hbm>>
    tpu.wait_dma2 semaphore(%arg18 : memref<!tpu.dma_semaphore, #tpu.memory_space<semaphore_mem>>) src(%arg11 : memref<16x1024xf32, #tpu.memory_space<vmem>>) dst(%dma_wait3A_573 : memref<16x1024xf32, #tpu.memory_space<hbm>>)
    %parallel_loop3A_574 = arith.constant 0 : i32
    %parallel_loop3A_575 = arith.constant 1024 : i32
    %parallel_loop3A_576 = arith.constant 1 : i32
    scf.for %parallel_loop3A_600 = %parallel_loop3A_574 to %parallel_loop3A_575 step %parallel_loop3A_576  : i32 {
      %parallel_loop3A_601 = arith.constant 64 : i32
      %parallel_loop3A_602 = arith.divsi %parallel_loop3A_600, %parallel_loop3A_601 : i32
      %parallel_loop3A_603 = arith.constant 0 : i32
      %parallel_loop3A_604 = arith.cmpi sgt, %parallel_loop3A_600, %parallel_loop3A_603 : i32
      %parallel_loop3A_605 = arith.extui %parallel_loop3A_604 : i1 to i32
      %parallel_loop3A_606 = arith.constant 0 : i32
      %parallel_loop3A_607 = arith.cmpi slt, %parallel_loop3A_600, %parallel_loop3A_606 : i32
      %parallel_loop3A_608 = arith.extui %parallel_loop3A_607 : i1 to i32
      %parallel_loop3A_609 = arith.subi %parallel_loop3A_605, %parallel_loop3A_608 : i32
      %parallel_loop3A_610 = arith.constant 0 : i32
      %parallel_loop3A_611 = arith.cmpi sgt, %parallel_loop3A_601, %parallel_loop3A_610 : i32
      %parallel_loop3A_612 = arith.extui %parallel_loop3A_611 : i1 to i32
      %parallel_loop3A_613 = arith.constant 0 : i32
      %parallel_loop3A_614 = arith.cmpi slt, %parallel_loop3A_601, %parallel_loop3A_613 : i32
      %parallel_loop3A_615 = arith.extui %parallel_loop3A_614 : i1 to i32
      %parallel_loop3A_616 = arith.subi %parallel_loop3A_612, %parallel_loop3A_615 : i32
      %parallel_loop3A_617 = arith.cmpi ne, %parallel_loop3A_609, %parallel_loop3A_616 : i32
      %parallel_loop3A_618 = arith.remsi %parallel_loop3A_600, %parallel_loop3A_601 : i32
      %parallel_loop3A_619 = arith.constant 0 : i32
      %parallel_loop3A_620 = arith.cmpi ne, %parallel_loop3A_618, %parallel_loop3A_619 : i32
      %parallel_loop3A_621 = arith.andi %parallel_loop3A_617, %parallel_loop3A_620 : i1
      %parallel_loop3A_622 = arith.constant 1 : i32
      %parallel_loop3A_623 = arith.subi %parallel_loop3A_602, %parallel_loop3A_622 : i32
      %parallel_loop3A_624 = arith.select %parallel_loop3A_621, %parallel_loop3A_623, %parallel_loop3A_602 : i32
      %parallel_loop3A_625 = arith.constant 64 : i32
      %parallel_loop3A_626 = arith.constant 0 : i32
      %parallel_loop3A_627 = arith.cmpi eq, %parallel_loop3A_625, %parallel_loop3A_626 : i32
      %parallel_loop3A_628 = arith.constant 1 : i32
      %parallel_loop3A_629 = arith.select %parallel_loop3A_627, %parallel_loop3A_628, %parallel_loop3A_625 : i32
      %parallel_loop3A_630 = arith.remsi %parallel_loop3A_600, %parallel_loop3A_629 : i32
      %parallel_loop3A_631 = arith.constant 0 : i32
      %parallel_loop3A_632 = arith.cmpi ne, %parallel_loop3A_630, %parallel_loop3A_631 : i32
      %parallel_loop3A_633 = arith.constant 0 : i32
      %parallel_loop3A_634 = arith.cmpi slt, %parallel_loop3A_630, %parallel_loop3A_633 : i32
      %parallel_loop3A_635 = arith.constant 0 : i32
      %parallel_loop3A_636 = arith.cmpi slt, %parallel_loop3A_629, %parallel_loop3A_635 : i32
      %parallel_loop3A_637 = arith.xori %parallel_loop3A_634, %parallel_loop3A_636 : i1
      %parallel_loop3A_638 = arith.andi %parallel_loop3A_637, %parallel_loop3A_632 : i1
      %parallel_loop3A_639 = arith.addi %parallel_loop3A_630, %parallel_loop3A_629 : i32
      %parallel_loop3A_640 = arith.select %parallel_loop3A_638, %parallel_loop3A_639, %parallel_loop3A_630 : i32
      %parallel_loop3A_641 = arith.constant 16 : i32
      %parallel_loop3A_642 = arith.muli %parallel_loop3A_640, %parallel_loop3A_641 : i32
      %parallel_loop3A_643 = arith.index_cast %parallel_loop3A_624 : i32 to index
      %parallel_loop3A_644 = arith.index_cast %parallel_loop3A_642 : i32 to index
      %parallel_loop3A_645 = tpu.vector_load %arg7[%parallel_loop3A_643, %parallel_loop3A_644] {strides = array<i32>} : memref<16x1024xf32, #tpu.memory_space<vmem>>, vector<1x16xf32>,
      %parallel_loop3A_646 = vector.shape_cast %parallel_loop3A_645 : vector<1x16xf32> to vector<16xf32>
      %parallel_loop3A_647 = arith.index_cast %parallel_loop3A_624 : i32 to index
      %parallel_loop3A_648 = arith.index_cast %parallel_loop3A_642 : i32 to index
      %parallel_loop3A_649 = tpu.vector_load %arg6[%parallel_loop3A_647, %parallel_loop3A_648] {strides = array<i32>} : memref<16x1024xf32, #tpu.memory_space<vmem>>, vector<1x16xf32>,
      %parallel_loop3A_650 = vector.shape_cast %parallel_loop3A_649 : vector<1x16xf32> to vector<16xf32>
      %parallel_loop3A_651 = arith.addf %parallel_loop3A_646, %parallel_loop3A_650 : vector<16xf32>
      %parallel_loop3A_652 = arith.index_cast %parallel_loop3A_624 : i32 to index
      %parallel_loop3A_653 = arith.index_cast %parallel_loop3A_642 : i32 to index
      %parallel_loop3A_654 = tpu.vector_load %arg11[%parallel_loop3A_652, %parallel_loop3A_653] {strides = array<i32>} : memref<16x1024xf32, #tpu.memory_space<vmem>>, vector<1x16xf32>,
      %parallel_loop3A_655 = vector.shape_cast %parallel_loop3A_654 : vector<1x16xf32> to vector<16xf32>
      %parallel_loop3A_656 = vector.shape_cast %parallel_loop3A_651 : vector<16xf32> to vector<1x16xf32>
      tpu.vector_store %arg11[%parallel_loop3A_652, %parallel_loop3A_653], %parallel_loop3A_656 {strides = array<i32>} : memref<16x1024xf32, #tpu.memory_space<vmem>>, vector<1x16xf32>,
    } {sc.loop_unroll_factor = 8 : i64, sc.parallel_access}
    %add3A_577 = arith.constant 48 : i32
    %add3A_578 = arith.addi %mul3A_2, %add3A_577 : i32
    %dma_start3A_579 = arith.constant 3 : i32
    %dma_start3A_580 = arith.constant 0 : i32
    %dma_start3A_581 = tpu.memref_slice %arg4[%dma_start3A_579, %add3A_578, %dma_start3A_580] : memref<4x2048x1024xf32, #tpu.memory_space<hbm>> -> memref<1x16x1024xf32, #tpu.memory_space<hbm>>
    %dma_start3A_582 = tpu.memref_squeeze %dma_start3A_581 : memref<1x16x1024xf32, #tpu.memory_space<hbm>> -> memref<16x1024xf32, #tpu.memory_space<hbm>>
    %dma_start3A_583 = arith.constant 0 : i32
    %dma_start3A_584 = tpu.memref_slice %arg4[%dma_start3A_579, %add3A_578, %dma_start3A_583] : memref<4x2048x1024xf32, #tpu.memory_space<hbm>> -> memref<1x16x1024xf32, #tpu.memory_space<hbm>>
    %dma_start3A_585 = tpu.memref_squeeze %dma_start3A_584 : memref<1x16x1024xf32, #tpu.memory_space<hbm>> -> memref<16x1024xf32, #tpu.memory_space<hbm>>
    tpu.enqueue_dma source(%arg11 : memref<16x1024xf32, #tpu.memory_space<vmem>>) target(%dma_start3A_585 : memref<16x1024xf32, #tpu.memory_space<hbm>>) target_semaphore(%arg18 : memref<!tpu.dma_semaphore, #tpu.memory_space<semaphore_mem>>)
    %dma_wait3A_586 = arith.constant 2 : i32
    %dma_wait3A_587 = arith.constant 0 : i32
    %dma_wait3A_588 = tpu.memref_slice %arg4[%dma_wait3A_586, %add3A_552, %dma_wait3A_587] : memref<4x2048x1024xf32, #tpu.memory_space<hbm>> -> memref<1x16x1024xf32, #tpu.memory_space<hbm>>
    %dma_wait3A_589 = tpu.memref_squeeze %dma_wait3A_588 : memref<1x16x1024xf32, #tpu.memory_space<hbm>> -> memref<16x1024xf32, #tpu.memory_space<hbm>>
    %dma_wait3A_590 = arith.constant 0 : i32
    %dma_wait3A_591 = tpu.memref_slice %arg4[%dma_wait3A_586, %add3A_552, %dma_wait3A_590] : memref<4x2048x1024xf32, #tpu.memory_space<hbm>> -> memref<1x16x1024xf32, #tpu.memory_space<hbm>>
    %dma_wait3A_592 = tpu.memref_squeeze %dma_wait3A_591 : memref<1x16x1024xf32, #tpu.memory_space<hbm>> -> memref<16x1024xf32, #tpu.memory_space<hbm>>
    tpu.wait_dma2 semaphore(%arg17 : memref<!tpu.dma_semaphore, #tpu.memory_space<semaphore_mem>>) src(%arg10 : memref<16x1024xf32, #tpu.memory_space<vmem>>) dst(%dma_wait3A_592 : memref<16x1024xf32, #tpu.memory_space<hbm>>)
    %dma_wait3A_593 = arith.constant 3 : i32
    %dma_wait3A_594 = arith.constant 0 : i32
    %dma_wait3A_595 = tpu.memref_slice %arg4[%dma_wait3A_593, %add3A_578, %dma_wait3A_594] : memref<4x2048x1024xf32, #tpu.memory_space<hbm>> -> memref<1x16x1024xf32, #tpu.memory_space<hbm>>
    %dma_wait3A_596 = tpu.memref_squeeze %dma_wait3A_595 : memref<1x16x1024xf32, #tpu.memory_space<hbm>> -> memref<16x1024xf32, #tpu.memory_space<hbm>>
    %dma_wait3A_597 = arith.constant 0 : i32
    %dma_wait3A_598 = tpu.memref_slice %arg4[%dma_wait3A_593, %add3A_578, %dma_wait3A_597] : memref<4x2048x1024xf32, #tpu.memory_space<hbm>> -> memref<1x16x1024xf32, #tpu.memory_space<hbm>>
    %dma_wait3A_599 = tpu.memref_squeeze %dma_wait3A_598 : memref<1x16x1024xf32, #tpu.memory_space<hbm>> -> memref<16x1024xf32, #tpu.memory_space<hbm>>
    tpu.wait_dma2 semaphore(%arg18 : memref<!tpu.dma_semaphore, #tpu.memory_space<semaphore_mem>>) src(%arg11 : memref<16x1024xf32, #tpu.memory_space<vmem>>) dst(%dma_wait3A_599 : memref<16x1024xf32, #tpu.memory_space<hbm>>)
    return
  }
}

</mosaic_0001>

<sc_bundles>
// kernel: kernel.3.cloned.1.call-start
scs
__scs_entry_jumppad:
0x0: {  	(pc) =	sbr.rel $0x88, $3  }
0x1: {  	(tag) =	ssettag $0x0;
	lr =	simm.s32 $0x1  }
0x2: {  	[smem:$0x3F9F] =	sst lr;
	_ =	strace $0xD0000000  }
0x3: {  	_ = 	snop  }
0x4: {  	_ = 	snop  }
0x5: {  	_ = 	snop  }
0x6: {  	_ = 	snop  }
0x7: {  	_ = 	snop  }
__scs_overlays_trampoline_lowered:
0x8: {  	[smem:$0x3FAE] =	sst s0  }
0x9: {  	[smem:$0x3FAF] =	sst s1  }
0xa: {  	[smem:$0x3FB0] =	sst s2  }
0xb: {  	[smem:$0x3FB1] =	sst s3  }
0xc: {  	[smem:$0x3FB2] =	sst s4  }
0xd: {  	[smem:$0x3FB3] =	sst s5  }
0xe: {  	[smem:$0x3FB4] =	sst s6  }
0xf: {  	[smem:$0x3FB5] =	sst s7  }
0x10: {  	[smem:$0x3FB6] =	sst s8  }
0x11: {  	[smem:$0x3FB7] =	sst s9;
	s0 =	simm.s32 @!p0 $0x0  }
0x12: {  	s1 =	sld [smem:$0x3F9D];
	s0 =	simm.s32 @p0 $0x1  }
0x13: {  	[smem:$0x3FB8] =	sst s0;
	s0 =	simm.s32 @!p1 $0x0  }
0x14: {  	s2 =	sld [smem:$0x3F9C];
	s0 =	simm.s32 @p1 $0x1  }
0x15: {  	[smem:$0x3FB9] =	sst s0;
	s0 =	simm.s32 @!p2 $0x0  }
0x16: {  	s3 =	sld [smem:$0x3FDB];
	s0 =	simm.s32 @p2 $0x1  }
0x17: {  	s4 =	simm.s32 $0x1BF5;
	[smem:$0x3FBB] =	sst s0  }
0x18: {  	s0 =	sld [smem:$0x3F9E];
	_ =	swait.ge [sflag:s4], $0x0  }
0x19: {  	s7 =	sld [smem:$0x3F9F]  }
0x1a: {  	s8 =	sadd.s32 $0xFFFFE003, lr  }
0x1b: {  	s9 =	sadd.s32 $0xFFFFFEF7, lr;
	s5 =	simm.s32 $0xFFFFFFFF;
	p2 =	slt.u32 s8, $0xFFFFF086  }
0x1c: {  	p1 =	slt.u32 s9, $0xF7A;
	s5 =	simm.s32 @!p2 $0x0  }
0x1d: {  	s5 =	simm.s32 @p1 $0x1;
	p0 =	seq.s32 s7, s2  }
0x1e: {  	s7 =	smul.u32 @!p0 $0xF7A, s2;
	p2 =	seq.s32 @!p0 s5, $0x0  }
0x1f: {  	s9 =	smul.u32 $0xF7A, s1;
	s8 =	simm.s32 @!p0 $0x1BF5;
	p2 =	por !p2, p0  }
0x20: {  	[sflag:s8] =	ssyncset.s32 @!p0 $0xFFFFF086;
	s6 =	sadd.s32 @!p0 s3, s7;
	s7 =	simm.s32 @!p0 $0x108  }
0x21: {  	s3 =	sadd.s32 s3, s9;
	s6 =	sadd.s32 @!p0 $0x88, s6;
	s7 =	simm.s32 @p2 $0x1082  }
0x22: {  	[simem:s7], [sflag:s8] =	dma.local @!p0 [hbm:s6], $0xF7A  }
0x23: {  	s9 =	sor.u32 $0xD0000000, s2;
	s6 =	simm.s32 $0x108;
	_ =	swait.ge @!p0 [sflag:s8], $0x0  }
0x24: {  	s3 =	sadd.s32 $0x88, s3;
	s6 =	simm.s32 @!p1 $0x1082;
	[sflag:s4] =	ssyncset.s32 $0xFFFFF086  }
0x25: {  	[simem:s6], [sflag:s4] =	dma.local [hbm:s3], $0xF7A  }
0x26: {  	[smem:$0x3F9F] =	sst s1;
	(tag) =	ssettag s2;
	_ =	strace s9  }
0x27: {  	s1 =	sld [smem:$0x3FAF]  }
0x28: {  	s2 =	sld [smem:$0x3FB0]  }
0x29: {  	s4 =	sld [smem:$0x3FB2]  }
0x2a: {  	p0 =	seq.s32 s5, $0x0;
	s5 =	sld [smem:$0x3FB3]  }
0x2b: {  	s6 =	sld [smem:$0x3FB4]  }
0x2c: {  	s7 =	sld [smem:$0x3FB5]  }
0x2d: {  	s3 =	simm.s32 $0x108;
	s8 =	sld [smem:$0x3FB6]  }
0x2e: {  	s3 =	simm.s32 @!p0 $0x1082;
	s9 =	sld [smem:$0x3FB7]  }
0x2f: {  	lr =	sadd.s32 s0, s3;
	s0 =	sld [smem:$0x3FAE]  }
0x30: {  	s3 =	sld [smem:$0x3FB1]  }
0x31: {  	[smem:$0x3FBA] =	sst s10  }
0x32: {  	s10 =	sld [smem:$0x3FB8];
	_ =	sdelay $0x3  }
0x33: {  	p0 =	seq.s32 s10, $0x1;
	s10 =	sld [smem:$0x3FBA];
	_ =	sdelay $0x3  }
0x34: {  	[smem:$0x3FBA] =	sst s10  }
0x35: {  	s10 =	sld [smem:$0x3FB9];
	_ =	sdelay $0x3  }
0x36: {  	p1 =	seq.s32 s10, $0x1;
	s10 =	sld [smem:$0x3FBA];
	_ =	sdelay $0x3  }
0x37: {  	[smem:$0x3FBA] =	sst s10  }
0x38: {  	s10 =	sld [smem:$0x3FBB]  }
0x39: {  	_ = 	snop;
	(pc) =	sbr.ind lr, $3  }
0x3a: {  	_ = 	snop  }
0x3b: {  	_ = 	snop  }
0x3c: {  	p2 =	seq.s32 s10, $0x1;
	s10 =	sld [smem:$0x3FBA]  }
0x3d: {  	_ =	shalt  }
0x3e: {  	_ =	shalt  }
0x3f: {  	_ =	shalt  }
0x40: {  	_ =	shalt  }
0x41: {  	_ =	shalt  }
0x42: {  	_ =	shalt  }
0x43: {  	_ =	shalt  }
0x44: {  	_ =	shalt  }
0x45: {  	_ =	shalt  }
0x46: {  	_ =	shalt  }
0x47: {  	_ =	shalt  }
0x48: {  	_ =	shalt  }
0x49: {  	_ =	shalt  }
0x4a: {  	_ =	shalt  }
0x4b: {  	_ =	shalt  }
0x4c: {  	_ =	shalt  }
0x4d: {  	_ =	shalt  }
0x4e: {  	_ =	shalt  }
0x4f: {  	_ =	shalt  }
0x50: {  	_ =	shalt  }
0x51: {  	_ =	shalt  }
0x52: {  	_ =	shalt  }
0x53: {  	_ =	shalt  }
0x54: {  	_ =	shalt  }
0x55: {  	_ =	shalt  }
0x56: {  	_ =	shalt  }
0x57: {  	_ =	shalt  }
0x58: {  	_ =	shalt  }
0x59: {  	_ =	shalt  }
0x5a: {  	_ =	shalt  }
0x5b: {  	_ =	shalt  }
0x5c: {  	_ =	shalt  }
0x5d: {  	_ =	shalt  }
0x5e: {  	_ =	shalt  }
0x5f: {  	_ =	shalt  }
0x60: {  	_ =	shalt  }
0x61: {  	_ =	shalt  }
0x62: {  	_ =	shalt  }
0x63: {  	_ =	shalt  }
0x64: {  	_ =	shalt  }
0x65: {  	_ =	shalt  }
0x66: {  	_ =	shalt  }
0x67: {  	_ =	shalt  }
0x68: {  	_ =	shalt  }
0x69: {  	_ =	shalt  }
0x6a: {  	_ =	shalt  }
0x6b: {  	_ =	shalt  }
0x6c: {  	_ =	shalt  }
0x6d: {  	_ =	shalt  }
0x6e: {  	_ =	shalt  }
0x6f: {  	_ =	shalt  }
0x70: {  	_ =	shalt  }
0x71: {  	_ =	shalt  }
0x72: {  	_ =	shalt  }
0x73: {  	_ =	shalt  }
0x74: {  	_ =	shalt  }
0x75: {  	_ =	shalt  }
0x76: {  	_ =	shalt  }
0x77: {  	_ =	shalt  }
0x78: {  	_ =	shalt  }
0x79: {  	_ =	shalt  }
0x7a: {  	_ =	shalt  }
0x7b: {  	_ =	shalt  }
0x7c: {  	_ =	shalt  }
0x7d: {  	_ =	shalt  }
0x7e: {  	_ =	shalt  }
0x7f: {  	_ =	shalt  }
0x80: {  	_ =	shalt  }
0x81: {  	_ =	shalt  }
0x82: {  	_ =	shalt  }
0x83: {  	_ =	shalt  }
0x84: {  	_ =	shalt  }
0x85: {  	_ =	shalt  }
0x86: {  	_ =	shalt  }
0x87: {  	_ =	shalt  }
.Lfunc_end0:
.L_simem_size_0:
called_computation_lowered:
.L_overlay_start_0:
0x88: {  	s2 =	sld [smem:$0x3FD9]  }
0x89: {  	s3 =	sld [smem:$0x3FFE];
	_ =	sdelay $0x1  }
0x8a: {  	s1 =	srdreg.scid  }
0x8b: {  	s0 =	sand.u32 $0x1, s1  }
0x8c: {  	s18 =	sshll.u32 s0, $0xA;
	s2 =	sadd.s32 s3, s2  }
0x8d: {  	s2 =	sadd.s32 s2, s18  }
0x8e: {  	[smem:$0x3FC6] =	sst s2  }
0x8f: {  	_ = 	snop  }
0x90: {  	s2 =	sld [smem:$0x3FC9]  }
0x91: {  	s19 =	sld [smem:$0x3FC8]  }
0x92: {  	s4 =	sld [smem:$0x3FD0];
	(tm) =	ssettm $0x1  }
0x93: {  	s5 =	sld [smem:$0x3FFB];
	_ =	sdelay $0x3  }
0x94: {  	_ =	strace s5  }
0x95: {  	s5 =	sld [smem:$0x3FFC];
	_ =	sdelay $0x3  }
0x96: {  	_ =	strace s5  }
0x97: {  	s5 =	sld [smem:$0x3FFD];
	_ =	sdelay $0x3  }
0x98: {  	_ =	strace s5  }
0x99: {  	_ =	strace $0x8FFFFFFF  }
0x9a: {  	s20 =	sld [smem:$0x3FDB];
	_ =	sdelay $0x1  }
0x9b: {  	s6 =	simm.s32 $_scs_section_size  }
0x9c: {  	s7 =	simm.s32 $_size__tile_overlayer_lowered;
	s8 =	simm.s32 $_tile_overlayer_lowered  }
0x9d: {  	s23 =	simm.s32 $0x1BFF;
	s22 =	sshll.u32 s8, $0x1;
	s5 =	sadd.s32 s6, s20  }
0x9e: {  	s9 =	simm.s32 $0x0;
	s21 =	sshll.u32 s7, $0x1;
	s7 =	sadd.s32 s22, s5  }
0x9f: {  	[timem:s9], [sflag:s23] =	dma.local [hbm:s7], s21  }
0xa0: {  	_ =	swait.ge [sflag:s23], s21  }
0xa1: {  	s6 =	ssub.s32 $0x0, s21;
	[sflag:s23] =	ssyncset.done $0x0  }
0xa2: {  	[sflag:s23] =	ssyncadd.s32 s6;
	_ =	sdelay $0x1  }
0xa3: {  	s24 =	simm.s32 $0x1B8B  }
0xa4: {  	_ =	swait.ge [sflag:s24], $0x1  }
0xa5: {  	[sflag:s24] =	ssyncset.done $0x0  }
0xa6: {  	s25 =	simm.s32 $0x1B8E;
	[sflag:s24] =	ssyncadd.s32 $0xFFFFFFFF  }
0xa7: {  	s26 =	simm.s32 $execute0_lowered;
	[smem:$0x3FD2] =	sst s25  }
0xa8: {  	s6 =	sshll.u32 s26, $0x1;
	_ =	strace $0x80000046;
	[dreg:$0x1] =	wrdreg $0xFFFFFFFF  }
0xa9: {  	s28 =	simm.s32 $_size_execute0_lowered;
	s5 =	sadd.s32 s5, s6;
	[dreg:$0x0] =	wrdreg $0x0  }
0xaa: {  	s6 =	sshll.u32 s28, $0x1;
	[dreg:$0x2] =	wrdreg s5  }
0xab: {  	[dreg:$0x3] =	wrdreg s6  }
0xac: {  	[dreg:$0x4] =	wrdreg $0xC0  }
0xad: {  	_ =	task [dreg:s9], $0x5FFFF  }
0xae: {  	[dreg:$0x1] =	wrdreg $0xFFFFFFFF  }
0xaf: {  	[dreg:$0x0] =	wrdreg $0x60  }
0xb0: {  	[dreg:$0x2] =	wrdreg s2  }
0xb1: {  	[dreg:$0x3] =	wrdreg s19  }
0xb2: {  	[dreg:$0x4] =	wrdreg s4  }
0xb3: {  	[dreg:$0x5] =	wrdreg $0x9  }
0xb4: {  	_ =	task.clear_ibuf [dreg:s9], $0x6FFFF;
	_ =	strace $0x90000046  }
0xb5: {  	s29 =	simm.s32 $0x9;
	_ =	strace $0x80000048  }
0xb6: {  	_ =	swait.ge [sflag:s29], $0x1  }
0xb7: {  	[sflag:s29] =	ssyncadd.s32 $0xFFFFFFFF  }
0xb8: {  	_ =	strace $0x90000048  }
0xb9: {  	_ =	sfence  }
0xba: {  	s30 =	sld [smem:$0x0];
	_ =	sdelay $0x2  }
0xbb: {  	s31 =	sshll.u32 s1, $0xD;
	s1 =	sshrl.u32 s1, $0x2  }
0xbc: {  	s3 =	sand.u32 $0x4000, s31;
	s1 =	sadd.s32 s1, s30  }
0xbd: {  	s0 =	sor.u32 s3, s0;
	s1 =	sshll.u32 s1, $0x11  }
0xbe: {  	s0 =	sor.u32 s1, s0  }
0xbf: {  	s0 =	sadd.s32 $0x8F2B, s0  }
0xc0: {  	[sflag:s0] =	ssyncadd.remote.s32 $0x1  }
0xc1: {  	_ =	sfence.sel $0xFFFF  }
0xc2: {  	[dreg:$0x0] =	wrdreg $0xFFFFFFFF;
	(pc) =	sbr.abs _section_cstart, $3  }
0xc3: {  	[dreg:$0x1] =	wrdreg $0xFFFFFFFF  }
0xc4: {  	_ =	task.clear_ibuf [dreg:s9], $0x2FFFF;
	_ =	strace $0x9FFFFFFF  }
0xc5: {  	(tm) =	ssettm $0x7FFFFFFF  }
tec
execute0_lowered:
.L_overlay_start_1:
0x0: {  	(tag) =	ssettag $0x1  }
0x1: {  	s4 =	rddreg [dreg:$0x0];
	s2 =	srdreg.scid  }
0x2: {  	s0 =	rddreg [dreg:$0x1];
	s5 =	stileid.u32;
	s2 =	sand.u32 $0x1, s2  }
0x3: {  	s5 =	sshll.u32 s5, $0xE;
	s3 =	ssub.s32 $0x2, s2;
	s2 =	sshll.u32 s2, $0xD  }
0x4: {  	s7 =	rddreg [dreg:$0x2];
	s1 =	simm.s32 $0x0;
	s2 =	sor.u32 s2, s5  }
0x5: {  	[smem:$0x7FF] =	sst s1;
	s13 =	sadd.s32 s0, s2;
	s14 =	sor.u32 $0x800, s2  }
0x6: {  	s16 =	sor.u32 $0x40000, s2;
	[dreg:$0x4] =	wrdreg s13;
	s15 =	sadd.s32 s0, s14  }
0x7: {  	s17 =	sor.u32 $0x80000, s2;
	s9 =	sadd.s32 s4, s16;
	[dreg:$0x5] =	wrdreg s15  }
0x8: {  	s19 =	sor.u32 $0xC0000, s2;
	s18 =	sadd.s32 s4, s17;
	[dreg:$0x6] =	wrdreg s9  }
0x9: {  	s10 =	sadd.s32 s4, s19;
	[dreg:$0x7] =	wrdreg s18  }
0xa: {  	s6 =	sshrl.u32 s3, $0x1;
	s5 =	sadd.s32 s7, s16;
	[dreg:$0x8] =	wrdreg s10  }
0xb: {  	s8 =	ssub.s32 s3, s6;
	s21 =	sadd.s32 s4, s14;
	[dreg:$0x9] =	wrdreg s5  }
0xc: {  	s20 =	sor.u32 $0x40800, s2;
	s6 =	sadd.s32 s7, s17;
	[dreg:$0xa] =	wrdreg s21  }
0xd: {  	s24 =	sor.u32 $0x80800, s2;
	s22 =	sadd.s32 s4, s20;
	[dreg:$0xb] =	wrdreg s6  }
0xe: {  	s25 =	sor.u32 $0x1000, s2;
	s23 =	sadd.s32 s7, s19;
	[dreg:$0xc] =	wrdreg s22  }
0xf: {  	s11 =	sor.u32 $0xC0800, s2;
	s26 =	sadd.s32 s4, s24;
	[dreg:$0xd] =	wrdreg s23  }
0x10: {  	s31 =	sadd.s32 s4, s2;
	s28 =	sadd.s32 s0, s25;
	[dreg:$0xe] =	wrdreg s26  }
0x11: {  	s3 =	sadd.s32 s7, s14;
	s12 =	sadd.s32 s4, s11;
	[dreg:$0xf] =	wrdreg s28  }
0x12: {  	s13 =	sadd.s32 s7, s20;
	s14 =	sadd.s32 s7, s24;
	[dreg:$0x10] =	wrdreg s3  }
0x13: {  	s16 =	sor.u32 $0x1800, s2;
	s17 =	sadd.s32 s4, s25;
	[dreg:$0x11] =	wrdreg s12  }
0x14: {  	s19 =	sadd.s32 s7, s25;
	s25 =	sor.u32 $0x41800, s2;
	[dreg:$0x12] =	wrdreg s13  }
0x15: {  	s8 =	smax.u32 s8, $0x1;
	[dreg:$0x13] =	wrdreg s14;
	s15 =	sadd.s32 s7, s11  }
0x16: {  	s0 =	sadd.s32 s0, s16;
	[dreg:$0x16] =	wrdreg s17;
	s18 =	sor.u32 $0x41000, s2  }
0x17: {  	[dreg:$0x17] =	wrdreg s19;
	s21 =	sor.u32 $0x81000, s2;
	s23 =	sor.u32 $0xC1000, s2  }
0x18: {  	s29 =	sadd.s32 s4, s16;
	s30 =	sadd.s32 s7, s16;
	s26 =	sor.u32 $0x81800, s2  }
0x19: {  	s28 =	sor.u32 $0xC1800, s2;
	s10 =	simm.s32 $0x8000;
	s11 =	simm.s32 $0xC000  }
0x1a: {  	s12 =	simm.s32 $0x10000;
	s13 =	simm.s32 $0x1;
	s14 =	simm.s32 $0x3  }
0x1b: {  	s16 =	simm.s32 $0x4;
	s17 =	simm.s32 $0x18000;
	[dreg:$0x14] =	wrdreg s15  }
0x1c: {  	s9 =	simm.s32 $0x6;
	[dreg:$0x15] =	wrdreg s0;
	s20 =	sadd.s32 s4, s18  }
0x1d: {  	s19 =	simm.s32 $0x7;
	s0 =	sadd.s32 s7, s18;
	[dreg:$0x18] =	wrdreg s20  }
0x1e: {  	s22 =	sadd.s32 s4, s21;
	s5 =	sadd.s32 s7, s21;
	[dreg:$0x19] =	wrdreg s0  }
0x1f: {  	s24 =	sadd.s32 s4, s23;
	s3 =	sadd.s32 s4, s26;
	[dreg:$0x1a] =	wrdreg s22  }
0x20: {  	s6 =	sadd.s32 s7, s26;
	s15 =	simm.s32 $0x14000;
	[dreg:$0x1b] =	wrdreg s5  }
0x21: {  	s18 =	simm.s32 $0x5;
	s21 =	simm.s32 $0x0;
	[dreg:$0x1c] =	wrdreg s24  }
0x22: {  	s0 =	sadd.s32 s7, s23;
	s5 =	sadd.s32 s7, s25;
	s20 =	simm.s32 $0x2  }
0x23: {  	[dreg:$0x1d] =	wrdreg s0;
	s0 =	sadd.s32 s7, s2;
	s2 =	sadd.s32 s4, s25  }
0x24: {  	s4 =	sadd.s32 s4, s28;
	s7 =	sadd.s32 s7, s28;
	_ =	strace $0x80000047  }
.LBB2_1:
0x25: {  	s22 =	rddreg [dreg:$0x4]  }
0x26: {  	[tilespmem:s1], [sflag:$0x1] =	stream.linear.gather [hbm4b:s22+s1], $0x4000, $0x38;
	[tilespmem:$0x1C000] =	vst v63  }
0x27: {  	s28 =	rddreg [dreg:$0x5];
	s23 =	simm.s32 $0x4000  }
0x28: {  	[tilespmem:s23], [sflag:$0x2] =	stream.linear.gather [hbm4b:s28+s1], $0x4000, $0x38;
	[tilespmem:$0x1C000] =	vst v63  }
0x29: {  	_ = 	snop  }
0x2a: {  	[tilespmem:s10], [sflag:$0x3] =	stream.linear.gather [hbm4b:s31+s1], $0x4000, $0x38;
	[tilespmem:$0x1C000] =	vst v63  }
0x2b: {  	s23 =	rddreg [dreg:$0x6]  }
0x2c: {  	[tilespmem:s11], [sflag:$0x4] =	stream.linear.gather [hbm4b:s23+s1], $0x4000, $0x38;
	[tilespmem:$0x1C000] =	vst v63  }
0x2d: {  	s24 =	rddreg [dreg:$0x7]  }
0x2e: {  	[tilespmem:s12], [sflag:$0x5] =	stream.linear.gather [hbm4b:s24+s1], $0x4000, $0x38;
	[tilespmem:$0x1C000] =	vst v63  }
0x2f: {  	_ =	swait.ge [sflag:s13], $0x4000  }
0x30: {  	[sflag:s13] =	ssyncset.done $0x0  }
0x31: {  	s25 =	simm.s32 $0x0;
	s26 =	sand.u32 $0x1C00, s1;
	[sflag:s13] =	ssyncadd.s32 $0xFFFFC000  }
0x32: {  	s22 =	sand.u32 $0x2000, s25;
	s24 =	simm.s32 $0x0;
	_ =	swait.ge [sflag:s14], $0x4000  }
0x33: {  	s22 =	sor.u32 s26, s22;
	s28 =	sand.u32 $0x380, s24;
	[sflag:s14] =	ssyncset.done $0x0  }
0x34: {  	s22 =	sor.u32 s28, s22;
	[sflag:s14] =	ssyncadd.s32 $0xFFFFC000  }
0x35: {  	v0 =	vld [tilespmem:s22+$0x8070]  }
0x36: {  	v2 =	vld [tilespmem:s22+$0x70]  }
0x37: {  	v3 =	vld [tilespmem:s22+$0x8000]  }
0x38: {  	v5 =	vld [tilespmem:s22+$0x0]  }
0x39: {  	v6 =	vld [tilespmem:s22+$0x8010]  }
0x3a: {  	v7 =	vld [tilespmem:s22+$0x10]  }
0x3b: {  	v1 =	vld [tilespmem:s22+$0x8020]  }
0x3c: {  	v4 =	vld [tilespmem:s22+$0x20];
	v2 =	vadd.f32 v2, v0  }
0x3d: {  	v5 =	vadd.f32 v5, v3;
	v0 =	vld [tilespmem:s22+$0x8030]  }
0x3e: {  	v3 =	vld [tilespmem:s22+$0x30];
	[tilespmem:s22+$0x14070] =	vst v2  }
0x3f: {  	s23 =	simm.s32 $0x0;
	s24 =	simm.s32 $0x0;
	[tilespmem:s22+$0x14000] =	vst v5;
	v5 =	vadd.f32 v7, v6;
	v2 =	vld [tilespmem:s22+$0x8040]  }
.LBB2_2:
0x40: {  	s23 =	sadd.s32 $0x8, s23;
	v6 =	vld [tilespmem:s22+$0x40]  }
0x41: {  	s24 =	sadd.s32 $0x400, s24;
	s25 =	sshll.u32 s23, $0x4;
	p0 =	slt.u32 s23, $0x3F8;
	[tilespmem:s22+$0x14010] =	vst v5;
	v1 =	vadd.f32 v4, v1;
	v4 =	vld [tilespmem:s22+$0x8050]  }
0x42: {  	s26 =	sand.u32 $0x1C00, s24;
	s28 =	sshll.u32 s23, $0x1;
	s25 =	sand.u32 $0x2000, s25;
	v5 =	vld [tilespmem:s22+$0x50]  }
0x43: {  	s25 =	sor.u32 s26, s25;
	s26 =	sand.u32 $0x380, s28;
	[tilespmem:s22+$0x14020] =	vst v1;
	v0 =	vadd.f32 v3, v0;
	v1 =	vld [tilespmem:s22+$0x8060]  }
0x44: {  	s25 =	sor.u32 s26, s25;
	v3 =	vld [tilespmem:s22+$0x60]  }
0x45: {  	v7 =	vld [tilespmem:s25+$0x8070];
	[tilespmem:s22+$0x14030] =	vst v0;
	v0 =	vadd.f32 v6, v2  }
0x46: {  	v2 =	vld [tilespmem:s25+$0x70]  }
0x47: {  	v6 =	vld [tilespmem:s25+$0x8000];
	[tilespmem:s22+$0x14040] =	vst v0;
	v0 =	vadd.f32 v5, v4  }
0x48: {  	v5 =	vld [tilespmem:s25+$0x0]  }
0x49: {  	v8 =	vld [tilespmem:s25+$0x8010];
	[tilespmem:s22+$0x14050] =	vst v0;
	v0 =	vadd.f32 v3, v1  }
0x4a: {  	v9 =	vld [tilespmem:s25+$0x10]  }
.Ltmp0:
0x4b: {  	v1 =	vld [tilespmem:s25+$0x8020];
	v2 =	vadd.f32 v2, v7;
	[tilespmem:s22+$0x14060] =	vst v0;
	s22 =	smov.u32 s25;
	(pc) =	sbr.rel @p0 .LBB2_2-.Ltmp0, $4  }
0x4c: {  	v4 =	vld [tilespmem:s22+$0x20]  }
0x4d: {  	v5 =	vadd.f32 v5, v6;
	v0 =	vld [tilespmem:s22+$0x8030];
	[tilespmem:s22+$0x14070] =	vst v2  }
0x4e: {  	v3 =	vld [tilespmem:s22+$0x30]  }
0x4f: {  	[tilespmem:s22+$0x14000] =	vst v5;
	v5 =	vadd.f32 v9, v8;
	v2 =	vld [tilespmem:s22+$0x8040]  }
0x50: {  	v6 =	vld [tilespmem:s22+$0x40]  }
0x51: {  	v7 =	vld [tilespmem:s22+$0x8050]  }
0x52: {  	v8 =	vld [tilespmem:s22+$0x50]  }
0x53: {  	v9 =	vld [tilespmem:s22+$0x8060]  }
0x54: {  	v10 =	vld [tilespmem:s22+$0x60]  }
0x55: {  	v1 =	vadd.f32 v4, v1  }
0x56: {  	[tilespmem:s22+$0x14010] =	vst v5;
	v0 =	vadd.f32 v3, v0  }
0x57: {  	[tilespmem:s22+$0x14020] =	vst v1;
	v1 =	vadd.f32 v6, v2  }
0x58: {  	[tilespmem:s22+$0x14030] =	vst v0;
	v0 =	vadd.f32 v8, v7  }
0x59: {  	[tilespmem:s22+$0x14040] =	vst v1;
	v1 =	vadd.f32 v10, v9  }
0x5a: {  	[tilespmem:s22+$0x14050] =	vst v0  }
0x5b: {  	s23 =	simm.s32 $0x0;
	[tilespmem:s22+$0x14060] =	vst v1  }
0x5c: {  	[hbm4b:s0+s23] =	stream.linear.scatter [tilespmem:s15], [sflag:$0x6], $0x4000, $0x38;
	[tilespmem:$0x1C000] =	vst v63  }
0x5d: {  	s26 =	simm.s32 $0x0;
	s25 =	simm.s32 $0x0;
	s22 =	rddreg [dreg:$0x8]  }
0x5e: {  	[tilespmem:s10], [sflag:$0x3] =	stream.linear.gather [hbm4b:s22+s23], $0x4000, $0x38;
	[tilespmem:$0x1C000] =	vst v63  }
0x5f: {  	s24 =	sand.u32 $0x1C00, s23;
	s22 =	sand.u32 $0x2000, s26;
	_ =	swait.ge [sflag:s16], $0x4000  }
0x60: {  	s28 =	sand.u32 $0x380, s25;
	s22 =	sor.u32 s24, s22;
	[sflag:s16] =	ssyncset.done $0x0  }
0x61: {  	s22 =	sor.u32 s28, s22;
	[sflag:s16] =	ssyncadd.s32 $0xFFFFC000  }
0x62: {  	v0 =	vld [tilespmem:s22+$0xC070]  }
0x63: {  	v2 =	vld [tilespmem:s22+$0x70]  }
0x64: {  	v3 =	vld [tilespmem:s22+$0xC000]  }
0x65: {  	v5 =	vld [tilespmem:s22+$0x0]  }
0x66: {  	v6 =	vld [tilespmem:s22+$0xC010]  }
0x67: {  	v7 =	vld [tilespmem:s22+$0x10]  }
0x68: {  	v1 =	vld [tilespmem:s22+$0xC020]  }
0x69: {  	v4 =	vld [tilespmem:s22+$0x20];
	v2 =	vadd.f32 v2, v0  }
0x6a: {  	v5 =	vadd.f32 v5, v3;
	v0 =	vld [tilespmem:s22+$0xC030]  }
0x6b: {  	v3 =	vld [tilespmem:s22+$0x30];
	[tilespmem:s22+$0x18070] =	vst v2  }
0x6c: {  	s24 =	simm.s32 $0x0;
	[tilespmem:s22+$0x18000] =	vst v5;
	v5 =	vadd.f32 v7, v6;
	v2 =	vld [tilespmem:s22+$0xC040]  }
.LBB2_4:
0x6d: {  	s24 =	sadd.s32 $0x8, s24;
	v6 =	vld [tilespmem:s22+$0x40]  }
0x6e: {  	s23 =	sadd.s32 $0x400, s23;
	s25 =	sshll.u32 s24, $0x4;
	p0 =	slt.u32 s24, $0x3F8;
	[tilespmem:s22+$0x18010] =	vst v5;
	v1 =	vadd.f32 v4, v1;
	v4 =	vld [tilespmem:s22+$0xC050]  }
0x6f: {  	s26 =	sand.u32 $0x1C00, s23;
	s28 =	sshll.u32 s24, $0x1;
	s25 =	sand.u32 $0x2000, s25;
	v5 =	vld [tilespmem:s22+$0x50]  }
0x70: {  	s25 =	sor.u32 s26, s25;
	s26 =	sand.u32 $0x380, s28;
	[tilespmem:s22+$0x18020] =	vst v1;
	v0 =	vadd.f32 v3, v0;
	v1 =	vld [tilespmem:s22+$0xC060]  }
0x71: {  	s25 =	sor.u32 s26, s25;
	v3 =	vld [tilespmem:s22+$0x60]  }
0x72: {  	v7 =	vld [tilespmem:s25+$0xC070];
	[tilespmem:s22+$0x18030] =	vst v0;
	v0 =	vadd.f32 v6, v2  }
0x73: {  	v2 =	vld [tilespmem:s25+$0x70]  }
0x74: {  	v6 =	vld [tilespmem:s25+$0xC000];
	[tilespmem:s22+$0x18040] =	vst v0;
	v0 =	vadd.f32 v5, v4  }
0x75: {  	v5 =	vld [tilespmem:s25+$0x0]  }
0x76: {  	v8 =	vld [tilespmem:s25+$0xC010];
	[tilespmem:s22+$0x18050] =	vst v0;
	v0 =	vadd.f32 v3, v1  }
0x77: {  	v9 =	vld [tilespmem:s25+$0x10]  }
.Ltmp1:
0x78: {  	v1 =	vld [tilespmem:s25+$0xC020];
	v2 =	vadd.f32 v2, v7;
	[tilespmem:s22+$0x18060] =	vst v0;
	s22 =	smov.u32 s25;
	(pc) =	sbr.rel @p0 .LBB2_4-.Ltmp1, $4  }
0x79: {  	v4 =	vld [tilespmem:s22+$0x20]  }
0x7a: {  	v5 =	vadd.f32 v5, v6;
	v0 =	vld [tilespmem:s22+$0xC030];
	[tilespmem:s22+$0x18070] =	vst v2  }
0x7b: {  	v3 =	vld [tilespmem:s22+$0x30]  }
0x7c: {  	[tilespmem:s22+$0x18000] =	vst v5;
	v5 =	vadd.f32 v9, v8;
	v2 =	vld [tilespmem:s22+$0xC040]  }
0x7d: {  	v6 =	vld [tilespmem:s22+$0x40]  }
0x7e: {  	v7 =	vld [tilespmem:s22+$0xC050]  }
0x7f: {  	v8 =	vld [tilespmem:s22+$0x50]  }
0x80: {  	v9 =	vld [tilespmem:s22+$0xC060]  }
0x81: {  	v10 =	vld [tilespmem:s22+$0x60]  }
0x82: {  	v1 =	vadd.f32 v4, v1  }
0x83: {  	[tilespmem:s22+$0x18010] =	vst v5;
	v0 =	vadd.f32 v3, v0  }
0x84: {  	[tilespmem:s22+$0x18020] =	vst v1;
	v1 =	vadd.f32 v6, v2  }
0x85: {  	[tilespmem:s22+$0x18030] =	vst v0;
	v0 =	vadd.f32 v8, v7  }
0x86: {  	[tilespmem:s22+$0x18040] =	vst v1;
	v1 =	vadd.f32 v10, v9  }
0x87: {  	[tilespmem:s22+$0x18050] =	vst v0  }
0x88: {  	[tilespmem:s22+$0x18060] =	vst v1  }
0x89: {  	s23 =	simm.s32 $0x0;
	s22 =	rddreg [dreg:$0x9]  }
0x8a: {  	[hbm4b:s22+s23] =	stream.linear.scatter [tilespmem:s17], [sflag:$0x7], $0x4000, $0x38;
	[tilespmem:$0x1C000] =	vst v63  }
0x8b: {  	s25 =	rddreg [dreg:$0xa]  }
0x8c: {  	[tilespmem:s11], [sflag:$0x4] =	stream.linear.gather [hbm4b:s25+s23], $0x4000, $0x38;
	[tilespmem:$0x1C000] =	vst v63  }
0x8d: {  	_ =	swait.ge [sflag:s18], $0x4000  }
0x8e: {  	[sflag:s18] =	ssyncset.done $0x0  }
0x8f: {  	s26 =	simm.s32 $0x0;
	s24 =	sand.u32 $0x1C00, s23;
	[sflag:s18] =	ssyncadd.s32 $0xFFFFC000  }
0x90: {  	s22 =	sand.u32 $0x2000, s26;
	s25 =	simm.s32 $0x0;
	_ =	swait.ge [sflag:s9], $0x4000  }
0x91: {  	s22 =	sor.u32 s24, s22;
	s28 =	sand.u32 $0x380, s25;
	[sflag:s9] =	ssyncset.done $0x0  }
0x92: {  	s22 =	sor.u32 s28, s22;
	[sflag:s9] =	ssyncadd.s32 $0xFFFFC000  }
0x93: {  	v0 =	vld [tilespmem:s22+$0x10070]  }
0x94: {  	v2 =	vld [tilespmem:s22+$0x70]  }
0x95: {  	v3 =	vld [tilespmem:s22+$0x10000]  }
0x96: {  	v5 =	vld [tilespmem:s22+$0x0]  }
0x97: {  	v6 =	vld [tilespmem:s22+$0x10010]  }
0x98: {  	v7 =	vld [tilespmem:s22+$0x10]  }
0x99: {  	v1 =	vld [tilespmem:s22+$0x10020]  }
0x9a: {  	v4 =	vld [tilespmem:s22+$0x20];
	v2 =	vadd.f32 v2, v0  }
0x9b: {  	v5 =	vadd.f32 v5, v3;
	v0 =	vld [tilespmem:s22+$0x10030]  }
0x9c: {  	v3 =	vld [tilespmem:s22+$0x30];
	[tilespmem:s22+$0x14070] =	vst v2  }
0x9d: {  	s24 =	simm.s32 $0x0;
	[tilespmem:s22+$0x14000] =	vst v5;
	v5 =	vadd.f32 v7, v6;
	v2 =	vld [tilespmem:s22+$0x10040]  }
.LBB2_6:
0x9e: {  	s24 =	sadd.s32 $0x8, s24;
	v6 =	vld [tilespmem:s22+$0x40]  }
0x9f: {  	s23 =	sadd.s32 $0x400, s23;
	s25 =	sshll.u32 s24, $0x4;
	p0 =	slt.u32 s24, $0x3F8;
	[tilespmem:s22+$0x14010] =	vst v5;
	v1 =	vadd.f32 v4, v1;
	v4 =	vld [tilespmem:s22+$0x10050]  }
0xa0: {  	s26 =	sand.u32 $0x1C00, s23;
	s28 =	sshll.u32 s24, $0x1;
	s25 =	sand.u32 $0x2000, s25;
	v5 =	vld [tilespmem:s22+$0x50]  }
0xa1: {  	s25 =	sor.u32 s26, s25;
	s26 =	sand.u32 $0x380, s28;
	[tilespmem:s22+$0x14020] =	vst v1;
	v0 =	vadd.f32 v3, v0;
	v1 =	vld [tilespmem:s22+$0x10060]  }
0xa2: {  	s25 =	sor.u32 s26, s25;
	v3 =	vld [tilespmem:s22+$0x60]  }
0xa3: {  	v7 =	vld [tilespmem:s25+$0x10070];
	[tilespmem:s22+$0x14030] =	vst v0;
	v0 =	vadd.f32 v6, v2  }
0xa4: {  	v2 =	vld [tilespmem:s25+$0x70]  }
0xa5: {  	v6 =	vld [tilespmem:s25+$0x10000];
	[tilespmem:s22+$0x14040] =	vst v0;
	v0 =	vadd.f32 v5, v4  }
0xa6: {  	v5 =	vld [tilespmem:s25+$0x0]  }
0xa7: {  	v8 =	vld [tilespmem:s25+$0x10010];
	[tilespmem:s22+$0x14050] =	vst v0;
	v0 =	vadd.f32 v3, v1  }
0xa8: {  	v9 =	vld [tilespmem:s25+$0x10]  }
.Ltmp2:
0xa9: {  	v1 =	vld [tilespmem:s25+$0x10020];
	v2 =	vadd.f32 v2, v7;
	[tilespmem:s22+$0x14060] =	vst v0;
	s22 =	smov.u32 s25;
	(pc) =	sbr.rel @p0 .LBB2_6-.Ltmp2, $4  }
0xaa: {  	v4 =	vld [tilespmem:s22+$0x20]  }
0xab: {  	v5 =	vadd.f32 v5, v6;
	v0 =	vld [tilespmem:s22+$0x10030];
	[tilespmem:s22+$0x14070] =	vst v2  }
0xac: {  	v3 =	vld [tilespmem:s22+$0x30]  }
0xad: {  	[tilespmem:s22+$0x14000] =	vst v5;
	v5 =	vadd.f32 v9, v8;
	v2 =	vld [tilespmem:s22+$0x10040]  }
0xae: {  	v6 =	vld [tilespmem:s22+$0x40]  }
0xaf: {  	v7 =	vld [tilespmem:s22+$0x10050]  }
0xb0: {  	v8 =	vld [tilespmem:s22+$0x50]  }
0xb1: {  	v9 =	vld [tilespmem:s22+$0x10060]  }
0xb2: {  	v10 =	vld [tilespmem:s22+$0x60]  }
0xb3: {  	v1 =	vadd.f32 v4, v1  }
0xb4: {  	[tilespmem:s22+$0x14010] =	vst v5;
	v0 =	vadd.f32 v3, v0  }
0xb5: {  	[tilespmem:s22+$0x14020] =	vst v1;
	v1 =	vadd.f32 v6, v2  }
0xb6: {  	[tilespmem:s22+$0x14030] =	vst v0;
	v0 =	vadd.f32 v8, v7  }
0xb7: {  	[tilespmem:s22+$0x14040] =	vst v1;
	v1 =	vadd.f32 v10, v9  }
0xb8: {  	[tilespmem:s22+$0x14050] =	vst v0  }
0xb9: {  	[tilespmem:s22+$0x14060] =	vst v1  }
0xba: {  	s23 =	simm.s32 $0x0;
	s22 =	rddreg [dreg:$0xb]  }
0xbb: {  	[hbm4b:s22+s23] =	stream.linear.scatter [tilespmem:s15], [sflag:$0x6], $0x4000, $0x38;
	[tilespmem:$0x1C000] =	vst v63  }
0xbc: {  	s25 =	rddreg [dreg:$0xc]  }
0xbd: {  	[tilespmem:s12], [sflag:$0x5] =	stream.linear.gather [hbm4b:s25+s23], $0x4000, $0x38;
	[tilespmem:$0x1C000] =	vst v63  }
0xbe: {  	_ =	swait.ge [sflag:s14], $0x4000  }
0xbf: {  	[sflag:s14] =	ssyncset.done $0x0  }
0xc0: {  	s26 =	simm.s32 $0x0;
	s24 =	sand.u32 $0x1C00, s23;
	[sflag:s14] =	ssyncadd.s32 $0xFFFFC000  }
0xc1: {  	s22 =	sand.u32 $0x2000, s26;
	s25 =	simm.s32 $0x0;
	_ =	swait.ge [sflag:s19], $0x4000  }
0xc2: {  	s22 =	sor.u32 s24, s22;
	s28 =	sand.u32 $0x380, s25;
	[sflag:s19] =	ssyncset.done $0x0  }
0xc3: {  	s22 =	sor.u32 s28, s22;
	[sflag:s19] =	ssyncadd.s32 $0xFFFFC000  }
0xc4: {  	v0 =	vld [tilespmem:s22+$0x8070]  }
0xc5: {  	v2 =	vld [tilespmem:s22+$0x70]  }
0xc6: {  	v3 =	vld [tilespmem:s22+$0x8000]  }
0xc7: {  	v5 =	vld [tilespmem:s22+$0x0]  }
0xc8: {  	v6 =	vld [tilespmem:s22+$0x8010]  }
0xc9: {  	v7 =	vld [tilespmem:s22+$0x10]  }
0xca: {  	v1 =	vld [tilespmem:s22+$0x8020]  }
0xcb: {  	v4 =	vld [tilespmem:s22+$0x20];
	v2 =	vadd.f32 v2, v0  }
0xcc: {  	v5 =	vadd.f32 v5, v3;
	v0 =	vld [tilespmem:s22+$0x8030]  }
0xcd: {  	v3 =	vld [tilespmem:s22+$0x30];
	[tilespmem:s22+$0x18070] =	vst v2  }
0xce: {  	s24 =	simm.s32 $0x0;
	[tilespmem:s22+$0x18000] =	vst v5;
	v5 =	vadd.f32 v7, v6;
	v2 =	vld [tilespmem:s22+$0x8040]  }
.LBB2_8:
0xcf: {  	s24 =	sadd.s32 $0x8, s24;
	v6 =	vld [tilespmem:s22+$0x40]  }
0xd0: {  	s23 =	sadd.s32 $0x400, s23;
	s25 =	sshll.u32 s24, $0x4;
	p0 =	slt.u32 s24, $0x3F8;
	[tilespmem:s22+$0x18010] =	vst v5;
	v1 =	vadd.f32 v4, v1;
	v4 =	vld [tilespmem:s22+$0x8050]  }
0xd1: {  	s26 =	sand.u32 $0x1C00, s23;
	s28 =	sshll.u32 s24, $0x1;
	s25 =	sand.u32 $0x2000, s25;
	v5 =	vld [tilespmem:s22+$0x50]  }
0xd2: {  	s25 =	sor.u32 s26, s25;
	s26 =	sand.u32 $0x380, s28;
	[tilespmem:s22+$0x18020] =	vst v1;
	v0 =	vadd.f32 v3, v0;
	v1 =	vld [tilespmem:s22+$0x8060]  }
0xd3: {  	s25 =	sor.u32 s26, s25;
	v3 =	vld [tilespmem:s22+$0x60]  }
0xd4: {  	v7 =	vld [tilespmem:s25+$0x8070];
	[tilespmem:s22+$0x18030] =	vst v0;
	v0 =	vadd.f32 v6, v2  }
0xd5: {  	v2 =	vld [tilespmem:s25+$0x70]  }
0xd6: {  	v6 =	vld [tilespmem:s25+$0x8000];
	[tilespmem:s22+$0x18040] =	vst v0;
	v0 =	vadd.f32 v5, v4  }
0xd7: {  	v5 =	vld [tilespmem:s25+$0x0]  }
0xd8: {  	v8 =	vld [tilespmem:s25+$0x8010];
	[tilespmem:s22+$0x18050] =	vst v0;
	v0 =	vadd.f32 v3, v1  }
0xd9: {  	v9 =	vld [tilespmem:s25+$0x10]  }
.Ltmp3:
0xda: {  	v1 =	vld [tilespmem:s25+$0x8020];
	v2 =	vadd.f32 v2, v7;
	[tilespmem:s22+$0x18060] =	vst v0;
	s22 =	smov.u32 s25;
	(pc) =	sbr.rel @p0 .LBB2_8-.Ltmp3, $4  }
0xdb: {  	v4 =	vld [tilespmem:s22+$0x20]  }
0xdc: {  	v5 =	vadd.f32 v5, v6;
	v0 =	vld [tilespmem:s22+$0x8030];
	[tilespmem:s22+$0x18070] =	vst v2  }
0xdd: {  	v3 =	vld [tilespmem:s22+$0x30]  }
0xde: {  	[tilespmem:s22+$0x18000] =	vst v5;
	v5 =	vadd.f32 v9, v8;
	v2 =	vld [tilespmem:s22+$0x8040]  }
0xdf: {  	v6 =	vld [tilespmem:s22+$0x40]  }
0xe0: {  	v7 =	vld [tilespmem:s22+$0x8050]  }
0xe1: {  	v8 =	vld [tilespmem:s22+$0x50]  }
0xe2: {  	v9 =	vld [tilespmem:s22+$0x8060]  }
0xe3: {  	v10 =	vld [tilespmem:s22+$0x60]  }
0xe4: {  	v1 =	vadd.f32 v4, v1  }
0xe5: {  	[tilespmem:s22+$0x18010] =	vst v5;
	v0 =	vadd.f32 v3, v0  }
0xe6: {  	[tilespmem:s22+$0x18020] =	vst v1;
	v1 =	vadd.f32 v6, v2  }
0xe7: {  	[tilespmem:s22+$0x18030] =	vst v0;
	v0 =	vadd.f32 v8, v7  }
0xe8: {  	[tilespmem:s22+$0x18040] =	vst v1;
	v1 =	vadd.f32 v10, v9  }
0xe9: {  	[tilespmem:s22+$0x18050] =	vst v0  }
0xea: {  	[tilespmem:s22+$0x18060] =	vst v1  }
0xeb: {  	s22 =	simm.s32 $0x0;
	s23 =	rddreg [dreg:$0xd]  }
0xec: {  	[hbm4b:s23+s22] =	stream.linear.scatter [tilespmem:s17], [sflag:$0x7], $0x4000, $0x38;
	[tilespmem:$0x1C000] =	vst v63  }
0xed: {  	s24 =	rddreg [dreg:$0xe]  }
0xee: {  	[tilespmem:s10], [sflag:$0x3] =	stream.linear.gather [hbm4b:s24+s22], $0x4000, $0x38;
	[tilespmem:$0x1C000] =	vst v63  }
0xef: {  	s25 =	rddreg [dreg:$0xf]  }
0xf0: {  	[tilespmem:s22], [sflag:$0x1] =	stream.linear.gather [hbm4b:s25+s22], $0x4000, $0x38;
	[tilespmem:$0x1C000] =	vst v63  }
0xf1: {  	_ =	swait.ge [sflag:s20], $0x4000  }
0xf2: {  	[sflag:s20] =	ssyncset.done $0x0  }
0xf3: {  	[sflag:s20] =	ssyncadd.s32 $0xFFFFC000  }
0xf4: {  	_ =	swait.ge [sflag:s16], $0x4000  }
0xf5: {  	s26 =	simm.s32 $0x0;
	[sflag:s16] =	ssyncset.done $0x0  }
0xf6: {  	s23 =	sand.u32 $0x2000, s26;
	[sflag:s16] =	ssyncadd.s32 $0xFFFFC000  }
0xf7: {  	s24 =	sand.u32 $0x1C00, s22;
	s25 =	simm.s32 $0x0;
	_ =	swait.ge [sflag:s9], $0x4000  }
0xf8: {  	s23 =	sor.u32 s24, s23;
	s28 =	sand.u32 $0x380, s25;
	[sflag:s9] =	ssyncset.done $0x0  }
0xf9: {  	s23 =	sor.u32 s28, s23;
	[sflag:s9] =	ssyncadd.s32 $0xFFFFC000  }
0xfa: {  	v0 =	vld [tilespmem:s23+$0xC070]  }
0xfb: {  	v2 =	vld [tilespmem:s23+$0x4070]  }
0xfc: {  	v3 =	vld [tilespmem:s23+$0xC000]  }
0xfd: {  	v5 =	vld [tilespmem:s23+$0x4000]  }
0xfe: {  	v6 =	vld [tilespmem:s23+$0xC010]  }
0xff: {  	v7 =	vld [tilespmem:s23+$0x4010]  }
0x100: {  	v1 =	vld [tilespmem:s23+$0xC020]  }
0x101: {  	v4 =	vld [tilespmem:s23+$0x4020];
	v2 =	vadd.f32 v2, v0  }
0x102: {  	v5 =	vadd.f32 v5, v3;
	v0 =	vld [tilespmem:s23+$0xC030]  }
0x103: {  	v3 =	vld [tilespmem:s23+$0x4030];
	[tilespmem:s23+$0x14070] =	vst v2  }
0x104: {  	s24 =	simm.s32 $0x0;
	[tilespmem:s23+$0x14000] =	vst v5;
	v5 =	vadd.f32 v7, v6;
	v2 =	vld [tilespmem:s23+$0xC040]  }
.LBB2_10:
0x105: {  	s24 =	sadd.s32 $0x8, s24;
	v6 =	vld [tilespmem:s23+$0x4040]  }
0x106: {  	s22 =	sadd.s32 $0x400, s22;
	s25 =	sshll.u32 s24, $0x4;
	p0 =	slt.u32 s24, $0x3F8;
	[tilespmem:s23+$0x14010] =	vst v5;
	v1 =	vadd.f32 v4, v1;
	v4 =	vld [tilespmem:s23+$0xC050]  }
0x107: {  	s26 =	sand.u32 $0x1C00, s22;
	s28 =	sshll.u32 s24, $0x1;
	s25 =	sand.u32 $0x2000, s25;
	v5 =	vld [tilespmem:s23+$0x4050]  }
0x108: {  	s25 =	sor.u32 s26, s25;
	s26 =	sand.u32 $0x380, s28;
	[tilespmem:s23+$0x14020] =	vst v1;
	v0 =	vadd.f32 v3, v0;
	v1 =	vld [tilespmem:s23+$0xC060]  }
0x109: {  	s25 =	sor.u32 s26, s25;
	v3 =	vld [tilespmem:s23+$0x4060]  }
0x10a: {  	v7 =	vld [tilespmem:s25+$0xC070];
	[tilespmem:s23+$0x14030] =	vst v0;
	v0 =	vadd.f32 v6, v2  }
0x10b: {  	v2 =	vld [tilespmem:s25+$0x4070]  }
0x10c: {  	v6 =	vld [tilespmem:s25+$0xC000];
	[tilespmem:s23+$0x14040] =	vst v0;
	v0 =	vadd.f32 v5, v4  }
0x10d: {  	v5 =	vld [tilespmem:s25+$0x4000]  }
0x10e: {  	v8 =	vld [tilespmem:s25+$0xC010];
	[tilespmem:s23+$0x14050] =	vst v0;
	v0 =	vadd.f32 v3, v1  }
0x10f: {  	v9 =	vld [tilespmem:s25+$0x4010]  }
.Ltmp4:
0x110: {  	v1 =	vld [tilespmem:s25+$0xC020];
	v2 =	vadd.f32 v2, v7;
	[tilespmem:s23+$0x14060] =	vst v0;
	s23 =	smov.u32 s25;
	(pc) =	sbr.rel @p0 .LBB2_10-.Ltmp4, $4  }
0x111: {  	v4 =	vld [tilespmem:s23+$0x4020]  }
0x112: {  	v5 =	vadd.f32 v5, v6;
	v0 =	vld [tilespmem:s23+$0xC030];
	[tilespmem:s23+$0x14070] =	vst v2  }
0x113: {  	v3 =	vld [tilespmem:s23+$0x4030]  }
0x114: {  	[tilespmem:s23+$0x14000] =	vst v5;
	v5 =	vadd.f32 v9, v8;
	v2 =	vld [tilespmem:s23+$0xC040]  }
0x115: {  	v6 =	vld [tilespmem:s23+$0x4040]  }
0x116: {  	v7 =	vld [tilespmem:s23+$0xC050]  }
0x117: {  	v8 =	vld [tilespmem:s23+$0x4050]  }
0x118: {  	v9 =	vld [tilespmem:s23+$0xC060]  }
0x119: {  	v10 =	vld [tilespmem:s23+$0x4060]  }
0x11a: {  	v1 =	vadd.f32 v4, v1  }
0x11b: {  	[tilespmem:s23+$0x14010] =	vst v5;
	v0 =	vadd.f32 v3, v0  }
0x11c: {  	[tilespmem:s23+$0x14020] =	vst v1;
	v1 =	vadd.f32 v6, v2  }
0x11d: {  	[tilespmem:s23+$0x14030] =	vst v0;
	v0 =	vadd.f32 v8, v7  }
0x11e: {  	[tilespmem:s23+$0x14040] =	vst v1;
	v1 =	vadd.f32 v10, v9  }
0x11f: {  	[tilespmem:s23+$0x14050] =	vst v0  }
0x120: {  	[tilespmem:s23+$0x14060] =	vst v1  }
0x121: {  	s23 =	simm.s32 $0x0;
	s22 =	rddreg [dreg:$0x10]  }
0x122: {  	[hbm4b:s22+s23] =	stream.linear.scatter [tilespmem:s15], [sflag:$0x6], $0x4000, $0x38;
	[tilespmem:$0x1C000] =	vst v63  }
0x123: {  	s25 =	rddreg [dreg:$0x11]  }
0x124: {  	[tilespmem:s11], [sflag:$0x4] =	stream.linear.gather [hbm4b:s25+s23], $0x4000, $0x38;
	[tilespmem:$0x1C000] =	vst v63  }
0x125: {  	_ =	swait.ge [sflag:s18], $0x4000  }
0x126: {  	[sflag:s18] =	ssyncset.done $0x0  }
0x127: {  	s26 =	simm.s32 $0x0;
	s24 =	sand.u32 $0x1C00, s23;
	[sflag:s18] =	ssyncadd.s32 $0xFFFFC000  }
0x128: {  	s22 =	sand.u32 $0x2000, s26;
	s25 =	simm.s32 $0x0;
	_ =	swait.ge [sflag:s19], $0x4000  }
0x129: {  	s22 =	sor.u32 s24, s22;
	s28 =	sand.u32 $0x380, s25;
	[sflag:s19] =	ssyncset.done $0x0  }
0x12a: {  	s22 =	sor.u32 s28, s22;
	[sflag:s19] =	ssyncadd.s32 $0xFFFFC000  }
0x12b: {  	v0 =	vld [tilespmem:s22+$0x10070]  }
0x12c: {  	v2 =	vld [tilespmem:s22+$0x4070]  }
0x12d: {  	v3 =	vld [tilespmem:s22+$0x10000]  }
0x12e: {  	v5 =	vld [tilespmem:s22+$0x4000]  }
0x12f: {  	v6 =	vld [tilespmem:s22+$0x10010]  }
0x130: {  	v7 =	vld [tilespmem:s22+$0x4010]  }
0x131: {  	v1 =	vld [tilespmem:s22+$0x10020]  }
0x132: {  	v4 =	vld [tilespmem:s22+$0x4020];
	v2 =	vadd.f32 v2, v0  }
0x133: {  	v5 =	vadd.f32 v5, v3;
	v0 =	vld [tilespmem:s22+$0x10030]  }
0x134: {  	v3 =	vld [tilespmem:s22+$0x4030];
	[tilespmem:s22+$0x18070] =	vst v2  }
0x135: {  	s24 =	simm.s32 $0x0;
	[tilespmem:s22+$0x18000] =	vst v5;
	v5 =	vadd.f32 v7, v6;
	v2 =	vld [tilespmem:s22+$0x10040]  }
.LBB2_12:
0x136: {  	s24 =	sadd.s32 $0x8, s24;
	v6 =	vld [tilespmem:s22+$0x4040]  }
0x137: {  	s23 =	sadd.s32 $0x400, s23;
	s25 =	sshll.u32 s24, $0x4;
	p0 =	slt.u32 s24, $0x3F8;
	[tilespmem:s22+$0x18010] =	vst v5;
	v1 =	vadd.f32 v4, v1;
	v4 =	vld [tilespmem:s22+$0x10050]  }
0x138: {  	s26 =	sand.u32 $0x1C00, s23;
	s28 =	sshll.u32 s24, $0x1;
	s25 =	sand.u32 $0x2000, s25;
	v5 =	vld [tilespmem:s22+$0x4050]  }
0x139: {  	s25 =	sor.u32 s26, s25;
	s26 =	sand.u32 $0x380, s28;
	[tilespmem:s22+$0x18020] =	vst v1;
	v0 =	vadd.f32 v3, v0;
	v1 =	vld [tilespmem:s22+$0x10060]  }
0x13a: {  	s25 =	sor.u32 s26, s25;
	v3 =	vld [tilespmem:s22+$0x4060]  }
0x13b: {  	v7 =	vld [tilespmem:s25+$0x10070];
	[tilespmem:s22+$0x18030] =	vst v0;
	v0 =	vadd.f32 v6, v2  }
0x13c: {  	v2 =	vld [tilespmem:s25+$0x4070]  }
0x13d: {  	v6 =	vld [tilespmem:s25+$0x10000];
	[tilespmem:s22+$0x18040] =	vst v0;
	v0 =	vadd.f32 v5, v4  }
0x13e: {  	v5 =	vld [tilespmem:s25+$0x4000]  }
0x13f: {  	v8 =	vld [tilespmem:s25+$0x10010];
	[tilespmem:s22+$0x18050] =	vst v0;
	v0 =	vadd.f32 v3, v1  }
0x140: {  	v9 =	vld [tilespmem:s25+$0x4010]  }
.Ltmp5:
0x141: {  	v1 =	vld [tilespmem:s25+$0x10020];
	v2 =	vadd.f32 v2, v7;
	[tilespmem:s22+$0x18060] =	vst v0;
	s22 =	smov.u32 s25;
	(pc) =	sbr.rel @p0 .LBB2_12-.Ltmp5, $4  }
0x142: {  	v4 =	vld [tilespmem:s22+$0x4020]  }
0x143: {  	v5 =	vadd.f32 v5, v6;
	v0 =	vld [tilespmem:s22+$0x10030];
	[tilespmem:s22+$0x18070] =	vst v2  }
0x144: {  	v3 =	vld [tilespmem:s22+$0x4030]  }
0x145: {  	[tilespmem:s22+$0x18000] =	vst v5;
	v5 =	vadd.f32 v9, v8;
	v2 =	vld [tilespmem:s22+$0x10040]  }
0x146: {  	v6 =	vld [tilespmem:s22+$0x4040]  }
0x147: {  	v7 =	vld [tilespmem:s22+$0x10050]  }
0x148: {  	v8 =	vld [tilespmem:s22+$0x4050]  }
0x149: {  	v9 =	vld [tilespmem:s22+$0x10060]  }
0x14a: {  	v10 =	vld [tilespmem:s22+$0x4060]  }
0x14b: {  	v1 =	vadd.f32 v4, v1  }
0x14c: {  	[tilespmem:s22+$0x18010] =	vst v5;
	v0 =	vadd.f32 v3, v0  }
0x14d: {  	[tilespmem:s22+$0x18020] =	vst v1;
	v1 =	vadd.f32 v6, v2  }
0x14e: {  	[tilespmem:s22+$0x18030] =	vst v0;
	v0 =	vadd.f32 v8, v7  }
0x14f: {  	[tilespmem:s22+$0x18040] =	vst v1;
	v1 =	vadd.f32 v10, v9  }
0x150: {  	[tilespmem:s22+$0x18050] =	vst v0  }
0x151: {  	[tilespmem:s22+$0x18060] =	vst v1  }
0x152: {  	s23 =	simm.s32 $0x0;
	s22 =	rddreg [dreg:$0x12]  }
0x153: {  	[hbm4b:s22+s23] =	stream.linear.scatter [tilespmem:s17], [sflag:$0x7], $0x4000, $0x38;
	[tilespmem:$0x1C000] =	vst v63  }
0x154: {  	s25 =	rddreg [dreg:$0x16]  }
0x155: {  	[tilespmem:s12], [sflag:$0x5] =	stream.linear.gather [hbm4b:s25+s23], $0x4000, $0x38;
	[tilespmem:$0x1C000] =	vst v63  }
0x156: {  	_ =	swait.ge [sflag:s14], $0x4000  }
0x157: {  	[sflag:s14] =	ssyncset.done $0x0  }
0x158: {  	s26 =	simm.s32 $0x0;
	s24 =	sand.u32 $0x1C00, s23;
	[sflag:s14] =	ssyncadd.s32 $0xFFFFC000  }
0x159: {  	s22 =	sand.u32 $0x2000, s26;
	s25 =	simm.s32 $0x0;
	_ =	swait.ge [sflag:s9], $0x4000  }
0x15a: {  	s22 =	sor.u32 s24, s22;
	s28 =	sand.u32 $0x380, s25;
	[sflag:s9] =	ssyncset.done $0x0  }
0x15b: {  	s22 =	sor.u32 s28, s22;
	[sflag:s9] =	ssyncadd.s32 $0xFFFFC000  }
0x15c: {  	v0 =	vld [tilespmem:s22+$0x8070]  }
0x15d: {  	v2 =	vld [tilespmem:s22+$0x4070]  }
0x15e: {  	v3 =	vld [tilespmem:s22+$0x8000]  }
0x15f: {  	v5 =	vld [tilespmem:s22+$0x4000]  }
0x160: {  	v6 =	vld [tilespmem:s22+$0x8010]  }
0x161: {  	v7 =	vld [tilespmem:s22+$0x4010]  }
0x162: {  	v1 =	vld [tilespmem:s22+$0x8020]  }
0x163: {  	v4 =	vld [tilespmem:s22+$0x4020];
	v2 =	vadd.f32 v2, v0  }
0x164: {  	v5 =	vadd.f32 v5, v3;
	v0 =	vld [tilespmem:s22+$0x8030]  }
0x165: {  	v3 =	vld [tilespmem:s22+$0x4030];
	[tilespmem:s22+$0x14070] =	vst v2  }
0x166: {  	s24 =	simm.s32 $0x0;
	[tilespmem:s22+$0x14000] =	vst v5;
	v5 =	vadd.f32 v7, v6;
	v2 =	vld [tilespmem:s22+$0x8040]  }
.LBB2_14:
0x167: {  	s24 =	sadd.s32 $0x8, s24;
	v6 =	vld [tilespmem:s22+$0x4040]  }
0x168: {  	s23 =	sadd.s32 $0x400, s23;
	s25 =	sshll.u32 s24, $0x4;
	p0 =	slt.u32 s24, $0x3F8;
	[tilespmem:s22+$0x14010] =	vst v5;
	v1 =	vadd.f32 v4, v1;
	v4 =	vld [tilespmem:s22+$0x8050]  }
0x169: {  	s26 =	sand.u32 $0x1C00, s23;
	s28 =	sshll.u32 s24, $0x1;
	s25 =	sand.u32 $0x2000, s25;
	v5 =	vld [tilespmem:s22+$0x4050]  }
0x16a: {  	s25 =	sor.u32 s26, s25;
	s26 =	sand.u32 $0x380, s28;
	[tilespmem:s22+$0x14020] =	vst v1;
	v0 =	vadd.f32 v3, v0;
	v1 =	vld [tilespmem:s22+$0x8060]  }
0x16b: {  	s25 =	sor.u32 s26, s25;
	v3 =	vld [tilespmem:s22+$0x4060]  }
0x16c: {  	v7 =	vld [tilespmem:s25+$0x8070];
	[tilespmem:s22+$0x14030] =	vst v0;
	v0 =	vadd.f32 v6, v2  }
0x16d: {  	v2 =	vld [tilespmem:s25+$0x4070]  }
0x16e: {  	v6 =	vld [tilespmem:s25+$0x8000];
	[tilespmem:s22+$0x14040] =	vst v0;
	v0 =	vadd.f32 v5, v4  }
0x16f: {  	v5 =	vld [tilespmem:s25+$0x4000]  }
0x170: {  	v8 =	vld [tilespmem:s25+$0x8010];
	[tilespmem:s22+$0x14050] =	vst v0;
	v0 =	vadd.f32 v3, v1  }
0x171: {  	v9 =	vld [tilespmem:s25+$0x4010]  }
.Ltmp6:
0x172: {  	v1 =	vld [tilespmem:s25+$0x8020];
	v2 =	vadd.f32 v2, v7;
	[tilespmem:s22+$0x14060] =	vst v0;
	s22 =	smov.u32 s25;
	(pc) =	sbr.rel @p0 .LBB2_14-.Ltmp6, $4  }
0x173: {  	v4 =	vld [tilespmem:s22+$0x4020]  }
0x174: {  	v5 =	vadd.f32 v5, v6;
	v0 =	vld [tilespmem:s22+$0x8030];
	[tilespmem:s22+$0x14070] =	vst v2  }
0x175: {  	v3 =	vld [tilespmem:s22+$0x4030]  }
0x176: {  	[tilespmem:s22+$0x14000] =	vst v5;
	v5 =	vadd.f32 v9, v8;
	v2 =	vld [tilespmem:s22+$0x8040]  }
0x177: {  	v6 =	vld [tilespmem:s22+$0x4040]  }
0x178: {  	v7 =	vld [tilespmem:s22+$0x8050]  }
0x179: {  	v8 =	vld [tilespmem:s22+$0x4050]  }
0x17a: {  	v9 =	vld [tilespmem:s22+$0x8060]  }
0x17b: {  	v10 =	vld [tilespmem:s22+$0x4060]  }
0x17c: {  	v1 =	vadd.f32 v4, v1  }
0x17d: {  	[tilespmem:s22+$0x14010] =	vst v5;
	v0 =	vadd.f32 v3, v0  }
0x17e: {  	[tilespmem:s22+$0x14020] =	vst v1;
	v1 =	vadd.f32 v6, v2  }
0x17f: {  	[tilespmem:s22+$0x14030] =	vst v0;
	v0 =	vadd.f32 v8, v7  }
0x180: {  	[tilespmem:s22+$0x14040] =	vst v1;
	v1 =	vadd.f32 v10, v9  }
0x181: {  	[tilespmem:s22+$0x14050] =	vst v0  }
0x182: {  	[tilespmem:s22+$0x14060] =	vst v1  }
0x183: {  	s23 =	simm.s32 $0x0;
	s22 =	rddreg [dreg:$0x13]  }
0x184: {  	[hbm4b:s22+s23] =	stream.linear.scatter [tilespmem:s15], [sflag:$0x6], $0x4000, $0x38;
	[tilespmem:$0x1C000] =	vst v63  }
0x185: {  	s25 =	rddreg [dreg:$0x18]  }
0x186: {  	[tilespmem:s10], [sflag:$0x3] =	stream.linear.gather [hbm4b:s25+s23], $0x4000, $0x38;
	[tilespmem:$0x1C000] =	vst v63  }
0x187: {  	_ =	swait.ge [sflag:s16], $0x4000  }
0x188: {  	[sflag:s16] =	ssyncset.done $0x0  }
0x189: {  	s26 =	simm.s32 $0x0;
	s24 =	sand.u32 $0x1C00, s23;
	[sflag:s16] =	ssyncadd.s32 $0xFFFFC000  }
0x18a: {  	s22 =	sand.u32 $0x2000, s26;
	s25 =	simm.s32 $0x0;
	_ =	swait.ge [sflag:s19], $0x4000  }
0x18b: {  	s22 =	sor.u32 s24, s22;
	s28 =	sand.u32 $0x380, s25;
	[sflag:s19] =	ssyncset.done $0x0  }
0x18c: {  	s22 =	sor.u32 s28, s22;
	[sflag:s19] =	ssyncadd.s32 $0xFFFFC000  }
0x18d: {  	v0 =	vld [tilespmem:s22+$0xC070]  }
0x18e: {  	v2 =	vld [tilespmem:s22+$0x4070]  }
0x18f: {  	v3 =	vld [tilespmem:s22+$0xC000]  }
0x190: {  	v5 =	vld [tilespmem:s22+$0x4000]  }
0x191: {  	v6 =	vld [tilespmem:s22+$0xC010]  }
0x192: {  	v7 =	vld [tilespmem:s22+$0x4010]  }
0x193: {  	v1 =	vld [tilespmem:s22+$0xC020]  }
0x194: {  	v4 =	vld [tilespmem:s22+$0x4020];
	v2 =	vadd.f32 v2, v0  }
0x195: {  	v5 =	vadd.f32 v5, v3;
	v0 =	vld [tilespmem:s22+$0xC030]  }
0x196: {  	v3 =	vld [tilespmem:s22+$0x4030];
	[tilespmem:s22+$0x18070] =	vst v2  }
0x197: {  	s24 =	simm.s32 $0x0;
	[tilespmem:s22+$0x18000] =	vst v5;
	v5 =	vadd.f32 v7, v6;
	v2 =	vld [tilespmem:s22+$0xC040]  }
.LBB2_16:
0x198: {  	s24 =	sadd.s32 $0x8, s24;
	v6 =	vld [tilespmem:s22+$0x4040]  }
0x199: {  	s23 =	sadd.s32 $0x400, s23;
	s25 =	sshll.u32 s24, $0x4;
	p0 =	slt.u32 s24, $0x3F8;
	[tilespmem:s22+$0x18010] =	vst v5;
	v1 =	vadd.f32 v4, v1;
	v4 =	vld [tilespmem:s22+$0xC050]  }
0x19a: {  	s26 =	sand.u32 $0x1C00, s23;
	s28 =	sshll.u32 s24, $0x1;
	s25 =	sand.u32 $0x2000, s25;
	v5 =	vld [tilespmem:s22+$0x4050]  }
0x19b: {  	s25 =	sor.u32 s26, s25;
	s26 =	sand.u32 $0x380, s28;
	[tilespmem:s22+$0x18020] =	vst v1;
	v0 =	vadd.f32 v3, v0;
	v1 =	vld [tilespmem:s22+$0xC060]  }
0x19c: {  	s25 =	sor.u32 s26, s25;
	v3 =	vld [tilespmem:s22+$0x4060]  }
0x19d: {  	v7 =	vld [tilespmem:s25+$0xC070];
	[tilespmem:s22+$0x18030] =	vst v0;
	v0 =	vadd.f32 v6, v2  }
0x19e: {  	v2 =	vld [tilespmem:s25+$0x4070]  }
0x19f: {  	v6 =	vld [tilespmem:s25+$0xC000];
	[tilespmem:s22+$0x18040] =	vst v0;
	v0 =	vadd.f32 v5, v4  }
0x1a0: {  	v5 =	vld [tilespmem:s25+$0x4000]  }
0x1a1: {  	v8 =	vld [tilespmem:s25+$0xC010];
	[tilespmem:s22+$0x18050] =	vst v0;
	v0 =	vadd.f32 v3, v1  }
0x1a2: {  	v9 =	vld [tilespmem:s25+$0x4010]  }
.Ltmp7:
0x1a3: {  	v1 =	vld [tilespmem:s25+$0xC020];
	v2 =	vadd.f32 v2, v7;
	[tilespmem:s22+$0x18060] =	vst v0;
	s22 =	smov.u32 s25;
	(pc) =	sbr.rel @p0 .LBB2_16-.Ltmp7, $4  }
0x1a4: {  	v4 =	vld [tilespmem:s22+$0x4020]  }
0x1a5: {  	v5 =	vadd.f32 v5, v6;
	v0 =	vld [tilespmem:s22+$0xC030];
	[tilespmem:s22+$0x18070] =	vst v2  }
0x1a6: {  	v3 =	vld [tilespmem:s22+$0x4030]  }
0x1a7: {  	[tilespmem:s22+$0x18000] =	vst v5;
	v5 =	vadd.f32 v9, v8;
	v2 =	vld [tilespmem:s22+$0xC040]  }
0x1a8: {  	v6 =	vld [tilespmem:s22+$0x4040]  }
0x1a9: {  	v7 =	vld [tilespmem:s22+$0xC050]  }
0x1aa: {  	v8 =	vld [tilespmem:s22+$0x4050]  }
0x1ab: {  	v9 =	vld [tilespmem:s22+$0xC060]  }
0x1ac: {  	v10 =	vld [tilespmem:s22+$0x4060]  }
0x1ad: {  	v1 =	vadd.f32 v4, v1  }
0x1ae: {  	[tilespmem:s22+$0x18010] =	vst v5;
	v0 =	vadd.f32 v3, v0  }
0x1af: {  	[tilespmem:s22+$0x18020] =	vst v1;
	v1 =	vadd.f32 v6, v2  }
0x1b0: {  	[tilespmem:s22+$0x18030] =	vst v0;
	v0 =	vadd.f32 v8, v7  }
0x1b1: {  	[tilespmem:s22+$0x18040] =	vst v1;
	v1 =	vadd.f32 v10, v9  }
0x1b2: {  	[tilespmem:s22+$0x18050] =	vst v0  }
0x1b3: {  	[tilespmem:s22+$0x18060] =	vst v1  }
0x1b4: {  	s22 =	simm.s32 $0x0;
	s23 =	rddreg [dreg:$0x14]  }
0x1b5: {  	[hbm4b:s23+s22] =	stream.linear.scatter [tilespmem:s17], [sflag:$0x7], $0x4000, $0x38;
	[tilespmem:$0x1C000] =	vst v63  }
0x1b6: {  	s26 =	rddreg [dreg:$0x1a]  }
0x1b7: {  	[tilespmem:s11], [sflag:$0x4] =	stream.linear.gather [hbm4b:s26+s22], $0x4000, $0x38;
	[tilespmem:$0x1C000] =	vst v63  }
0x1b8: {  	s24 =	simm.s32 $0x4000;
	s28 =	rddreg [dreg:$0x15]  }
0x1b9: {  	[tilespmem:s24], [sflag:$0x2] =	stream.linear.gather [hbm4b:s28+s22], $0x4000, $0x38;
	[tilespmem:$0x1C000] =	vst v63  }
0x1ba: {  	_ =	swait.ge [sflag:s13], $0x4000  }
0x1bb: {  	[sflag:s13] =	ssyncset.done $0x0  }
0x1bc: {  	[sflag:s13] =	ssyncadd.s32 $0xFFFFC000  }
0x1bd: {  	_ =	swait.ge [sflag:s18], $0x4000  }
0x1be: {  	s25 =	simm.s32 $0x0;
	[sflag:s18] =	ssyncset.done $0x0  }
0x1bf: {  	s23 =	sand.u32 $0x2000, s25;
	[sflag:s18] =	ssyncadd.s32 $0xFFFFC000  }
0x1c0: {  	s25 =	simm.s32 $0x0;
	s26 =	sand.u32 $0x1C00, s22;
	_ =	swait.ge [sflag:s9], $0x4000  }
0x1c1: {  	s23 =	sor.u32 s26, s23;
	s28 =	sand.u32 $0x380, s25;
	[sflag:s9] =	ssyncset.done $0x0  }
0x1c2: {  	s23 =	sor.u32 s28, s23;
	[sflag:s9] =	ssyncadd.s32 $0xFFFFC000  }
0x1c3: {  	v0 =	vld [tilespmem:s23+$0x10070]  }
0x1c4: {  	v2 =	vld [tilespmem:s23+$0x70]  }
0x1c5: {  	v3 =	vld [tilespmem:s23+$0x10000]  }
0x1c6: {  	v5 =	vld [tilespmem:s23+$0x0]  }
0x1c7: {  	v6 =	vld [tilespmem:s23+$0x10010]  }
0x1c8: {  	v7 =	vld [tilespmem:s23+$0x10]  }
0x1c9: {  	v1 =	vld [tilespmem:s23+$0x10020]  }
0x1ca: {  	v4 =	vld [tilespmem:s23+$0x20];
	v2 =	vadd.f32 v2, v0  }
0x1cb: {  	v5 =	vadd.f32 v5, v3;
	v0 =	vld [tilespmem:s23+$0x10030]  }
0x1cc: {  	v3 =	vld [tilespmem:s23+$0x30];
	[tilespmem:s23+$0x14070] =	vst v2  }
0x1cd: {  	s24 =	simm.s32 $0x0;
	[tilespmem:s23+$0x14000] =	vst v5;
	v5 =	vadd.f32 v7, v6;
	v2 =	vld [tilespmem:s23+$0x10040]  }
.LBB2_18:
0x1ce: {  	s24 =	sadd.s32 $0x8, s24;
	v6 =	vld [tilespmem:s23+$0x40]  }
0x1cf: {  	s22 =	sadd.s32 $0x400, s22;
	s25 =	sshll.u32 s24, $0x4;
	p0 =	slt.u32 s24, $0x3F8;
	[tilespmem:s23+$0x14010] =	vst v5;
	v1 =	vadd.f32 v4, v1;
	v4 =	vld [tilespmem:s23+$0x10050]  }
0x1d0: {  	s26 =	sand.u32 $0x1C00, s22;
	s28 =	sshll.u32 s24, $0x1;
	s25 =	sand.u32 $0x2000, s25;
	v5 =	vld [tilespmem:s23+$0x50]  }
0x1d1: {  	s25 =	sor.u32 s26, s25;
	s26 =	sand.u32 $0x380, s28;
	[tilespmem:s23+$0x14020] =	vst v1;
	v0 =	vadd.f32 v3, v0;
	v1 =	vld [tilespmem:s23+$0x10060]  }
0x1d2: {  	s25 =	sor.u32 s26, s25;
	v3 =	vld [tilespmem:s23+$0x60]  }
0x1d3: {  	v7 =	vld [tilespmem:s25+$0x10070];
	[tilespmem:s23+$0x14030] =	vst v0;
	v0 =	vadd.f32 v6, v2  }
0x1d4: {  	v2 =	vld [tilespmem:s25+$0x70]  }
0x1d5: {  	v6 =	vld [tilespmem:s25+$0x10000];
	[tilespmem:s23+$0x14040] =	vst v0;
	v0 =	vadd.f32 v5, v4  }
0x1d6: {  	v5 =	vld [tilespmem:s25+$0x0]  }
0x1d7: {  	v8 =	vld [tilespmem:s25+$0x10010];
	[tilespmem:s23+$0x14050] =	vst v0;
	v0 =	vadd.f32 v3, v1  }
0x1d8: {  	v9 =	vld [tilespmem:s25+$0x10]  }
.Ltmp8:
0x1d9: {  	v1 =	vld [tilespmem:s25+$0x10020];
	v2 =	vadd.f32 v2, v7;
	[tilespmem:s23+$0x14060] =	vst v0;
	s23 =	smov.u32 s25;
	(pc) =	sbr.rel @p0 .LBB2_18-.Ltmp8, $4  }
0x1da: {  	v4 =	vld [tilespmem:s23+$0x20]  }
0x1db: {  	v5 =	vadd.f32 v5, v6;
	v0 =	vld [tilespmem:s23+$0x10030];
	[tilespmem:s23+$0x14070] =	vst v2  }
0x1dc: {  	v3 =	vld [tilespmem:s23+$0x30]  }
0x1dd: {  	[tilespmem:s23+$0x14000] =	vst v5;
	v5 =	vadd.f32 v9, v8;
	v2 =	vld [tilespmem:s23+$0x10040]  }
0x1de: {  	v6 =	vld [tilespmem:s23+$0x40]  }
0x1df: {  	v7 =	vld [tilespmem:s23+$0x10050]  }
0x1e0: {  	v8 =	vld [tilespmem:s23+$0x50]  }
0x1e1: {  	v9 =	vld [tilespmem:s23+$0x10060]  }
0x1e2: {  	v10 =	vld [tilespmem:s23+$0x60]  }
0x1e3: {  	v1 =	vadd.f32 v4, v1  }
0x1e4: {  	[tilespmem:s23+$0x14010] =	vst v5;
	v0 =	vadd.f32 v3, v0  }
0x1e5: {  	[tilespmem:s23+$0x14020] =	vst v1;
	v1 =	vadd.f32 v6, v2  }
0x1e6: {  	[tilespmem:s23+$0x14030] =	vst v0;
	v0 =	vadd.f32 v8, v7  }
0x1e7: {  	[tilespmem:s23+$0x14040] =	vst v1;
	v1 =	vadd.f32 v10, v9  }
0x1e8: {  	[tilespmem:s23+$0x14050] =	vst v0  }
0x1e9: {  	[tilespmem:s23+$0x14060] =	vst v1  }
0x1ea: {  	s23 =	simm.s32 $0x0;
	s22 =	rddreg [dreg:$0x17]  }
0x1eb: {  	[hbm4b:s22+s23] =	stream.linear.scatter [tilespmem:s15], [sflag:$0x6], $0x4000, $0x38;
	[tilespmem:$0x1C000] =	vst v63  }
0x1ec: {  	s25 =	rddreg [dreg:$0x1c]  }
0x1ed: {  	[tilespmem:s12], [sflag:$0x5] =	stream.linear.gather [hbm4b:s25+s23], $0x4000, $0x38;
	[tilespmem:$0x1C000] =	vst v63  }
0x1ee: {  	_ =	swait.ge [sflag:s14], $0x4000  }
0x1ef: {  	[sflag:s14] =	ssyncset.done $0x0  }
0x1f0: {  	s26 =	simm.s32 $0x0;
	s24 =	sand.u32 $0x1C00, s23;
	[sflag:s14] =	ssyncadd.s32 $0xFFFFC000  }
0x1f1: {  	s22 =	sand.u32 $0x2000, s26;
	s25 =	simm.s32 $0x0;
	_ =	swait.ge [sflag:s19], $0x4000  }
0x1f2: {  	s22 =	sor.u32 s24, s22;
	s28 =	sand.u32 $0x380, s25;
	[sflag:s19] =	ssyncset.done $0x0  }
0x1f3: {  	s22 =	sor.u32 s28, s22;
	[sflag:s19] =	ssyncadd.s32 $0xFFFFC000  }
0x1f4: {  	v0 =	vld [tilespmem:s22+$0x8070]  }
0x1f5: {  	v2 =	vld [tilespmem:s22+$0x70]  }
0x1f6: {  	v3 =	vld [tilespmem:s22+$0x8000]  }
0x1f7: {  	v5 =	vld [tilespmem:s22+$0x0]  }
0x1f8: {  	v6 =	vld [tilespmem:s22+$0x8010]  }
0x1f9: {  	v7 =	vld [tilespmem:s22+$0x10]  }
0x1fa: {  	v1 =	vld [tilespmem:s22+$0x8020]  }
0x1fb: {  	v4 =	vld [tilespmem:s22+$0x20];
	v2 =	vadd.f32 v2, v0  }
0x1fc: {  	v5 =	vadd.f32 v5, v3;
	v0 =	vld [tilespmem:s22+$0x8030]  }
0x1fd: {  	v3 =	vld [tilespmem:s22+$0x30];
	[tilespmem:s22+$0x18070] =	vst v2  }
0x1fe: {  	s24 =	simm.s32 $0x0;
	[tilespmem:s22+$0x18000] =	vst v5;
	v5 =	vadd.f32 v7, v6;
	v2 =	vld [tilespmem:s22+$0x8040]  }
.LBB2_20:
0x1ff: {  	s24 =	sadd.s32 $0x8, s24;
	v6 =	vld [tilespmem:s22+$0x40]  }
0x200: {  	s23 =	sadd.s32 $0x400, s23;
	s25 =	sshll.u32 s24, $0x4;
	p0 =	slt.u32 s24, $0x3F8;
	[tilespmem:s22+$0x18010] =	vst v5;
	v1 =	vadd.f32 v4, v1;
	v4 =	vld [tilespmem:s22+$0x8050]  }
0x201: {  	s26 =	sand.u32 $0x1C00, s23;
	s28 =	sshll.u32 s24, $0x1;
	s25 =	sand.u32 $0x2000, s25;
	v5 =	vld [tilespmem:s22+$0x50]  }
0x202: {  	s25 =	sor.u32 s26, s25;
	s26 =	sand.u32 $0x380, s28;
	[tilespmem:s22+$0x18020] =	vst v1;
	v0 =	vadd.f32 v3, v0;
	v1 =	vld [tilespmem:s22+$0x8060]  }
0x203: {  	s25 =	sor.u32 s26, s25;
	v3 =	vld [tilespmem:s22+$0x60]  }
0x204: {  	v7 =	vld [tilespmem:s25+$0x8070];
	[tilespmem:s22+$0x18030] =	vst v0;
	v0 =	vadd.f32 v6, v2  }
0x205: {  	v2 =	vld [tilespmem:s25+$0x70]  }
0x206: {  	v6 =	vld [tilespmem:s25+$0x8000];
	[tilespmem:s22+$0x18040] =	vst v0;
	v0 =	vadd.f32 v5, v4  }
0x207: {  	v5 =	vld [tilespmem:s25+$0x0]  }
0x208: {  	v8 =	vld [tilespmem:s25+$0x8010];
	[tilespmem:s22+$0x18050] =	vst v0;
	v0 =	vadd.f32 v3, v1  }
0x209: {  	v9 =	vld [tilespmem:s25+$0x10]  }
.Ltmp9:
0x20a: {  	v1 =	vld [tilespmem:s25+$0x8020];
	v2 =	vadd.f32 v2, v7;
	[tilespmem:s22+$0x18060] =	vst v0;
	s22 =	smov.u32 s25;
	(pc) =	sbr.rel @p0 .LBB2_20-.Ltmp9, $4  }
0x20b: {  	v4 =	vld [tilespmem:s22+$0x20]  }
0x20c: {  	v5 =	vadd.f32 v5, v6;
	v0 =	vld [tilespmem:s22+$0x8030];
	[tilespmem:s22+$0x18070] =	vst v2  }
0x20d: {  	v3 =	vld [tilespmem:s22+$0x30]  }
0x20e: {  	[tilespmem:s22+$0x18000] =	vst v5;
	v5 =	vadd.f32 v9, v8;
	v2 =	vld [tilespmem:s22+$0x8040]  }
0x20f: {  	v6 =	vld [tilespmem:s22+$0x40]  }
0x210: {  	v7 =	vld [tilespmem:s22+$0x8050]  }
0x211: {  	v8 =	vld [tilespmem:s22+$0x50]  }
0x212: {  	v9 =	vld [tilespmem:s22+$0x8060]  }
0x213: {  	v10 =	vld [tilespmem:s22+$0x60]  }
0x214: {  	v1 =	vadd.f32 v4, v1  }
0x215: {  	[tilespmem:s22+$0x18010] =	vst v5;
	v0 =	vadd.f32 v3, v0  }
0x216: {  	[tilespmem:s22+$0x18020] =	vst v1;
	v1 =	vadd.f32 v6, v2  }
0x217: {  	[tilespmem:s22+$0x18030] =	vst v0;
	v0 =	vadd.f32 v8, v7  }
0x218: {  	[tilespmem:s22+$0x18040] =	vst v1;
	v1 =	vadd.f32 v10, v9  }
0x219: {  	[tilespmem:s22+$0x18050] =	vst v0  }
0x21a: {  	[tilespmem:s22+$0x18060] =	vst v1  }
0x21b: {  	s23 =	simm.s32 $0x0;
	s22 =	rddreg [dreg:$0x19]  }
0x21c: {  	[hbm4b:s22+s23] =	stream.linear.scatter [tilespmem:s17], [sflag:$0x7], $0x4000, $0x38;
	[tilespmem:$0x1C000] =	vst v63  }
0x21d: {  	_ = 	snop  }
0x21e: {  	[tilespmem:s10], [sflag:$0x3] =	stream.linear.gather [hbm4b:s29+s23], $0x4000, $0x38;
	[tilespmem:$0x1C000] =	vst v63  }
0x21f: {  	_ =	swait.ge [sflag:s16], $0x4000  }
0x220: {  	[sflag:s16] =	ssyncset.done $0x0  }
0x221: {  	s26 =	simm.s32 $0x0;
	s25 =	simm.s32 $0x0;
	[sflag:s16] =	ssyncadd.s32 $0xFFFFC000  }
0x222: {  	s24 =	sand.u32 $0x1C00, s23;
	s22 =	sand.u32 $0x2000, s26;
	_ =	swait.ge [sflag:s9], $0x4000  }
0x223: {  	s28 =	sand.u32 $0x380, s25;
	s22 =	sor.u32 s24, s22;
	[sflag:s9] =	ssyncset.done $0x0  }
0x224: {  	s22 =	sor.u32 s28, s22;
	[sflag:s9] =	ssyncadd.s32 $0xFFFFC000  }
0x225: {  	v0 =	vld [tilespmem:s22+$0xC070]  }
0x226: {  	v2 =	vld [tilespmem:s22+$0x70]  }
0x227: {  	v3 =	vld [tilespmem:s22+$0xC000]  }
0x228: {  	v5 =	vld [tilespmem:s22+$0x0]  }
0x229: {  	v6 =	vld [tilespmem:s22+$0xC010]  }
0x22a: {  	v7 =	vld [tilespmem:s22+$0x10]  }
0x22b: {  	v1 =	vld [tilespmem:s22+$0xC020]  }
0x22c: {  	v4 =	vld [tilespmem:s22+$0x20];
	v2 =	vadd.f32 v2, v0  }
0x22d: {  	v5 =	vadd.f32 v5, v3;
	v0 =	vld [tilespmem:s22+$0xC030]  }
0x22e: {  	v3 =	vld [tilespmem:s22+$0x30];
	[tilespmem:s22+$0x14070] =	vst v2  }
0x22f: {  	s24 =	simm.s32 $0x0;
	[tilespmem:s22+$0x14000] =	vst v5;
	v5 =	vadd.f32 v7, v6;
	v2 =	vld [tilespmem:s22+$0xC040]  }
.LBB2_22:
0x230: {  	s24 =	sadd.s32 $0x8, s24;
	v6 =	vld [tilespmem:s22+$0x40]  }
0x231: {  	s23 =	sadd.s32 $0x400, s23;
	s25 =	sshll.u32 s24, $0x4;
	p0 =	slt.u32 s24, $0x3F8;
	[tilespmem:s22+$0x14010] =	vst v5;
	v1 =	vadd.f32 v4, v1;
	v4 =	vld [tilespmem:s22+$0xC050]  }
0x232: {  	s26 =	sand.u32 $0x1C00, s23;
	s28 =	sshll.u32 s24, $0x1;
	s25 =	sand.u32 $0x2000, s25;
	v5 =	vld [tilespmem:s22+$0x50]  }
0x233: {  	s25 =	sor.u32 s26, s25;
	s26 =	sand.u32 $0x380, s28;
	[tilespmem:s22+$0x14020] =	vst v1;
	v0 =	vadd.f32 v3, v0;
	v1 =	vld [tilespmem:s22+$0xC060]  }
0x234: {  	s25 =	sor.u32 s26, s25;
	v3 =	vld [tilespmem:s22+$0x60]  }
0x235: {  	v7 =	vld [tilespmem:s25+$0xC070];
	[tilespmem:s22+$0x14030] =	vst v0;
	v0 =	vadd.f32 v6, v2  }
0x236: {  	v2 =	vld [tilespmem:s25+$0x70]  }
0x237: {  	v6 =	vld [tilespmem:s25+$0xC000];
	[tilespmem:s22+$0x14040] =	vst v0;
	v0 =	vadd.f32 v5, v4  }
0x238: {  	v5 =	vld [tilespmem:s25+$0x0]  }
0x239: {  	v8 =	vld [tilespmem:s25+$0xC010];
	[tilespmem:s22+$0x14050] =	vst v0;
	v0 =	vadd.f32 v3, v1  }
0x23a: {  	v9 =	vld [tilespmem:s25+$0x10]  }
.Ltmp10:
0x23b: {  	v1 =	vld [tilespmem:s25+$0xC020];
	v2 =	vadd.f32 v2, v7;
	[tilespmem:s22+$0x14060] =	vst v0;
	s22 =	smov.u32 s25;
	(pc) =	sbr.rel @p0 .LBB2_22-.Ltmp10, $4  }
0x23c: {  	v4 =	vld [tilespmem:s22+$0x20]  }
0x23d: {  	v5 =	vadd.f32 v5, v6;
	v0 =	vld [tilespmem:s22+$0xC030];
	[tilespmem:s22+$0x14070] =	vst v2  }
0x23e: {  	v3 =	vld [tilespmem:s22+$0x30]  }
0x23f: {  	[tilespmem:s22+$0x14000] =	vst v5;
	v5 =	vadd.f32 v9, v8;
	v2 =	vld [tilespmem:s22+$0xC040]  }
0x240: {  	v6 =	vld [tilespmem:s22+$0x40]  }
0x241: {  	v7 =	vld [tilespmem:s22+$0xC050]  }
0x242: {  	v8 =	vld [tilespmem:s22+$0x50]  }
0x243: {  	v9 =	vld [tilespmem:s22+$0xC060]  }
0x244: {  	v10 =	vld [tilespmem:s22+$0x60]  }
0x245: {  	v1 =	vadd.f32 v4, v1  }
0x246: {  	[tilespmem:s22+$0x14010] =	vst v5;
	v0 =	vadd.f32 v3, v0  }
0x247: {  	[tilespmem:s22+$0x14020] =	vst v1;
	v1 =	vadd.f32 v6, v2  }
0x248: {  	[tilespmem:s22+$0x14030] =	vst v0;
	v0 =	vadd.f32 v8, v7  }
0x249: {  	[tilespmem:s22+$0x14040] =	vst v1;
	v1 =	vadd.f32 v10, v9  }
0x24a: {  	[tilespmem:s22+$0x14050] =	vst v0  }
0x24b: {  	[tilespmem:s22+$0x14060] =	vst v1  }
0x24c: {  	s23 =	simm.s32 $0x0;
	s22 =	rddreg [dreg:$0x1b]  }
0x24d: {  	[hbm4b:s22+s23] =	stream.linear.scatter [tilespmem:s15], [sflag:$0x6], $0x4000, $0x38;
	[tilespmem:$0x1C000] =	vst v63  }
0x24e: {  	_ = 	snop  }
0x24f: {  	[tilespmem:s11], [sflag:$0x4] =	stream.linear.gather [hbm4b:s2+s23], $0x4000, $0x38;
	[tilespmem:$0x1C000] =	vst v63  }
0x250: {  	_ =	swait.ge [sflag:s18], $0x4000  }
0x251: {  	[sflag:s18] =	ssyncset.done $0x0  }
0x252: {  	s26 =	simm.s32 $0x0;
	s25 =	simm.s32 $0x0;
	[sflag:s18] =	ssyncadd.s32 $0xFFFFC000  }
0x253: {  	s24 =	sand.u32 $0x1C00, s23;
	s22 =	sand.u32 $0x2000, s26;
	_ =	swait.ge [sflag:s19], $0x4000  }
0x254: {  	s28 =	sand.u32 $0x380, s25;
	s22 =	sor.u32 s24, s22;
	[sflag:s19] =	ssyncset.done $0x0  }
0x255: {  	s22 =	sor.u32 s28, s22;
	[sflag:s19] =	ssyncadd.s32 $0xFFFFC000  }
0x256: {  	v0 =	vld [tilespmem:s22+$0x10070]  }
0x257: {  	v2 =	vld [tilespmem:s22+$0x70]  }
0x258: {  	v3 =	vld [tilespmem:s22+$0x10000]  }
0x259: {  	v5 =	vld [tilespmem:s22+$0x0]  }
0x25a: {  	v6 =	vld [tilespmem:s22+$0x10010]  }
0x25b: {  	v7 =	vld [tilespmem:s22+$0x10]  }
0x25c: {  	v1 =	vld [tilespmem:s22+$0x10020]  }
0x25d: {  	v4 =	vld [tilespmem:s22+$0x20];
	v2 =	vadd.f32 v2, v0  }
0x25e: {  	v5 =	vadd.f32 v5, v3;
	v0 =	vld [tilespmem:s22+$0x10030]  }
0x25f: {  	v3 =	vld [tilespmem:s22+$0x30];
	[tilespmem:s22+$0x18070] =	vst v2  }
0x260: {  	s24 =	simm.s32 $0x0;
	[tilespmem:s22+$0x18000] =	vst v5;
	v5 =	vadd.f32 v7, v6;
	v2 =	vld [tilespmem:s22+$0x10040]  }
.LBB2_24:
0x261: {  	s24 =	sadd.s32 $0x8, s24;
	v6 =	vld [tilespmem:s22+$0x40]  }
0x262: {  	s23 =	sadd.s32 $0x400, s23;
	s25 =	sshll.u32 s24, $0x4;
	p0 =	slt.u32 s24, $0x3F8;
	[tilespmem:s22+$0x18010] =	vst v5;
	v1 =	vadd.f32 v4, v1;
	v4 =	vld [tilespmem:s22+$0x10050]  }
0x263: {  	s26 =	sand.u32 $0x1C00, s23;
	s28 =	sshll.u32 s24, $0x1;
	s25 =	sand.u32 $0x2000, s25;
	v5 =	vld [tilespmem:s22+$0x50]  }
0x264: {  	s25 =	sor.u32 s26, s25;
	s26 =	sand.u32 $0x380, s28;
	[tilespmem:s22+$0x18020] =	vst v1;
	v0 =	vadd.f32 v3, v0;
	v1 =	vld [tilespmem:s22+$0x10060]  }
0x265: {  	s25 =	sor.u32 s26, s25;
	v3 =	vld [tilespmem:s22+$0x60]  }
0x266: {  	v7 =	vld [tilespmem:s25+$0x10070];
	[tilespmem:s22+$0x18030] =	vst v0;
	v0 =	vadd.f32 v6, v2  }
0x267: {  	v2 =	vld [tilespmem:s25+$0x70]  }
0x268: {  	v6 =	vld [tilespmem:s25+$0x10000];
	[tilespmem:s22+$0x18040] =	vst v0;
	v0 =	vadd.f32 v5, v4  }
0x269: {  	v5 =	vld [tilespmem:s25+$0x0]  }
0x26a: {  	v8 =	vld [tilespmem:s25+$0x10010];
	[tilespmem:s22+$0x18050] =	vst v0;
	v0 =	vadd.f32 v3, v1  }
0x26b: {  	v9 =	vld [tilespmem:s25+$0x10]  }
.Ltmp11:
0x26c: {  	v1 =	vld [tilespmem:s25+$0x10020];
	v2 =	vadd.f32 v2, v7;
	[tilespmem:s22+$0x18060] =	vst v0;
	s22 =	smov.u32 s25;
	(pc) =	sbr.rel @p0 .LBB2_24-.Ltmp11, $4  }
0x26d: {  	v4 =	vld [tilespmem:s22+$0x20]  }
0x26e: {  	v5 =	vadd.f32 v5, v6;
	v0 =	vld [tilespmem:s22+$0x10030];
	[tilespmem:s22+$0x18070] =	vst v2  }
0x26f: {  	v3 =	vld [tilespmem:s22+$0x30]  }
0x270: {  	[tilespmem:s22+$0x18000] =	vst v5;
	v5 =	vadd.f32 v9, v8;
	v2 =	vld [tilespmem:s22+$0x10040]  }
0x271: {  	v6 =	vld [tilespmem:s22+$0x40]  }
0x272: {  	v7 =	vld [tilespmem:s22+$0x10050]  }
0x273: {  	v8 =	vld [tilespmem:s22+$0x50]  }
0x274: {  	v9 =	vld [tilespmem:s22+$0x10060]  }
0x275: {  	v10 =	vld [tilespmem:s22+$0x60]  }
0x276: {  	v1 =	vadd.f32 v4, v1  }
0x277: {  	[tilespmem:s22+$0x18010] =	vst v5;
	v0 =	vadd.f32 v3, v0  }
0x278: {  	[tilespmem:s22+$0x18020] =	vst v1;
	v1 =	vadd.f32 v6, v2  }
0x279: {  	[tilespmem:s22+$0x18030] =	vst v0;
	v0 =	vadd.f32 v8, v7  }
0x27a: {  	[tilespmem:s22+$0x18040] =	vst v1;
	v1 =	vadd.f32 v10, v9  }
0x27b: {  	[tilespmem:s22+$0x18050] =	vst v0  }
0x27c: {  	[tilespmem:s22+$0x18060] =	vst v1  }
0x27d: {  	s22 =	simm.s32 $0x0;
	s23 =	rddreg [dreg:$0x1d]  }
0x27e: {  	[hbm4b:s23+s22] =	stream.linear.scatter [tilespmem:s17], [sflag:$0x7], $0x4000, $0x38;
	[tilespmem:$0x1C000] =	vst v63  }
0x27f: {  	_ = 	snop  }
0x280: {  	[tilespmem:s12], [sflag:$0x5] =	stream.linear.gather [hbm4b:s3+s22], $0x4000, $0x38;
	[tilespmem:$0x1C000] =	vst v63  }
0x281: {  	_ =	swait.ge [sflag:s20], $0x4000  }
0x282: {  	[sflag:s20] =	ssyncset.done $0x0  }
0x283: {  	[sflag:s20] =	ssyncadd.s32 $0xFFFFC000  }
0x284: {  	_ =	swait.ge [sflag:s14], $0x4000  }
0x285: {  	[sflag:s14] =	ssyncset.done $0x0  }
0x286: {  	s26 =	simm.s32 $0x0;
	s25 =	simm.s32 $0x0;
	[sflag:s14] =	ssyncadd.s32 $0xFFFFC000  }
0x287: {  	s24 =	sand.u32 $0x1C00, s22;
	s23 =	sand.u32 $0x2000, s26;
	_ =	swait.ge [sflag:s9], $0x4000  }
0x288: {  	s28 =	sand.u32 $0x380, s25;
	s23 =	sor.u32 s24, s23;
	[sflag:s9] =	ssyncset.done $0x0  }
0x289: {  	s23 =	sor.u32 s28, s23;
	[sflag:s9] =	ssyncadd.s32 $0xFFFFC000  }
0x28a: {  	v0 =	vld [tilespmem:s23+$0x8070]  }
0x28b: {  	v2 =	vld [tilespmem:s23+$0x4070]  }
0x28c: {  	v3 =	vld [tilespmem:s23+$0x8000]  }
0x28d: {  	v5 =	vld [tilespmem:s23+$0x4000]  }
0x28e: {  	v6 =	vld [tilespmem:s23+$0x8010]  }
0x28f: {  	v7 =	vld [tilespmem:s23+$0x4010]  }
0x290: {  	v1 =	vld [tilespmem:s23+$0x8020]  }
0x291: {  	v4 =	vld [tilespmem:s23+$0x4020];
	v2 =	vadd.f32 v2, v0  }
0x292: {  	v5 =	vadd.f32 v5, v3;
	v0 =	vld [tilespmem:s23+$0x8030]  }
0x293: {  	v3 =	vld [tilespmem:s23+$0x4030];
	[tilespmem:s23+$0x14070] =	vst v2  }
0x294: {  	s24 =	simm.s32 $0x0;
	[tilespmem:s23+$0x14000] =	vst v5;
	v5 =	vadd.f32 v7, v6;
	v2 =	vld [tilespmem:s23+$0x8040]  }
.LBB2_26:
0x295: {  	s24 =	sadd.s32 $0x8, s24;
	v6 =	vld [tilespmem:s23+$0x4040]  }
0x296: {  	s22 =	sadd.s32 $0x400, s22;
	s25 =	sshll.u32 s24, $0x4;
	p0 =	slt.u32 s24, $0x3F8;
	[tilespmem:s23+$0x14010] =	vst v5;
	v1 =	vadd.f32 v4, v1;
	v4 =	vld [tilespmem:s23+$0x8050]  }
0x297: {  	s26 =	sand.u32 $0x1C00, s22;
	s28 =	sshll.u32 s24, $0x1;
	s25 =	sand.u32 $0x2000, s25;
	v5 =	vld [tilespmem:s23+$0x4050]  }
0x298: {  	s25 =	sor.u32 s26, s25;
	s26 =	sand.u32 $0x380, s28;
	[tilespmem:s23+$0x14020] =	vst v1;
	v0 =	vadd.f32 v3, v0;
	v1 =	vld [tilespmem:s23+$0x8060]  }
0x299: {  	s25 =	sor.u32 s26, s25;
	v3 =	vld [tilespmem:s23+$0x4060]  }
0x29a: {  	v7 =	vld [tilespmem:s25+$0x8070];
	[tilespmem:s23+$0x14030] =	vst v0;
	v0 =	vadd.f32 v6, v2  }
0x29b: {  	v2 =	vld [tilespmem:s25+$0x4070]  }
0x29c: {  	v6 =	vld [tilespmem:s25+$0x8000];
	[tilespmem:s23+$0x14040] =	vst v0;
	v0 =	vadd.f32 v5, v4  }
0x29d: {  	v5 =	vld [tilespmem:s25+$0x4000]  }
0x29e: {  	v8 =	vld [tilespmem:s25+$0x8010];
	[tilespmem:s23+$0x14050] =	vst v0;
	v0 =	vadd.f32 v3, v1  }
0x29f: {  	v9 =	vld [tilespmem:s25+$0x4010]  }
.Ltmp12:
0x2a0: {  	v1 =	vld [tilespmem:s25+$0x8020];
	v2 =	vadd.f32 v2, v7;
	[tilespmem:s23+$0x14060] =	vst v0;
	s23 =	smov.u32 s25;
	(pc) =	sbr.rel @p0 .LBB2_26-.Ltmp12, $4  }
0x2a1: {  	v4 =	vld [tilespmem:s23+$0x4020]  }
0x2a2: {  	v5 =	vadd.f32 v5, v6;
	v0 =	vld [tilespmem:s23+$0x8030];
	[tilespmem:s23+$0x14070] =	vst v2  }
0x2a3: {  	v3 =	vld [tilespmem:s23+$0x4030]  }
0x2a4: {  	[tilespmem:s23+$0x14000] =	vst v5;
	v5 =	vadd.f32 v9, v8;
	v2 =	vld [tilespmem:s23+$0x8040]  }
0x2a5: {  	v6 =	vld [tilespmem:s23+$0x4040]  }
0x2a6: {  	v7 =	vld [tilespmem:s23+$0x8050]  }
0x2a7: {  	v8 =	vld [tilespmem:s23+$0x4050]  }
0x2a8: {  	v9 =	vld [tilespmem:s23+$0x8060]  }
0x2a9: {  	v10 =	vld [tilespmem:s23+$0x4060]  }
0x2aa: {  	v1 =	vadd.f32 v4, v1  }
0x2ab: {  	[tilespmem:s23+$0x14010] =	vst v5;
	v0 =	vadd.f32 v3, v0  }
0x2ac: {  	[tilespmem:s23+$0x14020] =	vst v1;
	v1 =	vadd.f32 v6, v2  }
0x2ad: {  	[tilespmem:s23+$0x14030] =	vst v0;
	v0 =	vadd.f32 v8, v7  }
0x2ae: {  	[tilespmem:s23+$0x14040] =	vst v1;
	v1 =	vadd.f32 v10, v9  }
0x2af: {  	[tilespmem:s23+$0x14050] =	vst v0  }
0x2b0: {  	[tilespmem:s23+$0x14060] =	vst v1;
	s23 =	simm.s32 $0x0  }
0x2b1: {  	[hbm4b:s30+s23] =	stream.linear.scatter [tilespmem:s15], [sflag:$0x6], $0x4000, $0x38;
	[tilespmem:$0x1C000] =	vst v63  }
0x2b2: {  	_ = 	snop  }
0x2b3: {  	[tilespmem:s10], [sflag:$0x3] =	stream.linear.gather [hbm4b:s4+s23], $0x4000, $0x38;
	[tilespmem:$0x1C000] =	vst v63  }
0x2b4: {  	_ =	swait.ge [sflag:s16], $0x4000  }
0x2b5: {  	[sflag:s16] =	ssyncset.done $0x0  }
0x2b6: {  	s22 =	simm.s32 $0x0;
	s25 =	simm.s32 $0x0;
	[sflag:s16] =	ssyncadd.s32 $0xFFFFC000  }
0x2b7: {  	s22 =	sand.u32 $0x2000, s22;
	s24 =	sand.u32 $0x1C00, s23;
	_ =	swait.ge [sflag:s19], $0x4000  }
0x2b8: {  	s28 =	sand.u32 $0x380, s25;
	s22 =	sor.u32 s24, s22;
	[sflag:s19] =	ssyncset.done $0x0  }
0x2b9: {  	s22 =	sor.u32 s28, s22;
	[sflag:s19] =	ssyncadd.s32 $0xFFFFC000  }
0x2ba: {  	v0 =	vld [tilespmem:s22+$0xC070]  }
0x2bb: {  	v2 =	vld [tilespmem:s22+$0x4070]  }
0x2bc: {  	v3 =	vld [tilespmem:s22+$0xC000]  }
0x2bd: {  	v5 =	vld [tilespmem:s22+$0x4000]  }
0x2be: {  	v6 =	vld [tilespmem:s22+$0xC010]  }
0x2bf: {  	v7 =	vld [tilespmem:s22+$0x4010]  }
0x2c0: {  	v1 =	vld [tilespmem:s22+$0xC020]  }
0x2c1: {  	v4 =	vld [tilespmem:s22+$0x4020];
	v2 =	vadd.f32 v2, v0  }
0x2c2: {  	v5 =	vadd.f32 v5, v3;
	v0 =	vld [tilespmem:s22+$0xC030]  }
0x2c3: {  	v3 =	vld [tilespmem:s22+$0x4030];
	[tilespmem:s22+$0x18070] =	vst v2  }
0x2c4: {  	s24 =	simm.s32 $0x0;
	[tilespmem:s22+$0x18000] =	vst v5;
	v5 =	vadd.f32 v7, v6;
	v2 =	vld [tilespmem:s22+$0xC040]  }
.LBB2_28:
0x2c5: {  	s24 =	sadd.s32 $0x8, s24;
	v6 =	vld [tilespmem:s22+$0x4040]  }
0x2c6: {  	s23 =	sadd.s32 $0x400, s23;
	s25 =	sshll.u32 s24, $0x4;
	p0 =	slt.u32 s24, $0x3F8;
	[tilespmem:s22+$0x18010] =	vst v5;
	v1 =	vadd.f32 v4, v1;
	v4 =	vld [tilespmem:s22+$0xC050]  }
0x2c7: {  	s26 =	sand.u32 $0x1C00, s23;
	s28 =	sshll.u32 s24, $0x1;
	s25 =	sand.u32 $0x2000, s25;
	v5 =	vld [tilespmem:s22+$0x4050]  }
0x2c8: {  	s25 =	sor.u32 s26, s25;
	s26 =	sand.u32 $0x380, s28;
	[tilespmem:s22+$0x18020] =	vst v1;
	v0 =	vadd.f32 v3, v0;
	v1 =	vld [tilespmem:s22+$0xC060]  }
0x2c9: {  	s25 =	sor.u32 s26, s25;
	v3 =	vld [tilespmem:s22+$0x4060]  }
0x2ca: {  	v7 =	vld [tilespmem:s25+$0xC070];
	[tilespmem:s22+$0x18030] =	vst v0;
	v0 =	vadd.f32 v6, v2  }
0x2cb: {  	v2 =	vld [tilespmem:s25+$0x4070]  }
0x2cc: {  	v6 =	vld [tilespmem:s25+$0xC000];
	[tilespmem:s22+$0x18040] =	vst v0;
	v0 =	vadd.f32 v5, v4  }
0x2cd: {  	v5 =	vld [tilespmem:s25+$0x4000]  }
0x2ce: {  	v8 =	vld [tilespmem:s25+$0xC010];
	[tilespmem:s22+$0x18050] =	vst v0;
	v0 =	vadd.f32 v3, v1  }
0x2cf: {  	v9 =	vld [tilespmem:s25+$0x4010]  }
.Ltmp13:
0x2d0: {  	v1 =	vld [tilespmem:s25+$0xC020];
	v2 =	vadd.f32 v2, v7;
	[tilespmem:s22+$0x18060] =	vst v0;
	s22 =	smov.u32 s25;
	(pc) =	sbr.rel @p0 .LBB2_28-.Ltmp13, $4  }
0x2d1: {  	v4 =	vld [tilespmem:s22+$0x4020]  }
0x2d2: {  	v5 =	vadd.f32 v5, v6;
	v0 =	vld [tilespmem:s22+$0xC030];
	[tilespmem:s22+$0x18070] =	vst v2  }
0x2d3: {  	v3 =	vld [tilespmem:s22+$0x4030]  }
0x2d4: {  	[tilespmem:s22+$0x18000] =	vst v5;
	v5 =	vadd.f32 v9, v8;
	v2 =	vld [tilespmem:s22+$0xC040]  }
0x2d5: {  	v6 =	vld [tilespmem:s22+$0x4040]  }
0x2d6: {  	v7 =	vld [tilespmem:s22+$0xC050]  }
0x2d7: {  	v8 =	vld [tilespmem:s22+$0x4050]  }
0x2d8: {  	v9 =	vld [tilespmem:s22+$0xC060]  }
0x2d9: {  	v10 =	vld [tilespmem:s22+$0x4060]  }
0x2da: {  	v1 =	vadd.f32 v4, v1  }
0x2db: {  	[tilespmem:s22+$0x18010] =	vst v5;
	v0 =	vadd.f32 v3, v0  }
0x2dc: {  	[tilespmem:s22+$0x18020] =	vst v1;
	v1 =	vadd.f32 v6, v2  }
0x2dd: {  	[tilespmem:s22+$0x18030] =	vst v0;
	v0 =	vadd.f32 v8, v7  }
0x2de: {  	[tilespmem:s22+$0x18040] =	vst v1;
	v1 =	vadd.f32 v10, v9  }
0x2df: {  	[tilespmem:s22+$0x18050] =	vst v0  }
0x2e0: {  	s23 =	simm.s32 $0x0;
	[tilespmem:s22+$0x18060] =	vst v1  }
0x2e1: {  	[hbm4b:s5+s23] =	stream.linear.scatter [tilespmem:s17], [sflag:$0x7], $0x4000, $0x38;
	[tilespmem:$0x1C000] =	vst v63  }
0x2e2: {  	_ =	swait.ge [sflag:s18], $0x4000  }
0x2e3: {  	[sflag:s18] =	ssyncset.done $0x0  }
0x2e4: {  	s26 =	simm.s32 $0x0;
	s25 =	simm.s32 $0x0;
	[sflag:s18] =	ssyncadd.s32 $0xFFFFC000  }
0x2e5: {  	s24 =	sand.u32 $0x1C00, s23;
	s22 =	sand.u32 $0x2000, s26;
	_ =	swait.ge [sflag:s9], $0x4000  }
0x2e6: {  	s28 =	sand.u32 $0x380, s25;
	s22 =	sor.u32 s24, s22;
	[sflag:s9] =	ssyncset.done $0x0  }
0x2e7: {  	s22 =	sor.u32 s28, s22;
	[sflag:s9] =	ssyncadd.s32 $0xFFFFC000  }
0x2e8: {  	v0 =	vld [tilespmem:s22+$0x10070]  }
0x2e9: {  	v2 =	vld [tilespmem:s22+$0x4070]  }
0x2ea: {  	v3 =	vld [tilespmem:s22+$0x10000]  }
0x2eb: {  	v5 =	vld [tilespmem:s22+$0x4000]  }
0x2ec: {  	v6 =	vld [tilespmem:s22+$0x10010]  }
0x2ed: {  	v7 =	vld [tilespmem:s22+$0x4010]  }
0x2ee: {  	v1 =	vld [tilespmem:s22+$0x10020]  }
0x2ef: {  	v4 =	vld [tilespmem:s22+$0x4020];
	v2 =	vadd.f32 v2, v0  }
0x2f0: {  	v5 =	vadd.f32 v5, v3;
	v0 =	vld [tilespmem:s22+$0x10030]  }
0x2f1: {  	v3 =	vld [tilespmem:s22+$0x4030];
	[tilespmem:s22+$0x14070] =	vst v2  }
0x2f2: {  	s24 =	simm.s32 $0x0;
	[tilespmem:s22+$0x14000] =	vst v5;
	v5 =	vadd.f32 v7, v6;
	v2 =	vld [tilespmem:s22+$0x10040]  }
.LBB2_30:
0x2f3: {  	s24 =	sadd.s32 $0x8, s24;
	v6 =	vld [tilespmem:s22+$0x4040]  }
0x2f4: {  	s23 =	sadd.s32 $0x400, s23;
	s25 =	sshll.u32 s24, $0x4;
	p0 =	slt.u32 s24, $0x3F8;
	[tilespmem:s22+$0x14010] =	vst v5;
	v1 =	vadd.f32 v4, v1;
	v4 =	vld [tilespmem:s22+$0x10050]  }
0x2f5: {  	s26 =	sand.u32 $0x1C00, s23;
	s28 =	sshll.u32 s24, $0x1;
	s25 =	sand.u32 $0x2000, s25;
	v5 =	vld [tilespmem:s22+$0x4050]  }
0x2f6: {  	s25 =	sor.u32 s26, s25;
	s26 =	sand.u32 $0x380, s28;
	[tilespmem:s22+$0x14020] =	vst v1;
	v0 =	vadd.f32 v3, v0;
	v1 =	vld [tilespmem:s22+$0x10060]  }
0x2f7: {  	s25 =	sor.u32 s26, s25;
	v3 =	vld [tilespmem:s22+$0x4060]  }
0x2f8: {  	v7 =	vld [tilespmem:s25+$0x10070];
	[tilespmem:s22+$0x14030] =	vst v0;
	v0 =	vadd.f32 v6, v2  }
0x2f9: {  	v2 =	vld [tilespmem:s25+$0x4070]  }
0x2fa: {  	v6 =	vld [tilespmem:s25+$0x10000];
	[tilespmem:s22+$0x14040] =	vst v0;
	v0 =	vadd.f32 v5, v4  }
0x2fb: {  	v5 =	vld [tilespmem:s25+$0x4000]  }
0x2fc: {  	v8 =	vld [tilespmem:s25+$0x10010];
	[tilespmem:s22+$0x14050] =	vst v0;
	v0 =	vadd.f32 v3, v1  }
0x2fd: {  	v9 =	vld [tilespmem:s25+$0x4010]  }
.Ltmp14:
0x2fe: {  	v1 =	vld [tilespmem:s25+$0x10020];
	v2 =	vadd.f32 v2, v7;
	[tilespmem:s22+$0x14060] =	vst v0;
	s22 =	smov.u32 s25;
	(pc) =	sbr.rel @p0 .LBB2_30-.Ltmp14, $4  }
0x2ff: {  	v4 =	vld [tilespmem:s22+$0x4020]  }
0x300: {  	v5 =	vadd.f32 v5, v6;
	v0 =	vld [tilespmem:s22+$0x10030];
	[tilespmem:s22+$0x14070] =	vst v2  }
0x301: {  	v3 =	vld [tilespmem:s22+$0x4030]  }
0x302: {  	[tilespmem:s22+$0x14000] =	vst v5;
	v5 =	vadd.f32 v9, v8;
	v2 =	vld [tilespmem:s22+$0x10040]  }
0x303: {  	v6 =	vld [tilespmem:s22+$0x4040]  }
0x304: {  	v7 =	vld [tilespmem:s22+$0x10050]  }
0x305: {  	v8 =	vld [tilespmem:s22+$0x4050]  }
0x306: {  	v9 =	vld [tilespmem:s22+$0x10060]  }
0x307: {  	v10 =	vld [tilespmem:s22+$0x4060]  }
0x308: {  	v1 =	vadd.f32 v4, v1  }
0x309: {  	[tilespmem:s22+$0x14010] =	vst v5;
	v0 =	vadd.f32 v3, v0  }
0x30a: {  	[tilespmem:s22+$0x14020] =	vst v1;
	v1 =	vadd.f32 v6, v2  }
0x30b: {  	[tilespmem:s22+$0x14030] =	vst v0;
	v0 =	vadd.f32 v8, v7  }
0x30c: {  	[tilespmem:s22+$0x14040] =	vst v1;
	v1 =	vadd.f32 v10, v9  }
0x30d: {  	[tilespmem:s22+$0x14050] =	vst v0  }
0x30e: {  	s23 =	simm.s32 $0x0;
	[tilespmem:s22+$0x14060] =	vst v1  }
0x30f: {  	[hbm4b:s6+s23] =	stream.linear.scatter [tilespmem:s15], [sflag:$0x6], $0x4000, $0x38;
	[tilespmem:$0x1C000] =	vst v63  }
0x310: {  	_ =	swait.ge [sflag:s14], $0x4000  }
0x311: {  	[sflag:s14] =	ssyncset.done $0x0  }
0x312: {  	s26 =	simm.s32 $0x0;
	s25 =	simm.s32 $0x0;
	[sflag:s14] =	ssyncadd.s32 $0xFFFFC000  }
0x313: {  	s24 =	sand.u32 $0x1C00, s23;
	s22 =	sand.u32 $0x2000, s26;
	_ =	swait.ge [sflag:s19], $0x4000  }
0x314: {  	s28 =	sand.u32 $0x380, s25;
	s22 =	sor.u32 s24, s22;
	[sflag:s19] =	ssyncset.done $0x0  }
0x315: {  	s22 =	sor.u32 s28, s22;
	[sflag:s19] =	ssyncadd.s32 $0xFFFFC000  }
0x316: {  	v0 =	vld [tilespmem:s22+$0x8070]  }
0x317: {  	v2 =	vld [tilespmem:s22+$0x4070]  }
0x318: {  	v3 =	vld [tilespmem:s22+$0x8000]  }
0x319: {  	v5 =	vld [tilespmem:s22+$0x4000]  }
0x31a: {  	v6 =	vld [tilespmem:s22+$0x8010]  }
0x31b: {  	v7 =	vld [tilespmem:s22+$0x4010]  }
0x31c: {  	v1 =	vld [tilespmem:s22+$0x8020]  }
0x31d: {  	v4 =	vld [tilespmem:s22+$0x4020];
	v2 =	vadd.f32 v2, v0  }
0x31e: {  	v5 =	vadd.f32 v5, v3;
	v0 =	vld [tilespmem:s22+$0x8030]  }
0x31f: {  	v3 =	vld [tilespmem:s22+$0x4030];
	[tilespmem:s22+$0x18070] =	vst v2  }
0x320: {  	s24 =	simm.s32 $0x0;
	[tilespmem:s22+$0x18000] =	vst v5;
	v5 =	vadd.f32 v7, v6;
	v2 =	vld [tilespmem:s22+$0x8040]  }
.LBB2_32:
0x321: {  	s24 =	sadd.s32 $0x8, s24;
	v6 =	vld [tilespmem:s22+$0x4040]  }
0x322: {  	s23 =	sadd.s32 $0x400, s23;
	s25 =	sshll.u32 s24, $0x4;
	p0 =	slt.u32 s24, $0x3F8;
	[tilespmem:s22+$0x18010] =	vst v5;
	v1 =	vadd.f32 v4, v1;
	v4 =	vld [tilespmem:s22+$0x8050]  }
0x323: {  	s26 =	sand.u32 $0x1C00, s23;
	s28 =	sshll.u32 s24, $0x1;
	s25 =	sand.u32 $0x2000, s25;
	v5 =	vld [tilespmem:s22+$0x4050]  }
0x324: {  	s25 =	sor.u32 s26, s25;
	s26 =	sand.u32 $0x380, s28;
	[tilespmem:s22+$0x18020] =	vst v1;
	v0 =	vadd.f32 v3, v0;
	v1 =	vld [tilespmem:s22+$0x8060]  }
0x325: {  	s25 =	sor.u32 s26, s25;
	v3 =	vld [tilespmem:s22+$0x4060]  }
0x326: {  	v7 =	vld [tilespmem:s25+$0x8070];
	[tilespmem:s22+$0x18030] =	vst v0;
	v0 =	vadd.f32 v6, v2  }
0x327: {  	v2 =	vld [tilespmem:s25+$0x4070]  }
0x328: {  	v6 =	vld [tilespmem:s25+$0x8000];
	[tilespmem:s22+$0x18040] =	vst v0;
	v0 =	vadd.f32 v5, v4  }
0x329: {  	v5 =	vld [tilespmem:s25+$0x4000]  }
0x32a: {  	v8 =	vld [tilespmem:s25+$0x8010];
	[tilespmem:s22+$0x18050] =	vst v0;
	v0 =	vadd.f32 v3, v1  }
0x32b: {  	v9 =	vld [tilespmem:s25+$0x4010]  }
.Ltmp15:
0x32c: {  	v1 =	vld [tilespmem:s25+$0x8020];
	v2 =	vadd.f32 v2, v7;
	[tilespmem:s22+$0x18060] =	vst v0;
	s22 =	smov.u32 s25;
	(pc) =	sbr.rel @p0 .LBB2_32-.Ltmp15, $4  }
0x32d: {  	v4 =	vld [tilespmem:s22+$0x4020]  }
0x32e: {  	v5 =	vadd.f32 v5, v6;
	v0 =	vld [tilespmem:s22+$0x8030];
	[tilespmem:s22+$0x18070] =	vst v2  }
0x32f: {  	v3 =	vld [tilespmem:s22+$0x4030]  }
0x330: {  	[tilespmem:s22+$0x18000] =	vst v5;
	v5 =	vadd.f32 v9, v8;
	v2 =	vld [tilespmem:s22+$0x8040]  }
0x331: {  	v6 =	vld [tilespmem:s22+$0x4040]  }
0x332: {  	v7 =	vld [tilespmem:s22+$0x8050]  }
0x333: {  	v8 =	vld [tilespmem:s22+$0x4050]  }
0x334: {  	v9 =	vld [tilespmem:s22+$0x8060]  }
0x335: {  	v10 =	vld [tilespmem:s22+$0x4060]  }
0x336: {  	v1 =	vadd.f32 v4, v1  }
0x337: {  	[tilespmem:s22+$0x18010] =	vst v5;
	v0 =	vadd.f32 v3, v0  }
0x338: {  	[tilespmem:s22+$0x18020] =	vst v1;
	v61 =	vadd.f32 v6, v2  }
0x339: {  	[tilespmem:s22+$0x18030] =	vst v0;
	v62 =	vadd.f32 v8, v7  }
0x33a: {  	v63 =	vadd.f32 v10, v9;
	[tilespmem:s22+$0x18040] =	vst v61  }
0x33b: {  	[tilespmem:s22+$0x18050] =	vst v62  }
0x33c: {  	s21 =	sadd.s32 $0x1, s21;
	[tilespmem:s22+$0x18060] =	vst v63  }
0x33d: {  	[hbm4b:s7+s1] =	stream.linear.scatter [tilespmem:s17], [sflag:$0x7], $0x4000, $0x38;
	[tilespmem:$0x1C000] =	vst v63  }
0x33e: {  	p0 =	sne.s32 s21, s8;
	_ =	swait.ge [sflag:s9], $0x4000  }
.Ltmp16:
0x33f: {  	[sflag:s9] =	ssyncset.done $0x0;
	(pc) =	sbr.rel @p0 .LBB2_1-.Ltmp16, $4  }
0x340: {  	[sflag:s9] =	ssyncadd.s32 $0xFFFFC000  }
0x341: {  	_ =	swait.ge [sflag:s19], $0x4000  }
0x342: {  	[sflag:s19] =	ssyncset.done $0x0  }
0x343: {  	[sflag:s19] =	ssyncadd.s32 $0xFFFFC000  }
0x344: {  	_ =	sfence.sel $0x180000  }
0x345: {  	[bflag:$0x0] =	sbarrier.arrive $0xFFFF  }
0x346: {  	_ =	strace $0x90000047  }
0x347: {  	s0 =	stileid.u32;
	[bflag:$0x2] =	sbarrier.arrive $0xFFFF  }
0x348: {  	p0 =	sne.s32 s0, $0x0;
	s0 =	rddreg [dreg:$0x3]  }
0x349: {  	s0 =	sadd.s32 @!p0 $0x100000, s0  }
0x34a: {  	[sflag:s0] =	ssyncadd.tile.s32 @!p0 $0x1;
	_ =	shalt  }
.Lfunc_end2:
_tile_overlayer_lowered:
.L_overlay_start_2:
0x34b: {  	(tag) =	ssettag $0x2  }
0x34c: {  	s0 =	rddreg [dreg:$0x0];
	s2 =	stileid.u32  }
0x34d: {  	s1 =	rddreg [dreg:$0x1];
	p0 =	sne.s32 s2, $0x0  }
0x34e: {  	s3 =	rddreg [dreg:$0x2];
	[bflag:$0x3] =	sbarrier.arrive $0xFFFF;
	s2 =	simm.s32 @!p0 $0x1C08  }
0x34f: {  	[timem:s3], [sflag:s2] =	dma.local @!p0 [hbm:s0], s1  }
0x350: {  	s0 =	simm.s32 @!p0 $0x8  }
0x351: {  	_ =	swait.ge @!p0 [sflag:s0], s1  }
0x352: {  	s1 =	ssub.s32 @!p0 $0x0, s1;
	[sflag:s0] =	ssyncset.done @!p0 $0x0  }
0x353: {  	[sflag:s0] =	ssyncadd.s32 @!p0 s1  }
0x354: {  	[bflag:$0x3] =	sbarrier.arrive $0xFFFF  }
0x355: {  	_ =	shalt  }

</sc_bundles>
